<compile_context>
chip_gen: v7x
topology: tpu7x:2x2x1
jax: 0.10.2.dev20260603
libtpu: 0.0.44.dev20260713+nightly
codegen_flags: <defaults>
</compile_context>

<pallas_src>
import functools

import numpy as np

import jax
import jax.numpy as jnp
from jax import lax
from jax.experimental import pallas as pl
from jax.experimental.pallas import tpu as pltpu
from jax.experimental.pallas import tpu_sc as plsc

NN = 10000
EE = 320000
DD = 128
HH = 128
LL = 64
BB = 64
MM = 100
TRI = MM * (MM - 1) // 2
TRIP = 4992

NP_ = 10240
RPT = NP_ // 16
CH = 128
EP = 327680
NCH = EP // (32 * CH)
PC = 40
FAST_P = 3
SLOW_P = 1
FAST_C = 1
DW = 128
ADJP = 10240
NTRI = 9904
RB = 512

_mesh = plsc.VectorSubcoreMesh(core_axis_name="c", subcore_axis_name="s")



@functools.partial(
    pl.kernel,
    out_type=jax.ShapeDtypeStruct((2 * 80, 128), jnp.float32),
    mesh=_mesh,
    scratch_types=[
        pltpu.VMEM((NCH, CH), jnp.int32),
        pltpu.VMEM((80, 128), jnp.float32),
        pltpu.VMEM((80,), jnp.int32),
        pltpu.VMEM_SHARED((80, 128), jnp.float32),
    ],
    compiler_params=pltpu.CompilerParams(needs_layout_passes=False),
)
def _deg_sc(dst_hbm, iota_hbm, zeros_hbm, out_hbm, idx_v, loc, iota_v, acc):
    c = lax.axis_index("c")
    s = lax.axis_index("s")
    wid = s * 2 + c
    pltpu.sync_copy(dst_hbm.at[pl.ds(wid * NCH, NCH)], idx_v)
    pltpu.sync_copy(iota_hbm, iota_v)

    @pl.when(s == 0)
    def _():
        pltpu.sync_copy(zeros_hbm, acc)

    def zbody(t, carry):
        loc[t // 8, pl.ds((t % 8) * 16, 16)] = jnp.zeros((16,), jnp.float32)
        return carry

    lax.fori_loop(0, 80 * 8, zbody, 0)

    ones16 = jnp.ones((16,), jnp.float32)

    def body(t, carry):
        idx = idx_v[t // 8, pl.ds((t % 8) * 16, 16)]
        plsc.addupdate_scatter(loc, [idx // 128, idx % 128], ones16)
        return carry

    lax.fori_loop(0, NCH * 8, body, 0)
    plsc.subcore_barrier()
    pltpu.sync_copy(loc, acc.at[iota_v], add=True)
    plsc.subcore_barrier()

    @pl.when(s < 10)
    def _():
        pltpu.sync_copy(acc.at[pl.ds(s * 8, 8)],
                        out_hbm.at[pl.ds(c * 80 + s * 8, 8)])



@functools.partial(
    pl.kernel,
    out_type=jax.ShapeDtypeStruct((2 * NP_, HH), jnp.float32),
    mesh=_mesh,
    scratch_types=[
        pltpu.VMEM((PC, CH), jnp.int32),
        pltpu.VMEM((PC, CH), jnp.int32),
        pltpu.VMEM((CH, HH), jnp.float32),
        pltpu.VMEM((CH, HH), jnp.float32),
        pltpu.VMEM_SHARED((NP_, HH), jnp.float32),
        pltpu.SemaphoreType.DMA,
        pltpu.SemaphoreType.DMA,
    ],
)
def _msg_sc(g_hbm, src_hbm, dst_hbm, zeros_hbm, out_hbm, sidx, didx,
            b0, b1, acc, s0, s1):
    c = lax.axis_index("c")
    s = lax.axis_index("s")
    bufs = (b0, b1)
    sems = (s0, s1)
    pltpu.sync_copy(zeros_hbm, acc.at[pl.ds(s * RPT, RPT)])
    plsc.subcore_barrier()

    def do_piece(base):
        pltpu.sync_copy(src_hbm.at[pl.ds(base, PC)], sidx)
        pltpu.sync_copy(dst_hbm.at[pl.ds(base, PC)], didx)
        pltpu.async_copy(g_hbm.at[sidx.at[0]], bufs[0], sems[0])

        def body(j2, carry):
            for k in range(2):
                j = j2 * 2 + k
                pltpu.make_async_copy(g_hbm.at[sidx.at[j]], bufs[k],
                                      sems[k]).wait()
                jn = j + 1

                @pl.when(jn < PC)
                def _():
                    pltpu.async_copy(g_hbm.at[sidx.at[jn]], bufs[(k + 1) % 2],
                                     sems[(k + 1) % 2])

                pltpu.sync_copy(bufs[k], acc.at[didx.at[j]], add=True)
            return carry

        lax.fori_loop(0, PC // 2, body, 0)

    @pl.when(c == FAST_C)
    def _():
        for p in range(FAST_P):
            do_piece((s * FAST_P + p) * PC)

    @pl.when(c != FAST_C)
    def _():
        for p in range(SLOW_P):
            do_piece(16 * FAST_P * PC + (s * SLOW_P + p) * PC)

    plsc.subcore_barrier()
    pltpu.sync_copy(acc.at[pl.ds(s * RPT, RPT)],
                    out_hbm.at[pl.ds(c * NP_ + s * RPT, RPT)])



@functools.partial(
    pl.kernel,
    out_type=jax.ShapeDtypeStruct((BB * ADJP,), jnp.float32),
    mesh=_mesh,
    scratch_types=[
        pltpu.VMEM((NTRI,), jnp.int32),
        pltpu.VMEM((NTRI,), jnp.int32),
        pltpu.VMEM((TRIP,), jnp.float32),
        pltpu.VMEM((ADJP,), jnp.float32),
    ],
    compiler_params=pltpu.CompilerParams(needs_layout_passes=False),
)
def _triu_sc(probs_hbm, pos_hbm, vsrc_hbm, zrow_hbm, out_hbm, pos_v, vsrc_v, prow, row):
    c = lax.axis_index("c")
    s = lax.axis_index("s")
    wid = s * 2 + c
    pltpu.sync_copy(pos_hbm, pos_v)
    pltpu.sync_copy(vsrc_hbm, vsrc_v)
    for gi in range(2):
        b = wid * 2 + gi
        pltpu.sync_copy(zrow_hbm, row)
        pltpu.sync_copy(probs_hbm.at[pl.ds(b * TRIP, TRIP)], prow)

        def body(t, carry):
            i16 = pos_v[pl.ds(t * 16, 16)]
            s16 = vsrc_v[pl.ds(t * 16, 16)]
            v = plsc.load_gather(prow, [s16])
            plsc.store_scatter(row, [i16], v)
            return carry

        lax.fori_loop(0, NTRI // 16, body, 0)
        pltpu.sync_copy(row, out_hbm.at[pl.ds(b * ADJP, ADJP)])



def _gmat_body(x_ref, w_ref, d0_ref, d1_ref, g_ref):
    dinv = lax.rsqrt(d0_ref[...] + d1_ref[...] + 1.0)
    g_ref[...] = jnp.dot(x_ref[...], w_ref[...],
                         preferred_element_type=jnp.float32) * dinv


_gmat = pl.pallas_call(
    _gmat_body,
    grid=(NP_ // RB,),
    in_specs=[
        pl.BlockSpec((RB, DD), lambda i: (i, 0)),
        pl.BlockSpec((DD, HH), lambda i: (0, 0)),
        pl.BlockSpec((RB, 1), lambda i: (i, 0)),
        pl.BlockSpec((RB, 1), lambda i: (i, 0)),
    ],
    out_specs=pl.BlockSpec((RB, HH), lambda i: (i, 0)),
    out_shape=jax.ShapeDtypeStruct((NP_, HH), jnp.float32),
)


def _cb2_body(p0_ref, p1_ref, g_ref, d0_ref, d1_ref, b_ref, w_ref, o_ref):
    i = pl.program_id(0)
    dinv = lax.rsqrt(d0_ref[...] + d1_ref[...] + 1.0)
    h = (p0_ref[...] + p1_ref[...] + g_ref[...]) * dinv + b_ref[...]
    h = jnp.maximum(h, 0.0)
    rows = i * RB + lax.broadcasted_iota(jnp.int32, (RB, 1), 0)
    h = jnp.where(rows < NN, h, 0.0)
    o_ref[...] = jnp.dot(h, w_ref[...],
                         preferred_element_type=jnp.float32) * dinv


_cb2 = pl.pallas_call(
    _cb2_body,
    grid=(NP_ // RB,),
    in_specs=[
        pl.BlockSpec((RB, HH), lambda i: (i, 0)),
        pl.BlockSpec((RB, HH), lambda i: (i, 0)),
        pl.BlockSpec((RB, HH), lambda i: (i, 0)),
        pl.BlockSpec((RB, 1), lambda i: (i, 0)),
        pl.BlockSpec((RB, 1), lambda i: (i, 0)),
        pl.BlockSpec((1, HH), lambda i: (0, 0)),
        pl.BlockSpec((HH, HH), lambda i: (0, 0)),
    ],
    out_specs=pl.BlockSpec((RB, HH), lambda i: (i, 0)),
    out_shape=jax.ShapeDtypeStruct((NP_, HH), jnp.float32),
)


def _pool_body(p0_ref, p1_ref, g_ref, d0_ref, d1_ref, b_ref, bat_ref,
               sums_ref, cnts_ref):
    i = pl.program_id(0)
    dinv = lax.rsqrt(d0_ref[...] + d1_ref[...] + 1.0)
    h = (p0_ref[...] + p1_ref[...] + g_ref[...]) * dinv + b_ref[...]
    h = jnp.maximum(h, 0.0)
    oh = (bat_ref[...] == lax.broadcasted_iota(jnp.int32, (RB, BB), 1))
    oh = oh.astype(jnp.float32)
    ps = lax.dot_general(oh, h, (((0,), (0,)), ((), ())),
                         preferred_element_type=jnp.float32)
    pc = lax.dot_general(oh, jnp.ones((RB, HH), jnp.float32),
                         (((0,), (0,)), ((), ())),
                         preferred_element_type=jnp.float32)

    @pl.when(i == 0)
    def _():
        sums_ref[...] = jnp.zeros_like(sums_ref)
        cnts_ref[...] = jnp.zeros_like(cnts_ref)

    sums_ref[...] += ps
    cnts_ref[...] += pc


_pool = pl.pallas_call(
    _pool_body,
    grid=(NP_ // RB,),
    in_specs=[
        pl.BlockSpec((RB, HH), lambda i: (i, 0)),
        pl.BlockSpec((RB, HH), lambda i: (i, 0)),
        pl.BlockSpec((RB, HH), lambda i: (i, 0)),
        pl.BlockSpec((RB, 1), lambda i: (i, 0)),
        pl.BlockSpec((RB, 1), lambda i: (i, 0)),
        pl.BlockSpec((1, HH), lambda i: (0, 0)),
        pl.BlockSpec((RB, 1), lambda i: (i, 0)),
    ],
    out_specs=[
        pl.BlockSpec((BB, HH), lambda i: (0, 0)),
        pl.BlockSpec((BB, HH), lambda i: (0, 0)),
    ],
    out_shape=[
        jax.ShapeDtypeStruct((BB, HH), jnp.float32),
        jax.ShapeDtypeStruct((BB, HH), jnp.float32),
    ],
)


def _head_body(sums_ref, cnts_ref, muW_ref, mub_ref, lvW_ref, lvb_ref, eps_ref,
               dW1_ref, db1_ref, dW2_ref, db2_ref, dW3_ref, db3_ref,
               mu_ref, lv_ref, probs_ref):
    hg = sums_ref[...] / jnp.maximum(cnts_ref[...], 1.0)
    mu = jnp.dot(hg, muW_ref[...], preferred_element_type=jnp.float32) + mub_ref[...]
    lv = jnp.dot(hg, lvW_ref[...], preferred_element_type=jnp.float32) + lvb_ref[...]
    mu_ref[...] = mu
    lv_ref[...] = lv
    z = mu + eps_ref[...] * jnp.exp(0.5 * lv)
    t1 = jnp.maximum(jnp.dot(z, dW1_ref[...],
                             preferred_element_type=jnp.float32) + db1_ref[...], 0.0)
    t2 = jnp.maximum(jnp.dot(t1, dW2_ref[...],
                             preferred_element_type=jnp.float32) + db2_ref[...], 0.0)
    logits = jnp.dot(t2, dW3_ref[...],
                     preferred_element_type=jnp.float32) + db3_ref[...]
    probs_ref[...] = jax.nn.sigmoid(logits)


_head = pl.pallas_call(
    _head_body,
    out_shape=[
        jax.ShapeDtypeStruct((BB, LL), jnp.float32),
        jax.ShapeDtypeStruct((BB, LL), jnp.float32),
        jax.ShapeDtypeStruct((BB, TRIP), jnp.float32),
    ],
)



def kernel(x, edge_index, batch, W1, b1, W2, b2, muW, mub, lvW, lvb,
           dW1, db1, dW2, db2, dW3, db3):
    f32 = jnp.float32
    src = edge_index[0].astype(jnp.int32)
    dst = edge_index[1].astype(jnp.int32)
    padi = jnp.full((EP - EE,), NN, jnp.int32)
    srcp = jnp.concatenate([src, padi]).reshape(EP // CH, CH)
    dstp = jnp.concatenate([dst, padi]).reshape(EP // CH, CH)
    xp = jnp.pad(x, ((0, NP_ - NN), (0, 0)))
    batp = jnp.pad(batch.astype(jnp.int32), (0, NP_ - NN),
                   constant_values=BB).reshape(NP_, 1)
    iota80 = jnp.arange(80, dtype=jnp.int32)
    zerosd = jnp.zeros((80, 128), f32)
    zerosh = jnp.zeros((RPT, HH), f32)
    zrow = jnp.zeros((ADJP,), f32)
    eps = jax.random.normal(jax.random.key(1), (BB, LL), dtype=f32)

    iu, ju = np.triu_indices(MM, k=1)
    pos_np = np.concatenate([iu * MM + ju, ju * MM + iu]).astype(np.int32)
    pos_np = np.pad(pos_np, (0, NTRI - 2 * TRI), constant_values=MM * MM + 8)
    vsrc_np = np.concatenate([np.arange(TRI), np.arange(TRI)]).astype(np.int32)
    vsrc_np = np.pad(vsrc_np, (0, NTRI - 2 * TRI))
    pos_j = jnp.asarray(pos_np)
    vsrc_j = jnp.asarray(vsrc_np)

    dW3p = jnp.pad(dW3, ((0, 0), (0, TRIP - TRI)))
    db3p = jnp.pad(db3, (0, TRIP - TRI)).reshape(1, TRIP)

    degf = _deg_sc(dstp, iota80, zerosd)
    d0 = degf[:80].reshape(NP_, 1)
    d1 = degf[80:].reshape(NP_, 1)

    g1 = _gmat(xp, W1, d0, d1)
    parts1 = _msg_sc(g1, srcp, dstp, zerosh)
    g2 = _cb2(parts1[:NP_], parts1[NP_:], g1, d0, d1, b1.reshape(1, HH), W2)
    parts2 = _msg_sc(g2, srcp, dstp, zerosh)
    sums, cnts = _pool(parts2[:NP_], parts2[NP_:], g2, d0, d1,
                       b2.reshape(1, HH), batp)
    mu, lv, probsp = _head(sums, cnts, muW, mub.reshape(1, LL), lvW,
                           lvb.reshape(1, LL), eps, dW1, db1.reshape(1, HH),
                           dW2, db2.reshape(1, HH), dW3p, db3p)
    adjf = _triu_sc(probsp.reshape(BB * TRIP), pos_j, vsrc_j, zrow)
    adj = adjf.reshape(BB, ADJP)[:, :MM * MM].reshape(BB, MM, MM)
    return (adj, mu, lv)

# --- scband reference (transcript-rebuilt; emitter-appended) ---
"""Pipeline reference for scband-graph-vae-78941498901078 (READ-ONLY COPY).

The authoritative reference and input builder live on the scoring server;
editing this copy changes nothing except your own understanding.
"""

import jax, jax.numpy as jnp
import numpy as np

N = 10000
E = 320000
D = 128
H = 128
L = 64
B = 64
M = 100
OUT = M * (M - 1) // 2


def _gcn_conv(x, edge_index, W, b):
    src = edge_index[0]
    dst = edge_index[1]
    loop = jnp.arange(N, dtype=src.dtype)
    s = jnp.concatenate([src, loop])
    d = jnp.concatenate([dst, loop])
    deg = jnp.zeros((N,), jnp.float32).at[d].add(1.0)
    dinv = jnp.where(deg > 0, 1.0 / jnp.sqrt(deg), 0.0)
    h = x @ W
    norm = (dinv[s] * dinv[d])[:, None]
    msgs = h[s] * norm
    out = jnp.zeros((N, W.shape[1]), jnp.float32).at[d].add(msgs)
    return out + b


def setup_inputs(seed: int = 0) -> dict:
    key = jax.random.key(seed)
    ks = jax.random.split(key, 20)
    x = jax.random.normal(ks[0], (N, D), dtype=jnp.float32)
    edge_index = jax.random.randint(ks[1], (2, E), 0, N)
    batch = jnp.sort(jax.random.randint(ks[2], (N,), 0, B))
    def lin(k, fi, fo):
        kw, kb = jax.random.split(k)
        W = jax.random.normal(kw, (fi, fo), dtype=jnp.float32) * (1.0 / np.sqrt(fi))
        b = jax.random.normal(kb, (fo,), dtype=jnp.float32) * 0.01
        return W, b
    W1, b1 = lin(ks[3], D, H)
    W2, b2 = lin(ks[4], H, H)
    muW, mub = lin(ks[5], H, L)
    lvW, lvb = lin(ks[6], H, L)
    dW1, db1 = lin(ks[7], L, H)
    dW2, db2 = lin(ks[8], H, H)
    dW3, db3 = lin(ks[9], H, OUT)
    return {"x": x, "edge_index": edge_index, "batch": batch,
            "W1": W1, "b1": b1, "W2": W2, "b2": b2,
            "muW": muW, "mub": mub, "lvW": lvW, "lvb": lvb,
            "dW1": dW1, "db1": db1, "dW2": dW2, "db2": db2,
            "dW3": dW3, "db3": db3}


def reference(x, edge_index, batch, W1, b1, W2, b2, muW, mub, lvW, lvb, dW1, db1, dW2, db2, dW3, db3):
    # --- encoder (two GCN layers + global mean pool) ---
    h = jax.nn.relu(_gcn_conv(x, edge_index, W1, b1))
    h = jax.nn.relu(_gcn_conv(h, edge_index, W2, b2))
    sums = jax.ops.segment_sum(h, batch, num_segments=B)
    cnt = jax.ops.segment_sum(jnp.ones((N,), jnp.float32), batch, num_segments=B)
    h_graph = sums / jnp.clip(cnt, 1.0)[:, None]
    mu = h_graph @ muW + mub
    logvar = h_graph @ lvW + lvb
    # --- reparameterise (deterministic key for reproducibility) ---
    eps = jax.random.normal(jax.random.key(1), mu.shape, dtype=jnp.float32)
    z = mu + eps * jnp.exp(0.5 * logvar)
    # --- MLP decoder to dense adjacency ---
    h1 = jax.nn.relu(z @ dW1 + db1)
    h2 = jax.nn.relu(h1 @ dW2 + db2)
    probs = jax.nn.sigmoid(h2 @ dW3 + db3)
    iu, ju = np.triu_indices(M, k=1)
    adj = jnp.zeros((B, M, M), jnp.float32).at[:, iu, ju].set(probs)
    adj = adj + jnp.transpose(adj, (0, 2, 1))
    return (adj, mu, logvar)

if __name__ == "__main__":
    import jax
    _d = setup_inputs()
    print(jax.jit(kernel)(*tuple(_d.values())))

</pallas_src>

<mosaic_0001>
#map = affine_map<(d0, d1) -> (0)>
module attributes {stable_mosaic.version = 14 : i64} {
  func.func @_triu_sc(%arg0: i32, %arg1: i32, %arg2: memref<319488xf32, #tpu.memory_space<hbm>>, %arg3: memref<9904xi32, #tpu.memory_space<hbm>>, %arg4: memref<9904xi32, #tpu.memory_space<hbm>>, %arg5: memref<10240xf32, #tpu.memory_space<hbm>>, %arg6: memref<655360xf32, #tpu.memory_space<hbm>>, %arg7: memref<9904xi32, #tpu.memory_space<vmem>>, %arg8: memref<9904xi32, #tpu.memory_space<vmem>>, %arg9: memref<4992xf32, #tpu.memory_space<vmem>>, %arg10: memref<10240xf32, #tpu.memory_space<vmem>>) attributes {dimension_semantics = [#tpu.dimension_semantics<core_parallel>, #tpu.dimension_semantics<subcore_parallel>], iteration_bounds = array<i64: 2, 16>, scalar_prefetch = 0 : i64, scratch_operands = 4 : i64, tpu.core_type = #tpu.core_type<sc_vector_subcore>, window_params = [{transform_indices = #map}, {transform_indices = #map}, {transform_indices = #map}, {transform_indices = #map}, {transform_indices = #map}]} {
    %mul3A = arith.constant 2 : i32
    %mul3A_0 = arith.muli %arg1, %mul3A : i32
    %add3A = arith.addi %mul3A_0, %arg0 : i32
    "tpu.region"() ({
      %run_scoped3A = tpu.sem_alloc : memref<!tpu.dma_semaphore, #tpu.memory_space<semaphore_mem>>
      tpu.enqueue_dma source(%arg3 : memref<9904xi32, #tpu.memory_space<hbm>>) target(%arg7 : memref<9904xi32, #tpu.memory_space<vmem>>) target_semaphore(%run_scoped3A : memref<!tpu.dma_semaphore, #tpu.memory_space<semaphore_mem>>)
      tpu.wait_dma2 semaphore(%run_scoped3A : memref<!tpu.dma_semaphore, #tpu.memory_space<semaphore_mem>>) src(%arg3 : memref<9904xi32, #tpu.memory_space<hbm>>) dst(%arg7 : memref<9904xi32, #tpu.memory_space<vmem>>)
      tpu.yield
    }) : () -> ()
    "tpu.region"() ({
      %run_scoped3A = tpu.sem_alloc : memref<!tpu.dma_semaphore, #tpu.memory_space<semaphore_mem>>
      tpu.enqueue_dma source(%arg4 : memref<9904xi32, #tpu.memory_space<hbm>>) target(%arg8 : memref<9904xi32, #tpu.memory_space<vmem>>) target_semaphore(%run_scoped3A : memref<!tpu.dma_semaphore, #tpu.memory_space<semaphore_mem>>)
      tpu.wait_dma2 semaphore(%run_scoped3A : memref<!tpu.dma_semaphore, #tpu.memory_space<semaphore_mem>>) src(%arg4 : memref<9904xi32, #tpu.memory_space<hbm>>) dst(%arg8 : memref<9904xi32, #tpu.memory_space<vmem>>)
      tpu.yield
    }) : () -> ()
    %mul3A_1 = arith.constant 2 : i32
    %mul3A_2 = arith.muli %add3A, %mul3A_1 : i32
    %add3A_3 = arith.constant 0 : i32
    %add3A_4 = arith.addi %mul3A_2, %add3A_3 : i32
    "tpu.region"() ({
      %run_scoped3A = tpu.sem_alloc : memref<!tpu.dma_semaphore, #tpu.memory_space<semaphore_mem>>
      tpu.enqueue_dma source(%arg5 : memref<10240xf32, #tpu.memory_space<hbm>>) target(%arg10 : memref<10240xf32, #tpu.memory_space<vmem>>) target_semaphore(%run_scoped3A : memref<!tpu.dma_semaphore, #tpu.memory_space<semaphore_mem>>)
      tpu.wait_dma2 semaphore(%run_scoped3A : memref<!tpu.dma_semaphore, #tpu.memory_space<semaphore_mem>>) src(%arg5 : memref<10240xf32, #tpu.memory_space<hbm>>) dst(%arg10 : memref<10240xf32, #tpu.memory_space<vmem>>)
      tpu.yield
    }) : () -> ()
    %mul3A_5 = arith.constant 4992 : i32
    %mul3A_6 = arith.muli %add3A_4, %mul3A_5 : i32
    "tpu.region"() ({
      %run_scoped3A = tpu.sem_alloc : memref<!tpu.dma_semaphore, #tpu.memory_space<semaphore_mem>>
      %dma_start3A = tpu.memref_slice %arg2[%mul3A_6] : memref<319488xf32, #tpu.memory_space<hbm>> -> memref<4992xf32, #tpu.memory_space<hbm>>
      %dma_start3A_28 = tpu.memref_slice %arg2[%mul3A_6] : memref<319488xf32, #tpu.memory_space<hbm>> -> memref<4992xf32, #tpu.memory_space<hbm>>
      tpu.enqueue_dma source(%dma_start3A_28 : memref<4992xf32, #tpu.memory_space<hbm>>) target(%arg9 : memref<4992xf32, #tpu.memory_space<vmem>>) target_semaphore(%run_scoped3A : memref<!tpu.dma_semaphore, #tpu.memory_space<semaphore_mem>>)
      %dma_wait3A = tpu.memref_slice %arg2[%mul3A_6] : memref<319488xf32, #tpu.memory_space<hbm>> -> memref<4992xf32, #tpu.memory_space<hbm>>
      %dma_wait3A_29 = tpu.memref_slice %arg2[%mul3A_6] : memref<319488xf32, #tpu.memory_space<hbm>> -> memref<4992xf32, #tpu.memory_space<hbm>>
      tpu.wait_dma2 semaphore(%run_scoped3A : memref<!tpu.dma_semaphore, #tpu.memory_space<semaphore_mem>>) src(%dma_wait3A_29 : memref<4992xf32, #tpu.memory_space<hbm>>) dst(%arg9 : memref<4992xf32, #tpu.memory_space<vmem>>)
      tpu.yield
    }) : () -> ()
    %scan3A = arith.constant 0 : i32
    %scan3A_7 = arith.constant 0 : i32
    %scan3A_8 = arith.constant 619 : i32
    %scan3A_9 = arith.addi %scan3A_7, %scan3A_8 : i32
    %scan3A_10 = arith.constant 1 : i32
    scf.for %scan3A_28 = %scan3A_7 to %scan3A_9 step %scan3A_10  : i32 {
      %mul3A_29 = arith.constant 16 : i32
      %mul3A_30 = arith.muli %scan3A_28, %mul3A_29 : i32
      %get3A = arith.index_cast %mul3A_30 : i32 to index
      %get3A_31 = tpu.vector_load %arg7[%get3A] {strides = array<i32>} : memref<9904xi32, #tpu.memory_space<vmem>>, vector<16xi32>,
      %mul3A_32 = arith.constant 16 : i32
      %mul3A_33 = arith.muli %scan3A_28, %mul3A_32 : i32
      %get3A_34 = arith.index_cast %mul3A_33 : i32 to index
      %get3A_35 = tpu.vector_load %arg8[%get3A_34] {strides = array<i32>} : memref<9904xi32, #tpu.memory_space<vmem>>, vector<16xi32>,
      %gather3A = tpu.vector_load_idx %arg9[%get3A_35] : memref<4992xf32, #tpu.memory_space<vmem>>[vector<16xi32>], vector<16xf32>,
      tpu.vector_store_idx %arg10[%get3A_31], %gather3A : memref<10240xf32, #tpu.memory_space<vmem>>[vector<16xi32>], vector<16xf32>,
    }
    %scan3A_11 = arith.constant 619 : i32
    %mul3A_12 = arith.constant 10240 : i32
    %mul3A_13 = arith.muli %add3A_4, %mul3A_12 : i32
    "tpu.region"() ({
      %run_scoped3A = tpu.sem_alloc : memref<!tpu.dma_semaphore, #tpu.memory_space<semaphore_mem>>
      %dma_start3A = tpu.memref_slice %arg6[%mul3A_13] : memref<655360xf32, #tpu.memory_space<hbm>> -> memref<10240xf32, #tpu.memory_space<hbm>>
      %dma_start3A_28 = tpu.memref_slice %arg6[%mul3A_13] : memref<655360xf32, #tpu.memory_space<hbm>> -> memref<10240xf32, #tpu.memory_space<hbm>>
      tpu.enqueue_dma source(%arg10 : memref<10240xf32, #tpu.memory_space<vmem>>) target(%dma_start3A_28 : memref<10240xf32, #tpu.memory_space<hbm>>) target_semaphore(%run_scoped3A : memref<!tpu.dma_semaphore, #tpu.memory_space<semaphore_mem>>)
      %dma_wait3A = tpu.memref_slice %arg6[%mul3A_13] : memref<655360xf32, #tpu.memory_space<hbm>> -> memref<10240xf32, #tpu.memory_space<hbm>>
      %dma_wait3A_29 = tpu.memref_slice %arg6[%mul3A_13] : memref<655360xf32, #tpu.memory_space<hbm>> -> memref<10240xf32, #tpu.memory_space<hbm>>
      tpu.wait_dma2 semaphore(%run_scoped3A : memref<!tpu.dma_semaphore, #tpu.memory_space<semaphore_mem>>) src(%arg10 : memref<10240xf32, #tpu.memory_space<vmem>>) dst(%dma_wait3A_29 : memref<10240xf32, #tpu.memory_space<hbm>>)
      tpu.yield
    }) : () -> ()
    %mul3A_14 = arith.constant 2 : i32
    %mul3A_15 = arith.muli %add3A, %mul3A_14 : i32
    %add3A_16 = arith.constant 1 : i32
    %add3A_17 = arith.addi %mul3A_15, %add3A_16 : i32
    "tpu.region"() ({
      %run_scoped3A = tpu.sem_alloc : memref<!tpu.dma_semaphore, #tpu.memory_space<semaphore_mem>>
      tpu.enqueue_dma source(%arg5 : memref<10240xf32, #tpu.memory_space<hbm>>) target(%arg10 : memref<10240xf32, #tpu.memory_space<vmem>>) target_semaphore(%run_scoped3A : memref<!tpu.dma_semaphore, #tpu.memory_space<semaphore_mem>>)
      tpu.wait_dma2 semaphore(%run_scoped3A : memref<!tpu.dma_semaphore, #tpu.memory_space<semaphore_mem>>) src(%arg5 : memref<10240xf32, #tpu.memory_space<hbm>>) dst(%arg10 : memref<10240xf32, #tpu.memory_space<vmem>>)
      tpu.yield
    }) : () -> ()
    %mul3A_18 = arith.constant 4992 : i32
    %mul3A_19 = arith.muli %add3A_17, %mul3A_18 : i32
    "tpu.region"() ({
      %run_scoped3A = tpu.sem_alloc : memref<!tpu.dma_semaphore, #tpu.memory_space<semaphore_mem>>
      %dma_start3A = tpu.memref_slice %arg2[%mul3A_19] : memref<319488xf32, #tpu.memory_space<hbm>> -> memref<4992xf32, #tpu.memory_space<hbm>>
      %dma_start3A_28 = tpu.memref_slice %arg2[%mul3A_19] : memref<319488xf32, #tpu.memory_space<hbm>> -> memref<4992xf32, #tpu.memory_space<hbm>>
      tpu.enqueue_dma source(%dma_start3A_28 : memref<4992xf32, #tpu.memory_space<hbm>>) target(%arg9 : memref<4992xf32, #tpu.memory_space<vmem>>) target_semaphore(%run_scoped3A : memref<!tpu.dma_semaphore, #tpu.memory_space<semaphore_mem>>)
      %dma_wait3A = tpu.memref_slice %arg2[%mul3A_19] : memref<319488xf32, #tpu.memory_space<hbm>> -> memref<4992xf32, #tpu.memory_space<hbm>>
      %dma_wait3A_29 = tpu.memref_slice %arg2[%mul3A_19] : memref<319488xf32, #tpu.memory_space<hbm>> -> memref<4992xf32, #tpu.memory_space<hbm>>
      tpu.wait_dma2 semaphore(%run_scoped3A : memref<!tpu.dma_semaphore, #tpu.memory_space<semaphore_mem>>) src(%dma_wait3A_29 : memref<4992xf32, #tpu.memory_space<hbm>>) dst(%arg9 : memref<4992xf32, #tpu.memory_space<vmem>>)
      tpu.yield
    }) : () -> ()
    %scan3A_20 = arith.constant 0 : i32
    %scan3A_21 = arith.constant 0 : i32
    %scan3A_22 = arith.constant 619 : i32
    %scan3A_23 = arith.addi %scan3A_21, %scan3A_22 : i32
    %scan3A_24 = arith.constant 1 : i32
    scf.for %scan3A_28 = %scan3A_21 to %scan3A_23 step %scan3A_24  : i32 {
      %mul3A_29 = arith.constant 16 : i32
      %mul3A_30 = arith.muli %scan3A_28, %mul3A_29 : i32
      %get3A = arith.index_cast %mul3A_30 : i32 to index
      %get3A_31 = tpu.vector_load %arg7[%get3A] {strides = array<i32>} : memref<9904xi32, #tpu.memory_space<vmem>>, vector<16xi32>,
      %mul3A_32 = arith.constant 16 : i32
      %mul3A_33 = arith.muli %scan3A_28, %mul3A_32 : i32
      %get3A_34 = arith.index_cast %mul3A_33 : i32 to index
      %get3A_35 = tpu.vector_load %arg8[%get3A_34] {strides = array<i32>} : memref<9904xi32, #tpu.memory_space<vmem>>, vector<16xi32>,
      %gather3A = tpu.vector_load_idx %arg9[%get3A_35] : memref<4992xf32, #tpu.memory_space<vmem>>[vector<16xi32>], vector<16xf32>,
      tpu.vector_store_idx %arg10[%get3A_31], %gather3A : memref<10240xf32, #tpu.memory_space<vmem>>[vector<16xi32>], vector<16xf32>,
    }
    %scan3A_25 = arith.constant 619 : i32
    %mul3A_26 = arith.constant 10240 : i32
    %mul3A_27 = arith.muli %add3A_17, %mul3A_26 : i32
    "tpu.region"() ({
      %run_scoped3A = tpu.sem_alloc : memref<!tpu.dma_semaphore, #tpu.memory_space<semaphore_mem>>
      %dma_start3A = tpu.memref_slice %arg6[%mul3A_27] : memref<655360xf32, #tpu.memory_space<hbm>> -> memref<10240xf32, #tpu.memory_space<hbm>>
      %dma_start3A_28 = tpu.memref_slice %arg6[%mul3A_27] : memref<655360xf32, #tpu.memory_space<hbm>> -> memref<10240xf32, #tpu.memory_space<hbm>>
      tpu.enqueue_dma source(%arg10 : memref<10240xf32, #tpu.memory_space<vmem>>) target(%dma_start3A_28 : memref<10240xf32, #tpu.memory_space<hbm>>) target_semaphore(%run_scoped3A : memref<!tpu.dma_semaphore, #tpu.memory_space<semaphore_mem>>)
      %dma_wait3A = tpu.memref_slice %arg6[%mul3A_27] : memref<655360xf32, #tpu.memory_space<hbm>> -> memref<10240xf32, #tpu.memory_space<hbm>>
      %dma_wait3A_29 = tpu.memref_slice %arg6[%mul3A_27] : memref<655360xf32, #tpu.memory_space<hbm>> -> memref<10240xf32, #tpu.memory_space<hbm>>
      tpu.wait_dma2 semaphore(%run_scoped3A : memref<!tpu.dma_semaphore, #tpu.memory_space<semaphore_mem>>) src(%arg10 : memref<10240xf32, #tpu.memory_space<vmem>>) dst(%dma_wait3A_29 : memref<10240xf32, #tpu.memory_space<hbm>>)
      tpu.yield
    }) : () -> ()
    return
  }
}

#map = affine_map<(d0, d1) -> (0, 0)>
module attributes {stable_mosaic.version = 14 : i64} {
  func.func @_msg_sc(%arg0: i32, %arg1: i32, %arg2: memref<10240x128xf32, #tpu.memory_space<hbm>>, %arg3: memref<2560x128xi32, #tpu.memory_space<hbm>>, %arg4: memref<2560x128xi32, #tpu.memory_space<hbm>>, %arg5: memref<640x128xf32, #tpu.memory_space<hbm>>, %arg6: memref<20480x128xf32, #tpu.memory_space<hbm>>, %arg7: memref<40x128xi32, #tpu.memory_space<vmem>>, %arg8: memref<40x128xi32, #tpu.memory_space<vmem>>, %arg9: memref<128x128xf32, #tpu.memory_space<vmem>>, %arg10: memref<128x128xf32, #tpu.memory_space<vmem>>, %arg11: memref<10240x128xf32, #tpu.memory_space<vmem_shared>>, %arg12: memref<!tpu.dma_semaphore, #tpu.memory_space<semaphore_mem>>, %arg13: memref<!tpu.dma_semaphore, #tpu.memory_space<semaphore_mem>>) attributes {dimension_semantics = [#tpu.dimension_semantics<core_parallel>, #tpu.dimension_semantics<subcore_parallel>], iteration_bounds = array<i64: 2, 16>, scalar_prefetch = 0 : i64, scratch_operands = 7 : i64, tpu.core_type = #tpu.core_type<sc_vector_subcore>, window_params = [{transform_indices = #map}, {transform_indices = #map}, {transform_indices = #map}, {transform_indices = #map}, {transform_indices = #map}]} {
    %mul3A = arith.constant 640 : i32
    %mul3A_0 = arith.muli %arg1, %mul3A : i32
    "tpu.region"() ({
      %run_scoped3A = tpu.sem_alloc : memref<!tpu.dma_semaphore, #tpu.memory_space<semaphore_mem>>
      %dma_start3A = arith.constant 0 : i32
      %dma_start3A_14 = tpu.memref_slice %arg11[%mul3A_0, %dma_start3A] : memref<10240x128xf32, #tpu.memory_space<vmem_shared>> -> memref<640x128xf32, #tpu.memory_space<vmem_shared>>
      tpu.enqueue_dma source(%arg5 : memref<640x128xf32, #tpu.memory_space<hbm>>) target(%dma_start3A_14 : memref<640x128xf32, #tpu.memory_space<vmem_shared>>) target_semaphore(%run_scoped3A : memref<!tpu.dma_semaphore, #tpu.memory_space<semaphore_mem>>)
      %dma_wait3A = arith.constant 0 : i32
      %dma_wait3A_15 = tpu.memref_slice %arg11[%mul3A_0, %dma_wait3A] : memref<10240x128xf32, #tpu.memory_space<vmem_shared>> -> memref<640x128xf32, #tpu.memory_space<vmem_shared>>
      tpu.wait_dma2 semaphore(%run_scoped3A : memref<!tpu.dma_semaphore, #tpu.memory_space<semaphore_mem>>) src(%arg5 : memref<640x128xf32, #tpu.memory_space<hbm>>) dst(%dma_wait3A_15 : memref<640x128xf32, #tpu.memory_space<vmem_shared>>)
      tpu.yield
    }) : () -> ()
    %barrier3A = arith.constant 0 : index
    tpu.barrier barrier_id(%barrier3A)
    %eq3A = arith.constant 1 : i32
    %eq3A_1 = arith.cmpi eq, %arg0, %eq3A : i32
    %convert_element_type3A = arith.extui %eq3A_1 : i1 to i32
    %cond3A = arith.constant 0 : i32
    %cond3A_2 = arith.cmpi ne, %convert_element_type3A, %cond3A : i32
    scf.if %cond3A_2 {
      %mul3A_14 = arith.constant 3 : i32
      %mul3A_15 = arith.muli %arg1, %mul3A_14 : i32
      %add3A_16 = arith.constant 0 : i32
      %add3A_17 = arith.addi %mul3A_15, %add3A_16 : i32
      %mul3A_18 = arith.constant 40 : i32
      %mul3A_19 = arith.muli %add3A_17, %mul3A_18 : i32
      "tpu.region"() ({
        %run_scoped3A = tpu.sem_alloc : memref<!tpu.dma_semaphore, #tpu.memory_space<semaphore_mem>>
        %dma_start3A_69 = arith.constant 0 : i32
        %dma_start3A_70 = tpu.memref_slice %arg3[%mul3A_19, %dma_start3A_69] : memref<2560x128xi32, #tpu.memory_space<hbm>> -> memref<40x128xi32, #tpu.memory_space<hbm>>
        %dma_start3A_71 = arith.constant 0 : i32
        %dma_start3A_72 = tpu.memref_slice %arg3[%mul3A_19, %dma_start3A_71] : memref<2560x128xi32, #tpu.memory_space<hbm>> -> memref<40x128xi32, #tpu.memory_space<hbm>>
        tpu.enqueue_dma source(%dma_start3A_72 : memref<40x128xi32, #tpu.memory_space<hbm>>) target(%arg7 : memref<40x128xi32, #tpu.memory_space<vmem>>) target_semaphore(%run_scoped3A : memref<!tpu.dma_semaphore, #tpu.memory_space<semaphore_mem>>)
        %dma_wait3A = arith.constant 0 : i32
        %dma_wait3A_73 = tpu.memref_slice %arg3[%mul3A_19, %dma_wait3A] : memref<2560x128xi32, #tpu.memory_space<hbm>> -> memref<40x128xi32, #tpu.memory_space<hbm>>
        %dma_wait3A_74 = arith.constant 0 : i32
        %dma_wait3A_75 = tpu.memref_slice %arg3[%mul3A_19, %dma_wait3A_74] : memref<2560x128xi32, #tpu.memory_space<hbm>> -> memref<40x128xi32, #tpu.memory_space<hbm>>
        tpu.wait_dma2 semaphore(%run_scoped3A : memref<!tpu.dma_semaphore, #tpu.memory_space<semaphore_mem>>) src(%dma_wait3A_75 : memref<40x128xi32, #tpu.memory_space<hbm>>) dst(%arg7 : memref<40x128xi32, #tpu.memory_space<vmem>>)
        tpu.yield
      }) : () -> ()
      "tpu.region"() ({
        %run_scoped3A = tpu.sem_alloc : memref<!tpu.dma_semaphore, #tpu.memory_space<semaphore_mem>>
        %dma_start3A_69 = arith.constant 0 : i32
        %dma_start3A_70 = tpu.memref_slice %arg4[%mul3A_19, %dma_start3A_69] : memref<2560x128xi32, #tpu.memory_space<hbm>> -> memref<40x128xi32, #tpu.memory_space<hbm>>
        %dma_start3A_71 = arith.constant 0 : i32
        %dma_start3A_72 = tpu.memref_slice %arg4[%mul3A_19, %dma_start3A_71] : memref<2560x128xi32, #tpu.memory_space<hbm>> -> memref<40x128xi32, #tpu.memory_space<hbm>>
        tpu.enqueue_dma source(%dma_start3A_72 : memref<40x128xi32, #tpu.memory_space<hbm>>) target(%arg8 : memref<40x128xi32, #tpu.memory_space<vmem>>) target_semaphore(%run_scoped3A : memref<!tpu.dma_semaphore, #tpu.memory_space<semaphore_mem>>)
        %dma_wait3A = arith.constant 0 : i32
        %dma_wait3A_73 = tpu.memref_slice %arg4[%mul3A_19, %dma_wait3A] : memref<2560x128xi32, #tpu.memory_space<hbm>> -> memref<40x128xi32, #tpu.memory_space<hbm>>
        %dma_wait3A_74 = arith.constant 0 : i32
        %dma_wait3A_75 = tpu.memref_slice %arg4[%mul3A_19, %dma_wait3A_74] : memref<2560x128xi32, #tpu.memory_space<hbm>> -> memref<40x128xi32, #tpu.memory_space<hbm>>
        tpu.wait_dma2 semaphore(%run_scoped3A : memref<!tpu.dma_semaphore, #tpu.memory_space<semaphore_mem>>) src(%dma_wait3A_75 : memref<40x128xi32, #tpu.memory_space<hbm>>) dst(%arg8 : memref<40x128xi32, #tpu.memory_space<vmem>>)
        tpu.yield
      }) : () -> ()
      %dma_start3A = arith.constant 0 : i32
      %dma_start3A_20 = arith.constant 0 : i32
      %dma_start3A_21 = tpu.memref_slice %arg7[%dma_start3A, %dma_start3A_20] : memref<40x128xi32, #tpu.memory_space<vmem>> -> memref<1x128xi32, #tpu.memory_space<vmem>>
      %dma_start3A_22 = tpu.memref_squeeze %dma_start3A_21 : memref<1x128xi32, #tpu.memory_space<vmem>> -> memref<128xi32, #tpu.memory_space<vmem>>
      %dma_start3A_23 = arith.constant 0 : i32
      %dma_start3A_24 = arith.constant 0 : i32
      %dma_start3A_25 = tpu.memref_slice %arg2[%dma_start3A_23, %dma_start3A_24] : memref<10240x128xf32, #tpu.memory_space<hbm>> -> memref<10240x128xf32, #tpu.memory_space<hbm>>
      tpu.enqueue_indirect_dma source(%dma_start3A_25 : memref<10240x128xf32, #tpu.memory_space<hbm>>) target(%arg9 : memref<128x128xf32, #tpu.memory_space<vmem>>) offsets(%dma_start3A_22 : memref<128xi32, #tpu.memory_space<vmem>>) semaphore(%arg12 : memref<!tpu.dma_semaphore, #tpu.memory_space<semaphore_mem>>)
      %scan3A = arith.constant 0 : i32
      %scan3A_26 = arith.constant 0 : i32
      %scan3A_27 = arith.constant 20 : i32
      %scan3A_28 = arith.addi %scan3A_26, %scan3A_27 : i32
      %scan3A_29 = arith.constant 1 : i32
      scf.for %scan3A_69 = %scan3A_26 to %scan3A_28 step %scan3A_29  : i32 {
        %mul3A_70 = arith.constant 2 : i32
        %mul3A_71 = arith.muli %scan3A_69, %mul3A_70 : i32
        %add3A_72 = arith.constant 0 : i32
        %add3A_73 = arith.addi %mul3A_71, %add3A_72 : i32
        %dma_wait3A = arith.constant 0 : i32
        %dma_wait3A_74 = tpu.memref_slice %arg7[%add3A_73, %dma_wait3A] : memref<40x128xi32, #tpu.memory_space<vmem>> -> memref<1x128xi32, #tpu.memory_space<vmem>>
        %dma_wait3A_75 = tpu.memref_squeeze %dma_wait3A_74 : memref<1x128xi32, #tpu.memory_space<vmem>> -> memref<128xi32, #tpu.memory_space<vmem>>
        %dma_wait3A_76 = arith.constant 0 : i32
        %dma_wait3A_77 = arith.constant 0 : i32
        %dma_wait3A_78 = tpu.memref_slice %arg2[%dma_wait3A_76, %dma_wait3A_77] : memref<10240x128xf32, #tpu.memory_space<hbm>> -> memref<10240x128xf32, #tpu.memory_space<hbm>>
        tpu.wait_indirect_dma semaphore(%arg12 : memref<!tpu.dma_semaphore, #tpu.memory_space<semaphore_mem>>) src(%dma_wait3A_78 : memref<10240x128xf32, #tpu.memory_space<hbm>>) dst(%arg9 : memref<128x128xf32, #tpu.memory_space<vmem>>)
        %add3A_79 = arith.constant 1 : i32
        %add3A_80 = arith.addi %add3A_73, %add3A_79 : i32
        %lt3A = arith.constant 40 : i32
        %lt3A_81 = arith.cmpi slt, %add3A_80, %lt3A : i32
        %convert_element_type3A_82 = arith.extui %lt3A_81 : i1 to i32
        %cond3A_83 = arith.constant 0 : i32
        %cond3A_84 = arith.cmpi ne, %convert_element_type3A_82, %cond3A_83 : i32
        scf.if %cond3A_84 {
          %dma_start3A_102 = arith.constant 0 : i32
          %dma_start3A_103 = tpu.memref_slice %arg7[%add3A_80, %dma_start3A_102] : memref<40x128xi32, #tpu.memory_space<vmem>> -> memref<1x128xi32, #tpu.memory_space<vmem>>
          %dma_start3A_104 = tpu.memref_squeeze %dma_start3A_103 : memref<1x128xi32, #tpu.memory_space<vmem>> -> memref<128xi32, #tpu.memory_space<vmem>>
          %dma_start3A_105 = arith.constant 0 : i32
          %dma_start3A_106 = arith.constant 0 : i32
          %dma_start3A_107 = tpu.memref_slice %arg2[%dma_start3A_105, %dma_start3A_106] : memref<10240x128xf32, #tpu.memory_space<hbm>> -> memref<10240x128xf32, #tpu.memory_space<hbm>>
          tpu.enqueue_indirect_dma source(%dma_start3A_107 : memref<10240x128xf32, #tpu.memory_space<hbm>>) target(%arg10 : memref<128x128xf32, #tpu.memory_space<vmem>>) offsets(%dma_start3A_104 : memref<128xi32, #tpu.memory_space<vmem>>) semaphore(%arg13 : memref<!tpu.dma_semaphore, #tpu.memory_space<semaphore_mem>>)
        } else {
        }
        "tpu.region"() ({
          %run_scoped3A = tpu.sem_alloc : memref<!tpu.dma_semaphore, #tpu.memory_space<semaphore_mem>>
          %dma_start3A_102 = arith.constant 0 : i32
          %dma_start3A_103 = tpu.memref_slice %arg8[%add3A_73, %dma_start3A_102] : memref<40x128xi32, #tpu.memory_space<vmem>> -> memref<1x128xi32, #tpu.memory_space<vmem>>
          %dma_start3A_104 = tpu.memref_squeeze %dma_start3A_103 : memref<1x128xi32, #tpu.memory_space<vmem>> -> memref<128xi32, #tpu.memory_space<vmem>>
          %dma_start3A_105 = arith.constant 0 : i32
          %dma_start3A_106 = arith.constant 0 : i32
          %dma_start3A_107 = tpu.memref_slice %arg11[%dma_start3A_105, %dma_start3A_106] : memref<10240x128xf32, #tpu.memory_space<vmem_shared>> -> memref<10240x128xf32, #tpu.memory_space<vmem_shared>>
          tpu.enqueue_indirect_dma source(%arg9 : memref<128x128xf32, #tpu.memory_space<vmem>>) target(%dma_start3A_107 : memref<10240x128xf32, #tpu.memory_space<vmem_shared>>) offsets(%dma_start3A_104 : memref<128xi32, #tpu.memory_space<vmem>>) semaphore(%run_scoped3A : memref<!tpu.dma_semaphore, #tpu.memory_space<semaphore_mem>>) {add = true}
          %dma_wait3A_108 = arith.constant 0 : i32
          %dma_wait3A_109 = tpu.memref_slice %arg8[%add3A_73, %dma_wait3A_108] : memref<40x128xi32, #tpu.memory_space<vmem>> -> memref<1x128xi32, #tpu.memory_space<vmem>>
          %dma_wait3A_110 = tpu.memref_squeeze %dma_wait3A_109 : memref<1x128xi32, #tpu.memory_space<vmem>> -> memref<128xi32, #tpu.memory_space<vmem>>
          %dma_wait3A_111 = arith.constant 0 : i32
          %dma_wait3A_112 = arith.constant 0 : i32
          %dma_wait3A_113 = tpu.memref_slice %arg11[%dma_wait3A_111, %dma_wait3A_112] : memref<10240x128xf32, #tpu.memory_space<vmem_shared>> -> memref<10240x128xf32, #tpu.memory_space<vmem_shared>>
          tpu.wait_indirect_dma semaphore(%run_scoped3A : memref<!tpu.dma_semaphore, #tpu.memory_space<semaphore_mem>>) src(%arg9 : memref<128x128xf32, #tpu.memory_space<vmem>>) dst(%dma_wait3A_113 : memref<10240x128xf32, #tpu.memory_space<vmem_shared>>)
          tpu.yield
        }) : () -> ()
        %mul3A_85 = arith.constant 2 : i32
        %mul3A_86 = arith.muli %scan3A_69, %mul3A_85 : i32
        %add3A_87 = arith.constant 1 : i32
        %add3A_88 = arith.addi %mul3A_86, %add3A_87 : i32
        %dma_wait3A_89 = arith.constant 0 : i32
        %dma_wait3A_90 = tpu.memref_slice %arg7[%add3A_88, %dma_wait3A_89] : memref<40x128xi32, #tpu.memory_space<vmem>> -> memref<1x128xi32, #tpu.memory_space<vmem>>
        %dma_wait3A_91 = tpu.memref_squeeze %dma_wait3A_90 : memref<1x128xi32, #tpu.memory_space<vmem>> -> memref<128xi32, #tpu.memory_space<vmem>>
        %dma_wait3A_92 = arith.constant 0 : i32
        %dma_wait3A_93 = arith.constant 0 : i32
        %dma_wait3A_94 = tpu.memref_slice %arg2[%dma_wait3A_92, %dma_wait3A_93] : memref<10240x128xf32, #tpu.memory_space<hbm>> -> memref<10240x128xf32, #tpu.memory_space<hbm>>
        tpu.wait_indirect_dma semaphore(%arg13 : memref<!tpu.dma_semaphore, #tpu.memory_space<semaphore_mem>>) src(%dma_wait3A_94 : memref<10240x128xf32, #tpu.memory_space<hbm>>) dst(%arg10 : memref<128x128xf32, #tpu.memory_space<vmem>>)
        %add3A_95 = arith.constant 1 : i32
        %add3A_96 = arith.addi %add3A_88, %add3A_95 : i32
        %lt3A_97 = arith.constant 40 : i32
        %lt3A_98 = arith.cmpi slt, %add3A_96, %lt3A_97 : i32
        %convert_element_type3A_99 = arith.extui %lt3A_98 : i1 to i32
        %cond3A_100 = arith.constant 0 : i32
        %cond3A_101 = arith.cmpi ne, %convert_element_type3A_99, %cond3A_100 : i32
        scf.if %cond3A_101 {
          %dma_start3A_102 = arith.constant 0 : i32
          %dma_start3A_103 = tpu.memref_slice %arg7[%add3A_96, %dma_start3A_102] : memref<40x128xi32, #tpu.memory_space<vmem>> -> memref<1x128xi32, #tpu.memory_space<vmem>>
          %dma_start3A_104 = tpu.memref_squeeze %dma_start3A_103 : memref<1x128xi32, #tpu.memory_space<vmem>> -> memref<128xi32, #tpu.memory_space<vmem>>
          %dma_start3A_105 = arith.constant 0 : i32
          %dma_start3A_106 = arith.constant 0 : i32
          %dma_start3A_107 = tpu.memref_slice %arg2[%dma_start3A_105, %dma_start3A_106] : memref<10240x128xf32, #tpu.memory_space<hbm>> -> memref<10240x128xf32, #tpu.memory_space<hbm>>
          tpu.enqueue_indirect_dma source(%dma_start3A_107 : memref<10240x128xf32, #tpu.memory_space<hbm>>) target(%arg9 : memref<128x128xf32, #tpu.memory_space<vmem>>) offsets(%dma_start3A_104 : memref<128xi32, #tpu.memory_space<vmem>>) semaphore(%arg12 : memref<!tpu.dma_semaphore, #tpu.memory_space<semaphore_mem>>)
        } else {
        }
        "tpu.region"() ({
          %run_scoped3A = tpu.sem_alloc : memref<!tpu.dma_semaphore, #tpu.memory_space<semaphore_mem>>
          %dma_start3A_102 = arith.constant 0 : i32
          %dma_start3A_103 = tpu.memref_slice %arg8[%add3A_88, %dma_start3A_102] : memref<40x128xi32, #tpu.memory_space<vmem>> -> memref<1x128xi32, #tpu.memory_space<vmem>>
          %dma_start3A_104 = tpu.memref_squeeze %dma_start3A_103 : memref<1x128xi32, #tpu.memory_space<vmem>> -> memref<128xi32, #tpu.memory_space<vmem>>
          %dma_start3A_105 = arith.constant 0 : i32
          %dma_start3A_106 = arith.constant 0 : i32
          %dma_start3A_107 = tpu.memref_slice %arg11[%dma_start3A_105, %dma_start3A_106] : memref<10240x128xf32, #tpu.memory_space<vmem_shared>> -> memref<10240x128xf32, #tpu.memory_space<vmem_shared>>
          tpu.enqueue_indirect_dma source(%arg10 : memref<128x128xf32, #tpu.memory_space<vmem>>) target(%dma_start3A_107 : memref<10240x128xf32, #tpu.memory_space<vmem_shared>>) offsets(%dma_start3A_104 : memref<128xi32, #tpu.memory_space<vmem>>) semaphore(%run_scoped3A : memref<!tpu.dma_semaphore, #tpu.memory_space<semaphore_mem>>) {add = true}
          %dma_wait3A_108 = arith.constant 0 : i32
          %dma_wait3A_109 = tpu.memref_slice %arg8[%add3A_88, %dma_wait3A_108] : memref<40x128xi32, #tpu.memory_space<vmem>> -> memref<1x128xi32, #tpu.memory_space<vmem>>
          %dma_wait3A_110 = tpu.memref_squeeze %dma_wait3A_109 : memref<1x128xi32, #tpu.memory_space<vmem>> -> memref<128xi32, #tpu.memory_space<vmem>>
          %dma_wait3A_111 = arith.constant 0 : i32
          %dma_wait3A_112 = arith.constant 0 : i32
          %dma_wait3A_113 = tpu.memref_slice %arg11[%dma_wait3A_111, %dma_wait3A_112] : memref<10240x128xf32, #tpu.memory_space<vmem_shared>> -> memref<10240x128xf32, #tpu.memory_space<vmem_shared>>
          tpu.wait_indirect_dma semaphore(%run_scoped3A : memref<!tpu.dma_semaphore, #tpu.memory_space<semaphore_mem>>) src(%arg10 : memref<128x128xf32, #tpu.memory_space<vmem>>) dst(%dma_wait3A_113 : memref<10240x128xf32, #tpu.memory_space<vmem_shared>>)
          tpu.yield
        }) : () -> ()
      }
      %scan3A_30 = arith.constant 20 : i32
      %mul3A_31 = arith.constant 3 : i32
      %mul3A_32 = arith.muli %arg1, %mul3A_31 : i32
      %add3A_33 = arith.constant 1 : i32
      %add3A_34 = arith.addi %mul3A_32, %add3A_33 : i32
      %mul3A_35 = arith.constant 40 : i32
      %mul3A_36 = arith.muli %add3A_34, %mul3A_35 : i32
      "tpu.region"() ({
        %run_scoped3A = tpu.sem_alloc : memref<!tpu.dma_semaphore, #tpu.memory_space<semaphore_mem>>
        %dma_start3A_69 = arith.constant 0 : i32
        %dma_start3A_70 = tpu.memref_slice %arg3[%mul3A_36, %dma_start3A_69] : memref<2560x128xi32, #tpu.memory_space<hbm>> -> memref<40x128xi32, #tpu.memory_space<hbm>>
        %dma_start3A_71 = arith.constant 0 : i32
        %dma_start3A_72 = tpu.memref_slice %arg3[%mul3A_36, %dma_start3A_71] : memref<2560x128xi32, #tpu.memory_space<hbm>> -> memref<40x128xi32, #tpu.memory_space<hbm>>
        tpu.enqueue_dma source(%dma_start3A_72 : memref<40x128xi32, #tpu.memory_space<hbm>>) target(%arg7 : memref<40x128xi32, #tpu.memory_space<vmem>>) target_semaphore(%run_scoped3A : memref<!tpu.dma_semaphore, #tpu.memory_space<semaphore_mem>>)
        %dma_wait3A = arith.constant 0 : i32
        %dma_wait3A_73 = tpu.memref_slice %arg3[%mul3A_36, %dma_wait3A] : memref<2560x128xi32, #tpu.memory_space<hbm>> -> memref<40x128xi32, #tpu.memory_space<hbm>>
        %dma_wait3A_74 = arith.constant 0 : i32
        %dma_wait3A_75 = tpu.memref_slice %arg3[%mul3A_36, %dma_wait3A_74] : memref<2560x128xi32, #tpu.memory_space<hbm>> -> memref<40x128xi32, #tpu.memory_space<hbm>>
        tpu.wait_dma2 semaphore(%run_scoped3A : memref<!tpu.dma_semaphore, #tpu.memory_space<semaphore_mem>>) src(%dma_wait3A_75 : memref<40x128xi32, #tpu.memory_space<hbm>>) dst(%arg7 : memref<40x128xi32, #tpu.memory_space<vmem>>)
        tpu.yield
      }) : () -> ()
      "tpu.region"() ({
        %run_scoped3A = tpu.sem_alloc : memref<!tpu.dma_semaphore, #tpu.memory_space<semaphore_mem>>
        %dma_start3A_69 = arith.constant 0 : i32
        %dma_start3A_70 = tpu.memref_slice %arg4[%mul3A_36, %dma_start3A_69] : memref<2560x128xi32, #tpu.memory_space<hbm>> -> memref<40x128xi32, #tpu.memory_space<hbm>>
        %dma_start3A_71 = arith.constant 0 : i32
        %dma_start3A_72 = tpu.memref_slice %arg4[%mul3A_36, %dma_start3A_71] : memref<2560x128xi32, #tpu.memory_space<hbm>> -> memref<40x128xi32, #tpu.memory_space<hbm>>
        tpu.enqueue_dma source(%dma_start3A_72 : memref<40x128xi32, #tpu.memory_space<hbm>>) target(%arg8 : memref<40x128xi32, #tpu.memory_space<vmem>>) target_semaphore(%run_scoped3A : memref<!tpu.dma_semaphore, #tpu.memory_space<semaphore_mem>>)
        %dma_wait3A = arith.constant 0 : i32
        %dma_wait3A_73 = tpu.memref_slice %arg4[%mul3A_36, %dma_wait3A] : memref<2560x128xi32, #tpu.memory_space<hbm>> -> memref<40x128xi32, #tpu.memory_space<hbm>>
        %dma_wait3A_74 = arith.constant 0 : i32
        %dma_wait3A_75 = tpu.memref_slice %arg4[%mul3A_36, %dma_wait3A_74] : memref<2560x128xi32, #tpu.memory_space<hbm>> -> memref<40x128xi32, #tpu.memory_space<hbm>>
        tpu.wait_dma2 semaphore(%run_scoped3A : memref<!tpu.dma_semaphore, #tpu.memory_space<semaphore_mem>>) src(%dma_wait3A_75 : memref<40x128xi32, #tpu.memory_space<hbm>>) dst(%arg8 : memref<40x128xi32, #tpu.memory_space<vmem>>)
        tpu.yield
      }) : () -> ()
      %dma_start3A_37 = arith.constant 0 : i32
      %dma_start3A_38 = arith.constant 0 : i32
      %dma_start3A_39 = tpu.memref_slice %arg7[%dma_start3A_37, %dma_start3A_38] : memref<40x128xi32, #tpu.memory_space<vmem>> -> memref<1x128xi32, #tpu.memory_space<vmem>>
      %dma_start3A_40 = tpu.memref_squeeze %dma_start3A_39 : memref<1x128xi32, #tpu.memory_space<vmem>> -> memref<128xi32, #tpu.memory_space<vmem>>
      %dma_start3A_41 = arith.constant 0 : i32
      %dma_start3A_42 = arith.constant 0 : i32
      %dma_start3A_43 = tpu.memref_slice %arg2[%dma_start3A_41, %dma_start3A_42] : memref<10240x128xf32, #tpu.memory_space<hbm>> -> memref<10240x128xf32, #tpu.memory_space<hbm>>
      tpu.enqueue_indirect_dma source(%dma_start3A_43 : memref<10240x128xf32, #tpu.memory_space<hbm>>) target(%arg9 : memref<128x128xf32, #tpu.memory_space<vmem>>) offsets(%dma_start3A_40 : memref<128xi32, #tpu.memory_space<vmem>>) semaphore(%arg12 : memref<!tpu.dma_semaphore, #tpu.memory_space<semaphore_mem>>)
      %scan3A_44 = arith.constant 0 : i32
      %scan3A_45 = arith.constant 0 : i32
      %scan3A_46 = arith.constant 20 : i32
      %scan3A_47 = arith.addi %scan3A_45, %scan3A_46 : i32
      %scan3A_48 = arith.constant 1 : i32
      scf.for %scan3A_69 = %scan3A_45 to %scan3A_47 step %scan3A_48  : i32 {
        %mul3A_70 = arith.constant 2 : i32
        %mul3A_71 = arith.muli %scan3A_69, %mul3A_70 : i32
        %add3A_72 = arith.constant 0 : i32
        %add3A_73 = arith.addi %mul3A_71, %add3A_72 : i32
        %dma_wait3A = arith.constant 0 : i32
        %dma_wait3A_74 = tpu.memref_slice %arg7[%add3A_73, %dma_wait3A] : memref<40x128xi32, #tpu.memory_space<vmem>> -> memref<1x128xi32, #tpu.memory_space<vmem>>
        %dma_wait3A_75 = tpu.memref_squeeze %dma_wait3A_74 : memref<1x128xi32, #tpu.memory_space<vmem>> -> memref<128xi32, #tpu.memory_space<vmem>>
        %dma_wait3A_76 = arith.constant 0 : i32
        %dma_wait3A_77 = arith.constant 0 : i32
        %dma_wait3A_78 = tpu.memref_slice %arg2[%dma_wait3A_76, %dma_wait3A_77] : memref<10240x128xf32, #tpu.memory_space<hbm>> -> memref<10240x128xf32, #tpu.memory_space<hbm>>
        tpu.wait_indirect_dma semaphore(%arg12 : memref<!tpu.dma_semaphore, #tpu.memory_space<semaphore_mem>>) src(%dma_wait3A_78 : memref<10240x128xf32, #tpu.memory_space<hbm>>) dst(%arg9 : memref<128x128xf32, #tpu.memory_space<vmem>>)
        %add3A_79 = arith.constant 1 : i32
        %add3A_80 = arith.addi %add3A_73, %add3A_79 : i32
        %lt3A = arith.constant 40 : i32
        %lt3A_81 = arith.cmpi slt, %add3A_80, %lt3A : i32
        %convert_element_type3A_82 = arith.extui %lt3A_81 : i1 to i32
        %cond3A_83 = arith.constant 0 : i32
        %cond3A_84 = arith.cmpi ne, %convert_element_type3A_82, %cond3A_83 : i32
        scf.if %cond3A_84 {
          %dma_start3A_102 = arith.constant 0 : i32
          %dma_start3A_103 = tpu.memref_slice %arg7[%add3A_80, %dma_start3A_102] : memref<40x128xi32, #tpu.memory_space<vmem>> -> memref<1x128xi32, #tpu.memory_space<vmem>>
          %dma_start3A_104 = tpu.memref_squeeze %dma_start3A_103 : memref<1x128xi32, #tpu.memory_space<vmem>> -> memref<128xi32, #tpu.memory_space<vmem>>
          %dma_start3A_105 = arith.constant 0 : i32
          %dma_start3A_106 = arith.constant 0 : i32
          %dma_start3A_107 = tpu.memref_slice %arg2[%dma_start3A_105, %dma_start3A_106] : memref<10240x128xf32, #tpu.memory_space<hbm>> -> memref<10240x128xf32, #tpu.memory_space<hbm>>
          tpu.enqueue_indirect_dma source(%dma_start3A_107 : memref<10240x128xf32, #tpu.memory_space<hbm>>) target(%arg10 : memref<128x128xf32, #tpu.memory_space<vmem>>) offsets(%dma_start3A_104 : memref<128xi32, #tpu.memory_space<vmem>>) semaphore(%arg13 : memref<!tpu.dma_semaphore, #tpu.memory_space<semaphore_mem>>)
        } else {
        }
        "tpu.region"() ({
          %run_scoped3A = tpu.sem_alloc : memref<!tpu.dma_semaphore, #tpu.memory_space<semaphore_mem>>
          %dma_start3A_102 = arith.constant 0 : i32
          %dma_start3A_103 = tpu.memref_slice %arg8[%add3A_73, %dma_start3A_102] : memref<40x128xi32, #tpu.memory_space<vmem>> -> memref<1x128xi32, #tpu.memory_space<vmem>>
          %dma_start3A_104 = tpu.memref_squeeze %dma_start3A_103 : memref<1x128xi32, #tpu.memory_space<vmem>> -> memref<128xi32, #tpu.memory_space<vmem>>
          %dma_start3A_105 = arith.constant 0 : i32
          %dma_start3A_106 = arith.constant 0 : i32
          %dma_start3A_107 = tpu.memref_slice %arg11[%dma_start3A_105, %dma_start3A_106] : memref<10240x128xf32, #tpu.memory_space<vmem_shared>> -> memref<10240x128xf32, #tpu.memory_space<vmem_shared>>
          tpu.enqueue_indirect_dma source(%arg9 : memref<128x128xf32, #tpu.memory_space<vmem>>) target(%dma_start3A_107 : memref<10240x128xf32, #tpu.memory_space<vmem_shared>>) offsets(%dma_start3A_104 : memref<128xi32, #tpu.memory_space<vmem>>) semaphore(%run_scoped3A : memref<!tpu.dma_semaphore, #tpu.memory_space<semaphore_mem>>) {add = true}
          %dma_wait3A_108 = arith.constant 0 : i32
          %dma_wait3A_109 = tpu.memref_slice %arg8[%add3A_73, %dma_wait3A_108] : memref<40x128xi32, #tpu.memory_space<vmem>> -> memref<1x128xi32, #tpu.memory_space<vmem>>
          %dma_wait3A_110 = tpu.memref_squeeze %dma_wait3A_109 : memref<1x128xi32, #tpu.memory_space<vmem>> -> memref<128xi32, #tpu.memory_space<vmem>>
          %dma_wait3A_111 = arith.constant 0 : i32
          %dma_wait3A_112 = arith.constant 0 : i32
          %dma_wait3A_113 = tpu.memref_slice %arg11[%dma_wait3A_111, %dma_wait3A_112] : memref<10240x128xf32, #tpu.memory_space<vmem_shared>> -> memref<10240x128xf32, #tpu.memory_space<vmem_shared>>
          tpu.wait_indirect_dma semaphore(%run_scoped3A : memref<!tpu.dma_semaphore, #tpu.memory_space<semaphore_mem>>) src(%arg9 : memref<128x128xf32, #tpu.memory_space<vmem>>) dst(%dma_wait3A_113 : memref<10240x128xf32, #tpu.memory_space<vmem_shared>>)
          tpu.yield
        }) : () -> ()
        %mul3A_85 = arith.constant 2 : i32
        %mul3A_86 = arith.muli %scan3A_69, %mul3A_85 : i32
        %add3A_87 = arith.constant 1 : i32
        %add3A_88 = arith.addi %mul3A_86, %add3A_87 : i32
        %dma_wait3A_89 = arith.constant 0 : i32
        %dma_wait3A_90 = tpu.memref_slice %arg7[%add3A_88, %dma_wait3A_89] : memref<40x128xi32, #tpu.memory_space<vmem>> -> memref<1x128xi32, #tpu.memory_space<vmem>>
        %dma_wait3A_91 = tpu.memref_squeeze %dma_wait3A_90 : memref<1x128xi32, #tpu.memory_space<vmem>> -> memref<128xi32, #tpu.memory_space<vmem>>
        %dma_wait3A_92 = arith.constant 0 : i32
        %dma_wait3A_93 = arith.constant 0 : i32
        %dma_wait3A_94 = tpu.memref_slice %arg2[%dma_wait3A_92, %dma_wait3A_93] : memref<10240x128xf32, #tpu.memory_space<hbm>> -> memref<10240x128xf32, #tpu.memory_space<hbm>>
        tpu.wait_indirect_dma semaphore(%arg13 : memref<!tpu.dma_semaphore, #tpu.memory_space<semaphore_mem>>) src(%dma_wait3A_94 : memref<10240x128xf32, #tpu.memory_space<hbm>>) dst(%arg10 : memref<128x128xf32, #tpu.memory_space<vmem>>)
        %add3A_95 = arith.constant 1 : i32
        %add3A_96 = arith.addi %add3A_88, %add3A_95 : i32
        %lt3A_97 = arith.constant 40 : i32
        %lt3A_98 = arith.cmpi slt, %add3A_96, %lt3A_97 : i32
        %convert_element_type3A_99 = arith.extui %lt3A_98 : i1 to i32
        %cond3A_100 = arith.constant 0 : i32
        %cond3A_101 = arith.cmpi ne, %convert_element_type3A_99, %cond3A_100 : i32
        scf.if %cond3A_101 {
          %dma_start3A_102 = arith.constant 0 : i32
          %dma_start3A_103 = tpu.memref_slice %arg7[%add3A_96, %dma_start3A_102] : memref<40x128xi32, #tpu.memory_space<vmem>> -> memref<1x128xi32, #tpu.memory_space<vmem>>
          %dma_start3A_104 = tpu.memref_squeeze %dma_start3A_103 : memref<1x128xi32, #tpu.memory_space<vmem>> -> memref<128xi32, #tpu.memory_space<vmem>>
          %dma_start3A_105 = arith.constant 0 : i32
          %dma_start3A_106 = arith.constant 0 : i32
          %dma_start3A_107 = tpu.memref_slice %arg2[%dma_start3A_105, %dma_start3A_106] : memref<10240x128xf32, #tpu.memory_space<hbm>> -> memref<10240x128xf32, #tpu.memory_space<hbm>>
          tpu.enqueue_indirect_dma source(%dma_start3A_107 : memref<10240x128xf32, #tpu.memory_space<hbm>>) target(%arg9 : memref<128x128xf32, #tpu.memory_space<vmem>>) offsets(%dma_start3A_104 : memref<128xi32, #tpu.memory_space<vmem>>) semaphore(%arg12 : memref<!tpu.dma_semaphore, #tpu.memory_space<semaphore_mem>>)
        } else {
        }
        "tpu.region"() ({
          %run_scoped3A = tpu.sem_alloc : memref<!tpu.dma_semaphore, #tpu.memory_space<semaphore_mem>>
          %dma_start3A_102 = arith.constant 0 : i32
          %dma_start3A_103 = tpu.memref_slice %arg8[%add3A_88, %dma_start3A_102] : memref<40x128xi32, #tpu.memory_space<vmem>> -> memref<1x128xi32, #tpu.memory_space<vmem>>
          %dma_start3A_104 = tpu.memref_squeeze %dma_start3A_103 : memref<1x128xi32, #tpu.memory_space<vmem>> -> memref<128xi32, #tpu.memory_space<vmem>>
          %dma_start3A_105 = arith.constant 0 : i32
          %dma_start3A_106 = arith.constant 0 : i32
          %dma_start3A_107 = tpu.memref_slice %arg11[%dma_start3A_105, %dma_start3A_106] : memref<10240x128xf32, #tpu.memory_space<vmem_shared>> -> memref<10240x128xf32, #tpu.memory_space<vmem_shared>>
          tpu.enqueue_indirect_dma source(%arg10 : memref<128x128xf32, #tpu.memory_space<vmem>>) target(%dma_start3A_107 : memref<10240x128xf32, #tpu.memory_space<vmem_shared>>) offsets(%dma_start3A_104 : memref<128xi32, #tpu.memory_space<vmem>>) semaphore(%run_scoped3A : memref<!tpu.dma_semaphore, #tpu.memory_space<semaphore_mem>>) {add = true}
          %dma_wait3A_108 = arith.constant 0 : i32
          %dma_wait3A_109 = tpu.memref_slice %arg8[%add3A_88, %dma_wait3A_108] : memref<40x128xi32, #tpu.memory_space<vmem>> -> memref<1x128xi32, #tpu.memory_space<vmem>>
          %dma_wait3A_110 = tpu.memref_squeeze %dma_wait3A_109 : memref<1x128xi32, #tpu.memory_space<vmem>> -> memref<128xi32, #tpu.memory_space<vmem>>
          %dma_wait3A_111 = arith.constant 0 : i32
          %dma_wait3A_112 = arith.constant 0 : i32
          %dma_wait3A_113 = tpu.memref_slice %arg11[%dma_wait3A_111, %dma_wait3A_112] : memref<10240x128xf32, #tpu.memory_space<vmem_shared>> -> memref<10240x128xf32, #tpu.memory_space<vmem_shared>>
          tpu.wait_indirect_dma semaphore(%run_scoped3A : memref<!tpu.dma_semaphore, #tpu.memory_space<semaphore_mem>>) src(%arg10 : memref<128x128xf32, #tpu.memory_space<vmem>>) dst(%dma_wait3A_113 : memref<10240x128xf32, #tpu.memory_space<vmem_shared>>)
          tpu.yield
        }) : () -> ()
      }
      %scan3A_49 = arith.constant 20 : i32
      %mul3A_50 = arith.constant 3 : i32
      %mul3A_51 = arith.muli %arg1, %mul3A_50 : i32
      %add3A_52 = arith.constant 2 : i32
      %add3A_53 = arith.addi %mul3A_51, %add3A_52 : i32
      %mul3A_54 = arith.constant 40 : i32
      %mul3A_55 = arith.muli %add3A_53, %mul3A_54 : i32
      "tpu.region"() ({
        %run_scoped3A = tpu.sem_alloc : memref<!tpu.dma_semaphore, #tpu.memory_space<semaphore_mem>>
        %dma_start3A_69 = arith.constant 0 : i32
        %dma_start3A_70 = tpu.memref_slice %arg3[%mul3A_55, %dma_start3A_69] : memref<2560x128xi32, #tpu.memory_space<hbm>> -> memref<40x128xi32, #tpu.memory_space<hbm>>
        %dma_start3A_71 = arith.constant 0 : i32
        %dma_start3A_72 = tpu.memref_slice %arg3[%mul3A_55, %dma_start3A_71] : memref<2560x128xi32, #tpu.memory_space<hbm>> -> memref<40x128xi32, #tpu.memory_space<hbm>>
        tpu.enqueue_dma source(%dma_start3A_72 : memref<40x128xi32, #tpu.memory_space<hbm>>) target(%arg7 : memref<40x128xi32, #tpu.memory_space<vmem>>) target_semaphore(%run_scoped3A : memref<!tpu.dma_semaphore, #tpu.memory_space<semaphore_mem>>)
        %dma_wait3A = arith.constant 0 : i32
        %dma_wait3A_73 = tpu.memref_slice %arg3[%mul3A_55, %dma_wait3A] : memref<2560x128xi32, #tpu.memory_space<hbm>> -> memref<40x128xi32, #tpu.memory_space<hbm>>
        %dma_wait3A_74 = arith.constant 0 : i32
        %dma_wait3A_75 = tpu.memref_slice %arg3[%mul3A_55, %dma_wait3A_74] : memref<2560x128xi32, #tpu.memory_space<hbm>> -> memref<40x128xi32, #tpu.memory_space<hbm>>
        tpu.wait_dma2 semaphore(%run_scoped3A : memref<!tpu.dma_semaphore, #tpu.memory_space<semaphore_mem>>) src(%dma_wait3A_75 : memref<40x128xi32, #tpu.memory_space<hbm>>) dst(%arg7 : memref<40x128xi32, #tpu.memory_space<vmem>>)
        tpu.yield
      }) : () -> ()
      "tpu.region"() ({
        %run_scoped3A = tpu.sem_alloc : memref<!tpu.dma_semaphore, #tpu.memory_space<semaphore_mem>>
        %dma_start3A_69 = arith.constant 0 : i32
        %dma_start3A_70 = tpu.memref_slice %arg4[%mul3A_55, %dma_start3A_69] : memref<2560x128xi32, #tpu.memory_space<hbm>> -> memref<40x128xi32, #tpu.memory_space<hbm>>
        %dma_start3A_71 = arith.constant 0 : i32
        %dma_start3A_72 = tpu.memref_slice %arg4[%mul3A_55, %dma_start3A_71] : memref<2560x128xi32, #tpu.memory_space<hbm>> -> memref<40x128xi32, #tpu.memory_space<hbm>>
        tpu.enqueue_dma source(%dma_start3A_72 : memref<40x128xi32, #tpu.memory_space<hbm>>) target(%arg8 : memref<40x128xi32, #tpu.memory_space<vmem>>) target_semaphore(%run_scoped3A : memref<!tpu.dma_semaphore, #tpu.memory_space<semaphore_mem>>)
        %dma_wait3A = arith.constant 0 : i32
        %dma_wait3A_73 = tpu.memref_slice %arg4[%mul3A_55, %dma_wait3A] : memref<2560x128xi32, #tpu.memory_space<hbm>> -> memref<40x128xi32, #tpu.memory_space<hbm>>
        %dma_wait3A_74 = arith.constant 0 : i32
        %dma_wait3A_75 = tpu.memref_slice %arg4[%mul3A_55, %dma_wait3A_74] : memref<2560x128xi32, #tpu.memory_space<hbm>> -> memref<40x128xi32, #tpu.memory_space<hbm>>
        tpu.wait_dma2 semaphore(%run_scoped3A : memref<!tpu.dma_semaphore, #tpu.memory_space<semaphore_mem>>) src(%dma_wait3A_75 : memref<40x128xi32, #tpu.memory_space<hbm>>) dst(%arg8 : memref<40x128xi32, #tpu.memory_space<vmem>>)
        tpu.yield
      }) : () -> ()
      %dma_start3A_56 = arith.constant 0 : i32
      %dma_start3A_57 = arith.constant 0 : i32
      %dma_start3A_58 = tpu.memref_slice %arg7[%dma_start3A_56, %dma_start3A_57] : memref<40x128xi32, #tpu.memory_space<vmem>> -> memref<1x128xi32, #tpu.memory_space<vmem>>
      %dma_start3A_59 = tpu.memref_squeeze %dma_start3A_58 : memref<1x128xi32, #tpu.memory_space<vmem>> -> memref<128xi32, #tpu.memory_space<vmem>>
      %dma_start3A_60 = arith.constant 0 : i32
      %dma_start3A_61 = arith.constant 0 : i32
      %dma_start3A_62 = tpu.memref_slice %arg2[%dma_start3A_60, %dma_start3A_61] : memref<10240x128xf32, #tpu.memory_space<hbm>> -> memref<10240x128xf32, #tpu.memory_space<hbm>>
      tpu.enqueue_indirect_dma source(%dma_start3A_62 : memref<10240x128xf32, #tpu.memory_space<hbm>>) target(%arg9 : memref<128x128xf32, #tpu.memory_space<vmem>>) offsets(%dma_start3A_59 : memref<128xi32, #tpu.memory_space<vmem>>) semaphore(%arg12 : memref<!tpu.dma_semaphore, #tpu.memory_space<semaphore_mem>>)
      %scan3A_63 = arith.constant 0 : i32
      %scan3A_64 = arith.constant 0 : i32
      %scan3A_65 = arith.constant 20 : i32
      %scan3A_66 = arith.addi %scan3A_64, %scan3A_65 : i32
      %scan3A_67 = arith.constant 1 : i32
      scf.for %scan3A_69 = %scan3A_64 to %scan3A_66 step %scan3A_67  : i32 {
        %mul3A_70 = arith.constant 2 : i32
        %mul3A_71 = arith.muli %scan3A_69, %mul3A_70 : i32
        %add3A_72 = arith.constant 0 : i32
        %add3A_73 = arith.addi %mul3A_71, %add3A_72 : i32
        %dma_wait3A = arith.constant 0 : i32
        %dma_wait3A_74 = tpu.memref_slice %arg7[%add3A_73, %dma_wait3A] : memref<40x128xi32, #tpu.memory_space<vmem>> -> memref<1x128xi32, #tpu.memory_space<vmem>>
        %dma_wait3A_75 = tpu.memref_squeeze %dma_wait3A_74 : memref<1x128xi32, #tpu.memory_space<vmem>> -> memref<128xi32, #tpu.memory_space<vmem>>
        %dma_wait3A_76 = arith.constant 0 : i32
        %dma_wait3A_77 = arith.constant 0 : i32
        %dma_wait3A_78 = tpu.memref_slice %arg2[%dma_wait3A_76, %dma_wait3A_77] : memref<10240x128xf32, #tpu.memory_space<hbm>> -> memref<10240x128xf32, #tpu.memory_space<hbm>>
        tpu.wait_indirect_dma semaphore(%arg12 : memref<!tpu.dma_semaphore, #tpu.memory_space<semaphore_mem>>) src(%dma_wait3A_78 : memref<10240x128xf32, #tpu.memory_space<hbm>>) dst(%arg9 : memref<128x128xf32, #tpu.memory_space<vmem>>)
        %add3A_79 = arith.constant 1 : i32
        %add3A_80 = arith.addi %add3A_73, %add3A_79 : i32
        %lt3A = arith.constant 40 : i32
        %lt3A_81 = arith.cmpi slt, %add3A_80, %lt3A : i32
        %convert_element_type3A_82 = arith.extui %lt3A_81 : i1 to i32
        %cond3A_83 = arith.constant 0 : i32
        %cond3A_84 = arith.cmpi ne, %convert_element_type3A_82, %cond3A_83 : i32
        scf.if %cond3A_84 {
          %dma_start3A_102 = arith.constant 0 : i32
          %dma_start3A_103 = tpu.memref_slice %arg7[%add3A_80, %dma_start3A_102] : memref<40x128xi32, #tpu.memory_space<vmem>> -> memref<1x128xi32, #tpu.memory_space<vmem>>
          %dma_start3A_104 = tpu.memref_squeeze %dma_start3A_103 : memref<1x128xi32, #tpu.memory_space<vmem>> -> memref<128xi32, #tpu.memory_space<vmem>>
          %dma_start3A_105 = arith.constant 0 : i32
          %dma_start3A_106 = arith.constant 0 : i32
          %dma_start3A_107 = tpu.memref_slice %arg2[%dma_start3A_105, %dma_start3A_106] : memref<10240x128xf32, #tpu.memory_space<hbm>> -> memref<10240x128xf32, #tpu.memory_space<hbm>>
          tpu.enqueue_indirect_dma source(%dma_start3A_107 : memref<10240x128xf32, #tpu.memory_space<hbm>>) target(%arg10 : memref<128x128xf32, #tpu.memory_space<vmem>>) offsets(%dma_start3A_104 : memref<128xi32, #tpu.memory_space<vmem>>) semaphore(%arg13 : memref<!tpu.dma_semaphore, #tpu.memory_space<semaphore_mem>>)
        } else {
        }
        "tpu.region"() ({
          %run_scoped3A = tpu.sem_alloc : memref<!tpu.dma_semaphore, #tpu.memory_space<semaphore_mem>>
          %dma_start3A_102 = arith.constant 0 : i32
          %dma_start3A_103 = tpu.memref_slice %arg8[%add3A_73, %dma_start3A_102] : memref<40x128xi32, #tpu.memory_space<vmem>> -> memref<1x128xi32, #tpu.memory_space<vmem>>
          %dma_start3A_104 = tpu.memref_squeeze %dma_start3A_103 : memref<1x128xi32, #tpu.memory_space<vmem>> -> memref<128xi32, #tpu.memory_space<vmem>>
          %dma_start3A_105 = arith.constant 0 : i32
          %dma_start3A_106 = arith.constant 0 : i32
          %dma_start3A_107 = tpu.memref_slice %arg11[%dma_start3A_105, %dma_start3A_106] : memref<10240x128xf32, #tpu.memory_space<vmem_shared>> -> memref<10240x128xf32, #tpu.memory_space<vmem_shared>>
          tpu.enqueue_indirect_dma source(%arg9 : memref<128x128xf32, #tpu.memory_space<vmem>>) target(%dma_start3A_107 : memref<10240x128xf32, #tpu.memory_space<vmem_shared>>) offsets(%dma_start3A_104 : memref<128xi32, #tpu.memory_space<vmem>>) semaphore(%run_scoped3A : memref<!tpu.dma_semaphore, #tpu.memory_space<semaphore_mem>>) {add = true}
          %dma_wait3A_108 = arith.constant 0 : i32
          %dma_wait3A_109 = tpu.memref_slice %arg8[%add3A_73, %dma_wait3A_108] : memref<40x128xi32, #tpu.memory_space<vmem>> -> memref<1x128xi32, #tpu.memory_space<vmem>>
          %dma_wait3A_110 = tpu.memref_squeeze %dma_wait3A_109 : memref<1x128xi32, #tpu.memory_space<vmem>> -> memref<128xi32, #tpu.memory_space<vmem>>
          %dma_wait3A_111 = arith.constant 0 : i32
          %dma_wait3A_112 = arith.constant 0 : i32
          %dma_wait3A_113 = tpu.memref_slice %arg11[%dma_wait3A_111, %dma_wait3A_112] : memref<10240x128xf32, #tpu.memory_space<vmem_shared>> -> memref<10240x128xf32, #tpu.memory_space<vmem_shared>>
          tpu.wait_indirect_dma semaphore(%run_scoped3A : memref<!tpu.dma_semaphore, #tpu.memory_space<semaphore_mem>>) src(%arg9 : memref<128x128xf32, #tpu.memory_space<vmem>>) dst(%dma_wait3A_113 : memref<10240x128xf32, #tpu.memory_space<vmem_shared>>)
          tpu.yield
        }) : () -> ()
        %mul3A_85 = arith.constant 2 : i32
        %mul3A_86 = arith.muli %scan3A_69, %mul3A_85 : i32
        %add3A_87 = arith.constant 1 : i32
        %add3A_88 = arith.addi %mul3A_86, %add3A_87 : i32
        %dma_wait3A_89 = arith.constant 0 : i32
        %dma_wait3A_90 = tpu.memref_slice %arg7[%add3A_88, %dma_wait3A_89] : memref<40x128xi32, #tpu.memory_space<vmem>> -> memref<1x128xi32, #tpu.memory_space<vmem>>
        %dma_wait3A_91 = tpu.memref_squeeze %dma_wait3A_90 : memref<1x128xi32, #tpu.memory_space<vmem>> -> memref<128xi32, #tpu.memory_space<vmem>>
        %dma_wait3A_92 = arith.constant 0 : i32
        %dma_wait3A_93 = arith.constant 0 : i32
        %dma_wait3A_94 = tpu.memref_slice %arg2[%dma_wait3A_92, %dma_wait3A_93] : memref<10240x128xf32, #tpu.memory_space<hbm>> -> memref<10240x128xf32, #tpu.memory_space<hbm>>
        tpu.wait_indirect_dma semaphore(%arg13 : memref<!tpu.dma_semaphore, #tpu.memory_space<semaphore_mem>>) src(%dma_wait3A_94 : memref<10240x128xf32, #tpu.memory_space<hbm>>) dst(%arg10 : memref<128x128xf32, #tpu.memory_space<vmem>>)
        %add3A_95 = arith.constant 1 : i32
        %add3A_96 = arith.addi %add3A_88, %add3A_95 : i32
        %lt3A_97 = arith.constant 40 : i32
        %lt3A_98 = arith.cmpi slt, %add3A_96, %lt3A_97 : i32
        %convert_element_type3A_99 = arith.extui %lt3A_98 : i1 to i32
        %cond3A_100 = arith.constant 0 : i32
        %cond3A_101 = arith.cmpi ne, %convert_element_type3A_99, %cond3A_100 : i32
        scf.if %cond3A_101 {
          %dma_start3A_102 = arith.constant 0 : i32
          %dma_start3A_103 = tpu.memref_slice %arg7[%add3A_96, %dma_start3A_102] : memref<40x128xi32, #tpu.memory_space<vmem>> -> memref<1x128xi32, #tpu.memory_space<vmem>>
          %dma_start3A_104 = tpu.memref_squeeze %dma_start3A_103 : memref<1x128xi32, #tpu.memory_space<vmem>> -> memref<128xi32, #tpu.memory_space<vmem>>
          %dma_start3A_105 = arith.constant 0 : i32
          %dma_start3A_106 = arith.constant 0 : i32
          %dma_start3A_107 = tpu.memref_slice %arg2[%dma_start3A_105, %dma_start3A_106] : memref<10240x128xf32, #tpu.memory_space<hbm>> -> memref<10240x128xf32, #tpu.memory_space<hbm>>
          tpu.enqueue_indirect_dma source(%dma_start3A_107 : memref<10240x128xf32, #tpu.memory_space<hbm>>) target(%arg9 : memref<128x128xf32, #tpu.memory_space<vmem>>) offsets(%dma_start3A_104 : memref<128xi32, #tpu.memory_space<vmem>>) semaphore(%arg12 : memref<!tpu.dma_semaphore, #tpu.memory_space<semaphore_mem>>)
        } else {
        }
        "tpu.region"() ({
          %run_scoped3A = tpu.sem_alloc : memref<!tpu.dma_semaphore, #tpu.memory_space<semaphore_mem>>
          %dma_start3A_102 = arith.constant 0 : i32
          %dma_start3A_103 = tpu.memref_slice %arg8[%add3A_88, %dma_start3A_102] : memref<40x128xi32, #tpu.memory_space<vmem>> -> memref<1x128xi32, #tpu.memory_space<vmem>>
          %dma_start3A_104 = tpu.memref_squeeze %dma_start3A_103 : memref<1x128xi32, #tpu.memory_space<vmem>> -> memref<128xi32, #tpu.memory_space<vmem>>
          %dma_start3A_105 = arith.constant 0 : i32
          %dma_start3A_106 = arith.constant 0 : i32
          %dma_start3A_107 = tpu.memref_slice %arg11[%dma_start3A_105, %dma_start3A_106] : memref<10240x128xf32, #tpu.memory_space<vmem_shared>> -> memref<10240x128xf32, #tpu.memory_space<vmem_shared>>
          tpu.enqueue_indirect_dma source(%arg10 : memref<128x128xf32, #tpu.memory_space<vmem>>) target(%dma_start3A_107 : memref<10240x128xf32, #tpu.memory_space<vmem_shared>>) offsets(%dma_start3A_104 : memref<128xi32, #tpu.memory_space<vmem>>) semaphore(%run_scoped3A : memref<!tpu.dma_semaphore, #tpu.memory_space<semaphore_mem>>) {add = true}
          %dma_wait3A_108 = arith.constant 0 : i32
          %dma_wait3A_109 = tpu.memref_slice %arg8[%add3A_88, %dma_wait3A_108] : memref<40x128xi32, #tpu.memory_space<vmem>> -> memref<1x128xi32, #tpu.memory_space<vmem>>
          %dma_wait3A_110 = tpu.memref_squeeze %dma_wait3A_109 : memref<1x128xi32, #tpu.memory_space<vmem>> -> memref<128xi32, #tpu.memory_space<vmem>>
          %dma_wait3A_111 = arith.constant 0 : i32
          %dma_wait3A_112 = arith.constant 0 : i32
          %dma_wait3A_113 = tpu.memref_slice %arg11[%dma_wait3A_111, %dma_wait3A_112] : memref<10240x128xf32, #tpu.memory_space<vmem_shared>> -> memref<10240x128xf32, #tpu.memory_space<vmem_shared>>
          tpu.wait_indirect_dma semaphore(%run_scoped3A : memref<!tpu.dma_semaphore, #tpu.memory_space<semaphore_mem>>) src(%arg10 : memref<128x128xf32, #tpu.memory_space<vmem>>) dst(%dma_wait3A_113 : memref<10240x128xf32, #tpu.memory_space<vmem_shared>>)
          tpu.yield
        }) : () -> ()
      }
      %scan3A_68 = arith.constant 20 : i32
    } else {
    }
    %ne3A = arith.constant 1 : i32
    %ne3A_3 = arith.cmpi ne, %arg0, %ne3A : i32
    %convert_element_type3A_4 = arith.extui %ne3A_3 : i1 to i32
    %cond3A_5 = arith.constant 0 : i32
    %cond3A_6 = arith.cmpi ne, %convert_element_type3A_4, %cond3A_5 : i32
    scf.if %cond3A_6 {
      %mul3A_14 = arith.constant 1 : i32
      %mul3A_15 = arith.muli %arg1, %mul3A_14 : i32
      %add3A_16 = arith.constant 0 : i32
      %add3A_17 = arith.addi %mul3A_15, %add3A_16 : i32
      %mul3A_18 = arith.constant 40 : i32
      %mul3A_19 = arith.muli %add3A_17, %mul3A_18 : i32
      %add3A_20 = arith.constant 1920 : i32
      %add3A_21 = arith.addi %add3A_20, %mul3A_19 : i32
      "tpu.region"() ({
        %run_scoped3A = tpu.sem_alloc : memref<!tpu.dma_semaphore, #tpu.memory_space<semaphore_mem>>
        %dma_start3A_33 = arith.constant 0 : i32
        %dma_start3A_34 = tpu.memref_slice %arg3[%add3A_21, %dma_start3A_33] : memref<2560x128xi32, #tpu.memory_space<hbm>> -> memref<40x128xi32, #tpu.memory_space<hbm>>
        %dma_start3A_35 = arith.constant 0 : i32
        %dma_start3A_36 = tpu.memref_slice %arg3[%add3A_21, %dma_start3A_35] : memref<2560x128xi32, #tpu.memory_space<hbm>> -> memref<40x128xi32, #tpu.memory_space<hbm>>
        tpu.enqueue_dma source(%dma_start3A_36 : memref<40x128xi32, #tpu.memory_space<hbm>>) target(%arg7 : memref<40x128xi32, #tpu.memory_space<vmem>>) target_semaphore(%run_scoped3A : memref<!tpu.dma_semaphore, #tpu.memory_space<semaphore_mem>>)
        %dma_wait3A = arith.constant 0 : i32
        %dma_wait3A_37 = tpu.memref_slice %arg3[%add3A_21, %dma_wait3A] : memref<2560x128xi32, #tpu.memory_space<hbm>> -> memref<40x128xi32, #tpu.memory_space<hbm>>
        %dma_wait3A_38 = arith.constant 0 : i32
        %dma_wait3A_39 = tpu.memref_slice %arg3[%add3A_21, %dma_wait3A_38] : memref<2560x128xi32, #tpu.memory_space<hbm>> -> memref<40x128xi32, #tpu.memory_space<hbm>>
        tpu.wait_dma2 semaphore(%run_scoped3A : memref<!tpu.dma_semaphore, #tpu.memory_space<semaphore_mem>>) src(%dma_wait3A_39 : memref<40x128xi32, #tpu.memory_space<hbm>>) dst(%arg7 : memref<40x128xi32, #tpu.memory_space<vmem>>)
        tpu.yield
      }) : () -> ()
      "tpu.region"() ({
        %run_scoped3A = tpu.sem_alloc : memref<!tpu.dma_semaphore, #tpu.memory_space<semaphore_mem>>
        %dma_start3A_33 = arith.constant 0 : i32
        %dma_start3A_34 = tpu.memref_slice %arg4[%add3A_21, %dma_start3A_33] : memref<2560x128xi32, #tpu.memory_space<hbm>> -> memref<40x128xi32, #tpu.memory_space<hbm>>
        %dma_start3A_35 = arith.constant 0 : i32
        %dma_start3A_36 = tpu.memref_slice %arg4[%add3A_21, %dma_start3A_35] : memref<2560x128xi32, #tpu.memory_space<hbm>> -> memref<40x128xi32, #tpu.memory_space<hbm>>
        tpu.enqueue_dma source(%dma_start3A_36 : memref<40x128xi32, #tpu.memory_space<hbm>>) target(%arg8 : memref<40x128xi32, #tpu.memory_space<vmem>>) target_semaphore(%run_scoped3A : memref<!tpu.dma_semaphore, #tpu.memory_space<semaphore_mem>>)
        %dma_wait3A = arith.constant 0 : i32
        %dma_wait3A_37 = tpu.memref_slice %arg4[%add3A_21, %dma_wait3A] : memref<2560x128xi32, #tpu.memory_space<hbm>> -> memref<40x128xi32, #tpu.memory_space<hbm>>
        %dma_wait3A_38 = arith.constant 0 : i32
        %dma_wait3A_39 = tpu.memref_slice %arg4[%add3A_21, %dma_wait3A_38] : memref<2560x128xi32, #tpu.memory_space<hbm>> -> memref<40x128xi32, #tpu.memory_space<hbm>>
        tpu.wait_dma2 semaphore(%run_scoped3A : memref<!tpu.dma_semaphore, #tpu.memory_space<semaphore_mem>>) src(%dma_wait3A_39 : memref<40x128xi32, #tpu.memory_space<hbm>>) dst(%arg8 : memref<40x128xi32, #tpu.memory_space<vmem>>)
        tpu.yield
      }) : () -> ()
      %dma_start3A = arith.constant 0 : i32
      %dma_start3A_22 = arith.constant 0 : i32
      %dma_start3A_23 = tpu.memref_slice %arg7[%dma_start3A, %dma_start3A_22] : memref<40x128xi32, #tpu.memory_space<vmem>> -> memref<1x128xi32, #tpu.memory_space<vmem>>
      %dma_start3A_24 = tpu.memref_squeeze %dma_start3A_23 : memref<1x128xi32, #tpu.memory_space<vmem>> -> memref<128xi32, #tpu.memory_space<vmem>>
      %dma_start3A_25 = arith.constant 0 : i32
      %dma_start3A_26 = arith.constant 0 : i32
      %dma_start3A_27 = tpu.memref_slice %arg2[%dma_start3A_25, %dma_start3A_26] : memref<10240x128xf32, #tpu.memory_space<hbm>> -> memref<10240x128xf32, #tpu.memory_space<hbm>>
      tpu.enqueue_indirect_dma source(%dma_start3A_27 : memref<10240x128xf32, #tpu.memory_space<hbm>>) target(%arg9 : memref<128x128xf32, #tpu.memory_space<vmem>>) offsets(%dma_start3A_24 : memref<128xi32, #tpu.memory_space<vmem>>) semaphore(%arg12 : memref<!tpu.dma_semaphore, #tpu.memory_space<semaphore_mem>>)
      %scan3A = arith.constant 0 : i32
      %scan3A_28 = arith.constant 0 : i32
      %scan3A_29 = arith.constant 20 : i32
      %scan3A_30 = arith.addi %scan3A_28, %scan3A_29 : i32
      %scan3A_31 = arith.constant 1 : i32
      scf.for %scan3A_33 = %scan3A_28 to %scan3A_30 step %scan3A_31  : i32 {
        %mul3A_34 = arith.constant 2 : i32
        %mul3A_35 = arith.muli %scan3A_33, %mul3A_34 : i32
        %add3A_36 = arith.constant 0 : i32
        %add3A_37 = arith.addi %mul3A_35, %add3A_36 : i32
        %dma_wait3A = arith.constant 0 : i32
        %dma_wait3A_38 = tpu.memref_slice %arg7[%add3A_37, %dma_wait3A] : memref<40x128xi32, #tpu.memory_space<vmem>> -> memref<1x128xi32, #tpu.memory_space<vmem>>
        %dma_wait3A_39 = tpu.memref_squeeze %dma_wait3A_38 : memref<1x128xi32, #tpu.memory_space<vmem>> -> memref<128xi32, #tpu.memory_space<vmem>>
        %dma_wait3A_40 = arith.constant 0 : i32
        %dma_wait3A_41 = arith.constant 0 : i32
        %dma_wait3A_42 = tpu.memref_slice %arg2[%dma_wait3A_40, %dma_wait3A_41] : memref<10240x128xf32, #tpu.memory_space<hbm>> -> memref<10240x128xf32, #tpu.memory_space<hbm>>
        tpu.wait_indirect_dma semaphore(%arg12 : memref<!tpu.dma_semaphore, #tpu.memory_space<semaphore_mem>>) src(%dma_wait3A_42 : memref<10240x128xf32, #tpu.memory_space<hbm>>) dst(%arg9 : memref<128x128xf32, #tpu.memory_space<vmem>>)
        %add3A_43 = arith.constant 1 : i32
        %add3A_44 = arith.addi %add3A_37, %add3A_43 : i32
        %lt3A = arith.constant 40 : i32
        %lt3A_45 = arith.cmpi slt, %add3A_44, %lt3A : i32
        %convert_element_type3A_46 = arith.extui %lt3A_45 : i1 to i32
        %cond3A_47 = arith.constant 0 : i32
        %cond3A_48 = arith.cmpi ne, %convert_element_type3A_46, %cond3A_47 : i32
        scf.if %cond3A_48 {
          %dma_start3A_66 = arith.constant 0 : i32
          %dma_start3A_67 = tpu.memref_slice %arg7[%add3A_44, %dma_start3A_66] : memref<40x128xi32, #tpu.memory_space<vmem>> -> memref<1x128xi32, #tpu.memory_space<vmem>>
          %dma_start3A_68 = tpu.memref_squeeze %dma_start3A_67 : memref<1x128xi32, #tpu.memory_space<vmem>> -> memref<128xi32, #tpu.memory_space<vmem>>
          %dma_start3A_69 = arith.constant 0 : i32
          %dma_start3A_70 = arith.constant 0 : i32
          %dma_start3A_71 = tpu.memref_slice %arg2[%dma_start3A_69, %dma_start3A_70] : memref<10240x128xf32, #tpu.memory_space<hbm>> -> memref<10240x128xf32, #tpu.memory_space<hbm>>
          tpu.enqueue_indirect_dma source(%dma_start3A_71 : memref<10240x128xf32, #tpu.memory_space<hbm>>) target(%arg10 : memref<128x128xf32, #tpu.memory_space<vmem>>) offsets(%dma_start3A_68 : memref<128xi32, #tpu.memory_space<vmem>>) semaphore(%arg13 : memref<!tpu.dma_semaphore, #tpu.memory_space<semaphore_mem>>)
        } else {
        }
        "tpu.region"() ({
          %run_scoped3A = tpu.sem_alloc : memref<!tpu.dma_semaphore, #tpu.memory_space<semaphore_mem>>
          %dma_start3A_66 = arith.constant 0 : i32
          %dma_start3A_67 = tpu.memref_slice %arg8[%add3A_37, %dma_start3A_66] : memref<40x128xi32, #tpu.memory_space<vmem>> -> memref<1x128xi32, #tpu.memory_space<vmem>>
          %dma_start3A_68 = tpu.memref_squeeze %dma_start3A_67 : memref<1x128xi32, #tpu.memory_space<vmem>> -> memref<128xi32, #tpu.memory_space<vmem>>
          %dma_start3A_69 = arith.constant 0 : i32
          %dma_start3A_70 = arith.constant 0 : i32
          %dma_start3A_71 = tpu.memref_slice %arg11[%dma_start3A_69, %dma_start3A_70] : memref<10240x128xf32, #tpu.memory_space<vmem_shared>> -> memref<10240x128xf32, #tpu.memory_space<vmem_shared>>
          tpu.enqueue_indirect_dma source(%arg9 : memref<128x128xf32, #tpu.memory_space<vmem>>) target(%dma_start3A_71 : memref<10240x128xf32, #tpu.memory_space<vmem_shared>>) offsets(%dma_start3A_68 : memref<128xi32, #tpu.memory_space<vmem>>) semaphore(%run_scoped3A : memref<!tpu.dma_semaphore, #tpu.memory_space<semaphore_mem>>) {add = true}
          %dma_wait3A_72 = arith.constant 0 : i32
          %dma_wait3A_73 = tpu.memref_slice %arg8[%add3A_37, %dma_wait3A_72] : memref<40x128xi32, #tpu.memory_space<vmem>> -> memref<1x128xi32, #tpu.memory_space<vmem>>
          %dma_wait3A_74 = tpu.memref_squeeze %dma_wait3A_73 : memref<1x128xi32, #tpu.memory_space<vmem>> -> memref<128xi32, #tpu.memory_space<vmem>>
          %dma_wait3A_75 = arith.constant 0 : i32
          %dma_wait3A_76 = arith.constant 0 : i32
          %dma_wait3A_77 = tpu.memref_slice %arg11[%dma_wait3A_75, %dma_wait3A_76] : memref<10240x128xf32, #tpu.memory_space<vmem_shared>> -> memref<10240x128xf32, #tpu.memory_space<vmem_shared>>
          tpu.wait_indirect_dma semaphore(%run_scoped3A : memref<!tpu.dma_semaphore, #tpu.memory_space<semaphore_mem>>) src(%arg9 : memref<128x128xf32, #tpu.memory_space<vmem>>) dst(%dma_wait3A_77 : memref<10240x128xf32, #tpu.memory_space<vmem_shared>>)
          tpu.yield
        }) : () -> ()
        %mul3A_49 = arith.constant 2 : i32
        %mul3A_50 = arith.muli %scan3A_33, %mul3A_49 : i32
        %add3A_51 = arith.constant 1 : i32
        %add3A_52 = arith.addi %mul3A_50, %add3A_51 : i32
        %dma_wait3A_53 = arith.constant 0 : i32
        %dma_wait3A_54 = tpu.memref_slice %arg7[%add3A_52, %dma_wait3A_53] : memref<40x128xi32, #tpu.memory_space<vmem>> -> memref<1x128xi32, #tpu.memory_space<vmem>>
        %dma_wait3A_55 = tpu.memref_squeeze %dma_wait3A_54 : memref<1x128xi32, #tpu.memory_space<vmem>> -> memref<128xi32, #tpu.memory_space<vmem>>
        %dma_wait3A_56 = arith.constant 0 : i32
        %dma_wait3A_57 = arith.constant 0 : i32
        %dma_wait3A_58 = tpu.memref_slice %arg2[%dma_wait3A_56, %dma_wait3A_57] : memref<10240x128xf32, #tpu.memory_space<hbm>> -> memref<10240x128xf32, #tpu.memory_space<hbm>>
        tpu.wait_indirect_dma semaphore(%arg13 : memref<!tpu.dma_semaphore, #tpu.memory_space<semaphore_mem>>) src(%dma_wait3A_58 : memref<10240x128xf32, #tpu.memory_space<hbm>>) dst(%arg10 : memref<128x128xf32, #tpu.memory_space<vmem>>)
        %add3A_59 = arith.constant 1 : i32
        %add3A_60 = arith.addi %add3A_52, %add3A_59 : i32
        %lt3A_61 = arith.constant 40 : i32
        %lt3A_62 = arith.cmpi slt, %add3A_60, %lt3A_61 : i32
        %convert_element_type3A_63 = arith.extui %lt3A_62 : i1 to i32
        %cond3A_64 = arith.constant 0 : i32
        %cond3A_65 = arith.cmpi ne, %convert_element_type3A_63, %cond3A_64 : i32
        scf.if %cond3A_65 {
          %dma_start3A_66 = arith.constant 0 : i32
          %dma_start3A_67 = tpu.memref_slice %arg7[%add3A_60, %dma_start3A_66] : memref<40x128xi32, #tpu.memory_space<vmem>> -> memref<1x128xi32, #tpu.memory_space<vmem>>
          %dma_start3A_68 = tpu.memref_squeeze %dma_start3A_67 : memref<1x128xi32, #tpu.memory_space<vmem>> -> memref<128xi32, #tpu.memory_space<vmem>>
          %dma_start3A_69 = arith.constant 0 : i32
          %dma_start3A_70 = arith.constant 0 : i32
          %dma_start3A_71 = tpu.memref_slice %arg2[%dma_start3A_69, %dma_start3A_70] : memref<10240x128xf32, #tpu.memory_space<hbm>> -> memref<10240x128xf32, #tpu.memory_space<hbm>>
          tpu.enqueue_indirect_dma source(%dma_start3A_71 : memref<10240x128xf32, #tpu.memory_space<hbm>>) target(%arg9 : memref<128x128xf32, #tpu.memory_space<vmem>>) offsets(%dma_start3A_68 : memref<128xi32, #tpu.memory_space<vmem>>) semaphore(%arg12 : memref<!tpu.dma_semaphore, #tpu.memory_space<semaphore_mem>>)
        } else {
        }
        "tpu.region"() ({
          %run_scoped3A = tpu.sem_alloc : memref<!tpu.dma_semaphore, #tpu.memory_space<semaphore_mem>>
          %dma_start3A_66 = arith.constant 0 : i32
          %dma_start3A_67 = tpu.memref_slice %arg8[%add3A_52, %dma_start3A_66] : memref<40x128xi32, #tpu.memory_space<vmem>> -> memref<1x128xi32, #tpu.memory_space<vmem>>
          %dma_start3A_68 = tpu.memref_squeeze %dma_start3A_67 : memref<1x128xi32, #tpu.memory_space<vmem>> -> memref<128xi32, #tpu.memory_space<vmem>>
          %dma_start3A_69 = arith.constant 0 : i32
          %dma_start3A_70 = arith.constant 0 : i32
          %dma_start3A_71 = tpu.memref_slice %arg11[%dma_start3A_69, %dma_start3A_70] : memref<10240x128xf32, #tpu.memory_space<vmem_shared>> -> memref<10240x128xf32, #tpu.memory_space<vmem_shared>>
          tpu.enqueue_indirect_dma source(%arg10 : memref<128x128xf32, #tpu.memory_space<vmem>>) target(%dma_start3A_71 : memref<10240x128xf32, #tpu.memory_space<vmem_shared>>) offsets(%dma_start3A_68 : memref<128xi32, #tpu.memory_space<vmem>>) semaphore(%run_scoped3A : memref<!tpu.dma_semaphore, #tpu.memory_space<semaphore_mem>>) {add = true}
          %dma_wait3A_72 = arith.constant 0 : i32
          %dma_wait3A_73 = tpu.memref_slice %arg8[%add3A_52, %dma_wait3A_72] : memref<40x128xi32, #tpu.memory_space<vmem>> -> memref<1x128xi32, #tpu.memory_space<vmem>>
          %dma_wait3A_74 = tpu.memref_squeeze %dma_wait3A_73 : memref<1x128xi32, #tpu.memory_space<vmem>> -> memref<128xi32, #tpu.memory_space<vmem>>
          %dma_wait3A_75 = arith.constant 0 : i32
          %dma_wait3A_76 = arith.constant 0 : i32
          %dma_wait3A_77 = tpu.memref_slice %arg11[%dma_wait3A_75, %dma_wait3A_76] : memref<10240x128xf32, #tpu.memory_space<vmem_shared>> -> memref<10240x128xf32, #tpu.memory_space<vmem_shared>>
          tpu.wait_indirect_dma semaphore(%run_scoped3A : memref<!tpu.dma_semaphore, #tpu.memory_space<semaphore_mem>>) src(%arg10 : memref<128x128xf32, #tpu.memory_space<vmem>>) dst(%dma_wait3A_77 : memref<10240x128xf32, #tpu.memory_space<vmem_shared>>)
          tpu.yield
        }) : () -> ()
      }
      %scan3A_32 = arith.constant 20 : i32
    } else {
    }
    %barrier3A_7 = arith.constant 0 : index
    tpu.barrier barrier_id(%barrier3A_7)
    %mul3A_8 = arith.constant 640 : i32
    %mul3A_9 = arith.muli %arg1, %mul3A_8 : i32
    %mul3A_10 = arith.constant 10240 : i32
    %mul3A_11 = arith.muli %arg0, %mul3A_10 : i32
    %mul3A_12 = arith.constant 640 : i32
    %mul3A_13 = arith.muli %arg1, %mul3A_12 : i32
    %add3A = arith.addi %mul3A_11, %mul3A_13 : i32
    "tpu.region"() ({
      %run_scoped3A = tpu.sem_alloc : memref<!tpu.dma_semaphore, #tpu.memory_space<semaphore_mem>>
      %dma_start3A = arith.constant 0 : i32
      %dma_start3A_14 = tpu.memref_slice %arg6[%add3A, %dma_start3A] : memref<20480x128xf32, #tpu.memory_space<hbm>> -> memref<640x128xf32, #tpu.memory_space<hbm>>
      %dma_start3A_15 = arith.constant 0 : i32
      %dma_start3A_16 = tpu.memref_slice %arg11[%mul3A_9, %dma_start3A_15] : memref<10240x128xf32, #tpu.memory_space<vmem_shared>> -> memref<640x128xf32, #tpu.memory_space<vmem_shared>>
      tpu.enqueue_dma source(%dma_start3A_16 : memref<640x128xf32, #tpu.memory_space<vmem_shared>>) target(%dma_start3A_14 : memref<640x128xf32, #tpu.memory_space<hbm>>) target_semaphore(%run_scoped3A : memref<!tpu.dma_semaphore, #tpu.memory_space<semaphore_mem>>)
      %dma_wait3A = arith.constant 0 : i32
      %dma_wait3A_17 = tpu.memref_slice %arg6[%add3A, %dma_wait3A] : memref<20480x128xf32, #tpu.memory_space<hbm>> -> memref<640x128xf32, #tpu.memory_space<hbm>>
      %dma_wait3A_18 = arith.constant 0 : i32
      %dma_wait3A_19 = tpu.memref_slice %arg11[%mul3A_9, %dma_wait3A_18] : memref<10240x128xf32, #tpu.memory_space<vmem_shared>> -> memref<640x128xf32, #tpu.memory_space<vmem_shared>>
      tpu.wait_dma2 semaphore(%run_scoped3A : memref<!tpu.dma_semaphore, #tpu.memory_space<semaphore_mem>>) src(%dma_wait3A_19 : memref<640x128xf32, #tpu.memory_space<vmem_shared>>) dst(%dma_wait3A_17 : memref<640x128xf32, #tpu.memory_space<hbm>>)
      tpu.yield
    }) : () -> ()
    return
  }
}

#map = affine_map<(d0, d1) -> (0, 0)>
#map1 = affine_map<(d0, d1) -> (0)>
module attributes {stable_mosaic.version = 14 : i64} {
  func.func @_deg_sc(%arg0: i32, %arg1: i32, %arg2: memref<2560x128xi32, #tpu.memory_space<hbm>>, %arg3: memref<80xi32, #tpu.memory_space<hbm>>, %arg4: memref<80x128xf32, #tpu.memory_space<hbm>>, %arg5: memref<160x128xf32, #tpu.memory_space<hbm>>, %arg6: memref<80x128xi32, #tpu.memory_space<vmem>>, %arg7: memref<80x128xf32, #tpu.memory_space<vmem>>, %arg8: memref<80xi32, #tpu.memory_space<vmem>>, %arg9: memref<80x128xf32, #tpu.memory_space<vmem_shared>>) attributes {dimension_semantics = [#tpu.dimension_semantics<core_parallel>, #tpu.dimension_semantics<subcore_parallel>], iteration_bounds = array<i64: 2, 16>, scalar_prefetch = 0 : i64, scratch_operands = 4 : i64, tpu.core_type = #tpu.core_type<sc_vector_subcore>, window_params = [{transform_indices = #map}, {transform_indices = #map1}, {transform_indices = #map}, {transform_indices = #map}]} {
    %mul3A = arith.constant 2 : i32
    %mul3A_0 = arith.muli %arg1, %mul3A : i32
    %add3A = arith.addi %mul3A_0, %arg0 : i32
    %mul3A_1 = arith.constant 80 : i32
    %mul3A_2 = arith.muli %add3A, %mul3A_1 : i32
    "tpu.region"() ({
      %run_scoped3A = tpu.sem_alloc : memref<!tpu.dma_semaphore, #tpu.memory_space<semaphore_mem>>
      %dma_start3A = arith.constant 0 : i32
      %dma_start3A_22 = tpu.memref_slice %arg2[%mul3A_2, %dma_start3A] : memref<2560x128xi32, #tpu.memory_space<hbm>> -> memref<80x128xi32, #tpu.memory_space<hbm>>
      %dma_start3A_23 = arith.constant 0 : i32
      %dma_start3A_24 = tpu.memref_slice %arg2[%mul3A_2, %dma_start3A_23] : memref<2560x128xi32, #tpu.memory_space<hbm>> -> memref<80x128xi32, #tpu.memory_space<hbm>>
      tpu.enqueue_dma source(%dma_start3A_24 : memref<80x128xi32, #tpu.memory_space<hbm>>) target(%arg6 : memref<80x128xi32, #tpu.memory_space<vmem>>) target_semaphore(%run_scoped3A : memref<!tpu.dma_semaphore, #tpu.memory_space<semaphore_mem>>)
      %dma_wait3A = arith.constant 0 : i32
      %dma_wait3A_25 = tpu.memref_slice %arg2[%mul3A_2, %dma_wait3A] : memref<2560x128xi32, #tpu.memory_space<hbm>> -> memref<80x128xi32, #tpu.memory_space<hbm>>
      %dma_wait3A_26 = arith.constant 0 : i32
      %dma_wait3A_27 = tpu.memref_slice %arg2[%mul3A_2, %dma_wait3A_26] : memref<2560x128xi32, #tpu.memory_space<hbm>> -> memref<80x128xi32, #tpu.memory_space<hbm>>
      tpu.wait_dma2 semaphore(%run_scoped3A : memref<!tpu.dma_semaphore, #tpu.memory_space<semaphore_mem>>) src(%dma_wait3A_27 : memref<80x128xi32, #tpu.memory_space<hbm>>) dst(%arg6 : memref<80x128xi32, #tpu.memory_space<vmem>>)
      tpu.yield
    }) : () -> ()
    "tpu.region"() ({
      %run_scoped3A = tpu.sem_alloc : memref<!tpu.dma_semaphore, #tpu.memory_space<semaphore_mem>>
      tpu.enqueue_dma source(%arg3 : memref<80xi32, #tpu.memory_space<hbm>>) target(%arg8 : memref<80xi32, #tpu.memory_space<vmem>>) target_semaphore(%run_scoped3A : memref<!tpu.dma_semaphore, #tpu.memory_space<semaphore_mem>>)
      tpu.wait_dma2 semaphore(%run_scoped3A : memref<!tpu.dma_semaphore, #tpu.memory_space<semaphore_mem>>) src(%arg3 : memref<80xi32, #tpu.memory_space<hbm>>) dst(%arg8 : memref<80xi32, #tpu.memory_space<vmem>>)
      tpu.yield
    }) : () -> ()
    %eq3A = arith.constant 0 : i32
    %eq3A_3 = arith.cmpi eq, %arg1, %eq3A : i32
    %convert_element_type3A = arith.extui %eq3A_3 : i1 to i32
    %cond3A = arith.constant 0 : i32
    %cond3A_4 = arith.cmpi ne, %convert_element_type3A, %cond3A : i32
    scf.if %cond3A_4 {
      "tpu.region"() ({
        %run_scoped3A = tpu.sem_alloc : memref<!tpu.dma_semaphore, #tpu.memory_space<semaphore_mem>>
        tpu.enqueue_dma source(%arg4 : memref<80x128xf32, #tpu.memory_space<hbm>>) target(%arg9 : memref<80x128xf32, #tpu.memory_space<vmem_shared>>) target_semaphore(%run_scoped3A : memref<!tpu.dma_semaphore, #tpu.memory_space<semaphore_mem>>)
        tpu.wait_dma2 semaphore(%run_scoped3A : memref<!tpu.dma_semaphore, #tpu.memory_space<semaphore_mem>>) src(%arg4 : memref<80x128xf32, #tpu.memory_space<hbm>>) dst(%arg9 : memref<80x128xf32, #tpu.memory_space<vmem_shared>>)
        tpu.yield
      }) : () -> ()
    } else {
    }
    %scan3A = arith.constant 0 : i32
    %scan3A_5 = arith.constant 0 : i32
    %scan3A_6 = arith.constant 640 : i32
    %scan3A_7 = arith.addi %scan3A_5, %scan3A_6 : i32
    %scan3A_8 = arith.constant 1 : i32
    scf.for %scan3A_22 = %scan3A_5 to %scan3A_7 step %scan3A_8  : i32 {
      %broadcast_in_dim3A_23 = arith.constant 0.000000e+00 : f32
      %broadcast_in_dim3A_24 = vector.broadcast %broadcast_in_dim3A_23 : f32 to vector<16xf32>
      %jit3A = arith.constant 8 : i32
      %div3A = arith.divsi %scan3A_22, %jit3A : i32
      %sign3A = arith.constant 0 : i32
      %sign3A_25 = arith.cmpi sgt, %scan3A_22, %sign3A : i32
      %sign3A_26 = arith.extui %sign3A_25 : i1 to i32
      %sign3A_27 = arith.constant 0 : i32
      %sign3A_28 = arith.cmpi slt, %scan3A_22, %sign3A_27 : i32
      %sign3A_29 = arith.extui %sign3A_28 : i1 to i32
      %sign3A_30 = arith.subi %sign3A_26, %sign3A_29 : i32
      %sign3A_31 = arith.constant 0 : i32
      %sign3A_32 = arith.cmpi sgt, %jit3A, %sign3A_31 : i32
      %sign3A_33 = arith.extui %sign3A_32 : i1 to i32
      %sign3A_34 = arith.constant 0 : i32
      %sign3A_35 = arith.cmpi slt, %jit3A, %sign3A_34 : i32
      %sign3A_36 = arith.extui %sign3A_35 : i1 to i32
      %sign3A_37 = arith.subi %sign3A_33, %sign3A_36 : i32
      %ne3A = arith.cmpi ne, %sign3A_30, %sign3A_37 : i32
      %rem3A = arith.remsi %scan3A_22, %jit3A : i32
      %ne3A_38 = arith.constant 0 : i32
      %ne3A_39 = arith.cmpi ne, %rem3A, %ne3A_38 : i32
      %and3A = arith.andi %ne3A, %ne3A_39 : i1
      %sub3A = arith.constant 1 : i32
      %sub3A_40 = arith.subi %div3A, %sub3A : i32
      %select_n3A = arith.select %and3A, %sub3A_40, %div3A : i32
      %jit3A_41 = arith.constant 8 : i32
      %eq3A_42 = arith.constant 0 : i32
      %eq3A_43 = arith.cmpi eq, %jit3A_41, %eq3A_42 : i32
      %jit3A_44 = arith.constant 1 : i32
      %select_n3A_45 = arith.select %eq3A_43, %jit3A_44, %jit3A_41 : i32
      %rem3A_46 = arith.remsi %scan3A_22, %select_n3A_45 : i32
      %ne3A_47 = arith.constant 0 : i32
      %ne3A_48 = arith.cmpi ne, %rem3A_46, %ne3A_47 : i32
      %lt3A_49 = arith.constant 0 : i32
      %lt3A_50 = arith.cmpi slt, %rem3A_46, %lt3A_49 : i32
      %lt3A_51 = arith.constant 0 : i32
      %lt3A_52 = arith.cmpi slt, %select_n3A_45, %lt3A_51 : i32
      %ne3A_53 = arith.xori %lt3A_50, %lt3A_52 : i1
      %and3A_54 = arith.andi %ne3A_53, %ne3A_48 : i1
      %add3A_55 = arith.addi %rem3A_46, %select_n3A_45 : i32
      %select_n3A_56 = arith.select %and3A_54, %add3A_55, %rem3A_46 : i32
      %mul3A_57 = arith.constant 16 : i32
      %mul3A_58 = arith.muli %select_n3A_56, %mul3A_57 : i32
      %swap3A = arith.index_cast %select_n3A : i32 to index
      %swap3A_59 = arith.index_cast %mul3A_58 : i32 to index
      %swap3A_60 = tpu.vector_load %arg7[%swap3A, %swap3A_59] {strides = array<i32>} : memref<80x128xf32, #tpu.memory_space<vmem>>, vector<16xf32>,
      tpu.vector_store %arg7[%swap3A, %swap3A_59], %broadcast_in_dim3A_24 {strides = array<i32>} : memref<80x128xf32, #tpu.memory_space<vmem>>, vector<16xf32>,
    }
    %scan3A_9 = arith.constant 640 : i32
    %broadcast_in_dim3A = arith.constant 1.000000e+00 : f32
    %broadcast_in_dim3A_10 = vector.broadcast %broadcast_in_dim3A : f32 to vector<16xf32>
    %scan3A_11 = arith.constant 0 : i32
    %scan3A_12 = arith.constant 0 : i32
    %scan3A_13 = arith.constant 640 : i32
    %scan3A_14 = arith.addi %scan3A_12, %scan3A_13 : i32
    %scan3A_15 = arith.constant 1 : i32
    scf.for %scan3A_22 = %scan3A_12 to %scan3A_14 step %scan3A_15  : i32 {
      %jit3A = arith.constant 8 : i32
      %div3A = arith.divsi %scan3A_22, %jit3A : i32
      %sign3A = arith.constant 0 : i32
      %sign3A_23 = arith.cmpi sgt, %scan3A_22, %sign3A : i32
      %sign3A_24 = arith.extui %sign3A_23 : i1 to i32
      %sign3A_25 = arith.constant 0 : i32
      %sign3A_26 = arith.cmpi slt, %scan3A_22, %sign3A_25 : i32
      %sign3A_27 = arith.extui %sign3A_26 : i1 to i32
      %sign3A_28 = arith.subi %sign3A_24, %sign3A_27 : i32
      %sign3A_29 = arith.constant 0 : i32
      %sign3A_30 = arith.cmpi sgt, %jit3A, %sign3A_29 : i32
      %sign3A_31 = arith.extui %sign3A_30 : i1 to i32
      %sign3A_32 = arith.constant 0 : i32
      %sign3A_33 = arith.cmpi slt, %jit3A, %sign3A_32 : i32
      %sign3A_34 = arith.extui %sign3A_33 : i1 to i32
      %sign3A_35 = arith.subi %sign3A_31, %sign3A_34 : i32
      %ne3A = arith.cmpi ne, %sign3A_28, %sign3A_35 : i32
      %rem3A = arith.remsi %scan3A_22, %jit3A : i32
      %ne3A_36 = arith.constant 0 : i32
      %ne3A_37 = arith.cmpi ne, %rem3A, %ne3A_36 : i32
      %and3A = arith.andi %ne3A, %ne3A_37 : i1
      %sub3A = arith.constant 1 : i32
      %sub3A_38 = arith.subi %div3A, %sub3A : i32
      %select_n3A = arith.select %and3A, %sub3A_38, %div3A : i32
      %jit3A_39 = arith.constant 8 : i32
      %eq3A_40 = arith.constant 0 : i32
      %eq3A_41 = arith.cmpi eq, %jit3A_39, %eq3A_40 : i32
      %jit3A_42 = arith.constant 1 : i32
      %select_n3A_43 = arith.select %eq3A_41, %jit3A_42, %jit3A_39 : i32
      %rem3A_44 = arith.remsi %scan3A_22, %select_n3A_43 : i32
      %ne3A_45 = arith.constant 0 : i32
      %ne3A_46 = arith.cmpi ne, %rem3A_44, %ne3A_45 : i32
      %lt3A_47 = arith.constant 0 : i32
      %lt3A_48 = arith.cmpi slt, %rem3A_44, %lt3A_47 : i32
      %lt3A_49 = arith.constant 0 : i32
      %lt3A_50 = arith.cmpi slt, %select_n3A_43, %lt3A_49 : i32
      %ne3A_51 = arith.xori %lt3A_48, %lt3A_50 : i1
      %and3A_52 = arith.andi %ne3A_51, %ne3A_46 : i1
      %add3A_53 = arith.addi %rem3A_44, %select_n3A_43 : i32
      %select_n3A_54 = arith.select %and3A_52, %add3A_53, %rem3A_44 : i32
      %mul3A_55 = arith.constant 16 : i32
      %mul3A_56 = arith.muli %select_n3A_54, %mul3A_55 : i32
      %get3A = arith.index_cast %select_n3A : i32 to index
      %get3A_57 = arith.index_cast %mul3A_56 : i32 to index
      %get3A_58 = tpu.vector_load %arg6[%get3A, %get3A_57] {strides = array<i32>} : memref<80x128xi32, #tpu.memory_space<vmem>>, vector<16xi32>,
      %jit3A_59 = arith.constant 128 : i32
      %div3A_60 = vector.broadcast %jit3A_59 : i32 to vector<16xi32>
      %div3A_61 = arith.divsi %get3A_58, %div3A_60 : vector<16xi32>
      %sign3A_62 = arith.constant 0 : i32
      %sign3A_63 = vector.broadcast %sign3A_62 : i32 to vector<16xi32>
      %sign3A_64 = arith.cmpi sgt, %get3A_58, %sign3A_63 : vector<16xi32>
      %sign3A_65 = arith.extui %sign3A_64 : vector<16xi1> to vector<16xi32>
      %sign3A_66 = arith.constant 0 : i32
      %sign3A_67 = vector.broadcast %sign3A_66 : i32 to vector<16xi32>
      %sign3A_68 = arith.cmpi slt, %get3A_58, %sign3A_67 : vector<16xi32>
      %sign3A_69 = arith.extui %sign3A_68 : vector<16xi1> to vector<16xi32>
      %sign3A_70 = arith.subi %sign3A_65, %sign3A_69 : vector<16xi32>
      %sign3A_71 = arith.constant 0 : i32
      %sign3A_72 = arith.cmpi sgt, %jit3A_59, %sign3A_71 : i32
      %sign3A_73 = arith.extui %sign3A_72 : i1 to i32
      %sign3A_74 = arith.constant 0 : i32
      %sign3A_75 = arith.cmpi slt, %jit3A_59, %sign3A_74 : i32
      %sign3A_76 = arith.extui %sign3A_75 : i1 to i32
      %sign3A_77 = arith.subi %sign3A_73, %sign3A_76 : i32
      %ne3A_78 = vector.broadcast %sign3A_77 : i32 to vector<16xi32>
      %ne3A_79 = arith.cmpi ne, %sign3A_70, %ne3A_78 : vector<16xi32>
      %rem3A_80 = vector.broadcast %jit3A_59 : i32 to vector<16xi32>
      %rem3A_81 = arith.remsi %get3A_58, %rem3A_80 : vector<16xi32>
      %ne3A_82 = arith.constant 0 : i32
      %ne3A_83 = vector.broadcast %ne3A_82 : i32 to vector<16xi32>
      %ne3A_84 = arith.cmpi ne, %rem3A_81, %ne3A_83 : vector<16xi32>
      %and3A_85 = arith.andi %ne3A_79, %ne3A_84 : vector<16xi1>
      %sub3A_86 = arith.constant 1 : i32
      %sub3A_87 = vector.broadcast %sub3A_86 : i32 to vector<16xi32>
      %sub3A_88 = arith.subi %div3A_61, %sub3A_87 : vector<16xi32>
      %select_n3A_89 = arith.select %and3A_85, %sub3A_88, %div3A_61 : vector<16xi1>, vector<16xi32>
      %jit3A_90 = arith.constant 128 : i32
      %eq3A_91 = arith.constant 0 : i32
      %eq3A_92 = arith.cmpi eq, %jit3A_90, %eq3A_91 : i32
      %jit3A_93 = arith.constant 1 : i32
      %select_n3A_94 = arith.select %eq3A_92, %jit3A_93, %jit3A_90 : i32
      %rem3A_95 = vector.broadcast %select_n3A_94 : i32 to vector<16xi32>
      %rem3A_96 = arith.remsi %get3A_58, %rem3A_95 : vector<16xi32>
      %ne3A_97 = arith.constant 0 : i32
      %ne3A_98 = vector.broadcast %ne3A_97 : i32 to vector<16xi32>
      %ne3A_99 = arith.cmpi ne, %rem3A_96, %ne3A_98 : vector<16xi32>
      %lt3A_100 = arith.constant 0 : i32
      %lt3A_101 = vector.broadcast %lt3A_100 : i32 to vector<16xi32>
      %lt3A_102 = arith.cmpi slt, %rem3A_96, %lt3A_101 : vector<16xi32>
      %lt3A_103 = arith.constant 0 : i32
      %lt3A_104 = arith.cmpi slt, %select_n3A_94, %lt3A_103 : i32
      %ne3A_105 = vector.broadcast %lt3A_104 : i1 to vector<16xi1>
      %ne3A_106 = vector.broadcast %ne3A_105 : vector<16xi1> to vector<16xi1>
      %ne3A_107 = arith.xori %lt3A_102, %ne3A_106 : vector<16xi1>
      %and3A_108 = arith.andi %ne3A_107, %ne3A_99 : vector<16xi1>
      %add3A_109 = vector.broadcast %select_n3A_94 : i32 to vector<16xi32>
      %add3A_110 = arith.addi %rem3A_96, %add3A_109 : vector<16xi32>
      %select_n3A_111 = arith.select %and3A_108, %add3A_110, %rem3A_96 : vector<16xi1>, vector<16xi32>
      tpu.vector_store_idx %arg7[%select_n3A_89, %select_n3A_111], %broadcast_in_dim3A_10 {add = true} : memref<80x128xf32, #tpu.memory_space<vmem>>[vector<16xi32>, vector<16xi32>], vector<16xf32>,
    }
    %scan3A_16 = arith.constant 640 : i32
    %barrier3A = arith.constant 0 : index
    tpu.barrier barrier_id(%barrier3A)
    "tpu.region"() ({
      %run_scoped3A = tpu.sem_alloc : memref<!tpu.dma_semaphore, #tpu.memory_space<semaphore_mem>>
      %dma_start3A = arith.constant 0 : i32
      %dma_start3A_22 = arith.constant 0 : i32
      %dma_start3A_23 = tpu.memref_slice %arg9[%dma_start3A, %dma_start3A_22] : memref<80x128xf32, #tpu.memory_space<vmem_shared>> -> memref<80x128xf32, #tpu.memory_space<vmem_shared>>
      tpu.enqueue_indirect_dma source(%arg7 : memref<80x128xf32, #tpu.memory_space<vmem>>) target(%dma_start3A_23 : memref<80x128xf32, #tpu.memory_space<vmem_shared>>) offsets(%arg8 : memref<80xi32, #tpu.memory_space<vmem>>) semaphore(%run_scoped3A : memref<!tpu.dma_semaphore, #tpu.memory_space<semaphore_mem>>) {add = true}
      %dma_wait3A = arith.constant 0 : i32
      %dma_wait3A_24 = arith.constant 0 : i32
      %dma_wait3A_25 = tpu.memref_slice %arg9[%dma_wait3A, %dma_wait3A_24] : memref<80x128xf32, #tpu.memory_space<vmem_shared>> -> memref<80x128xf32, #tpu.memory_space<vmem_shared>>
      tpu.wait_indirect_dma semaphore(%run_scoped3A : memref<!tpu.dma_semaphore, #tpu.memory_space<semaphore_mem>>) src(%arg7 : memref<80x128xf32, #tpu.memory_space<vmem>>) dst(%dma_wait3A_25 : memref<80x128xf32, #tpu.memory_space<vmem_shared>>)
      tpu.yield
    }) : () -> ()
    %barrier3A_17 = arith.constant 0 : index
    tpu.barrier barrier_id(%barrier3A_17)
    %lt3A = arith.constant 10 : i32
    %lt3A_18 = arith.cmpi slt, %arg1, %lt3A : i32
    %convert_element_type3A_19 = arith.extui %lt3A_18 : i1 to i32
    %cond3A_20 = arith.constant 0 : i32
    %cond3A_21 = arith.cmpi ne, %convert_element_type3A_19, %cond3A_20 : i32
    scf.if %cond3A_21 {
      %mul3A_22 = arith.constant 8 : i32
      %mul3A_23 = arith.muli %arg1, %mul3A_22 : i32
      %mul3A_24 = arith.constant 80 : i32
      %mul3A_25 = arith.muli %arg0, %mul3A_24 : i32
      %mul3A_26 = arith.constant 8 : i32
      %mul3A_27 = arith.muli %arg1, %mul3A_26 : i32
      %add3A_28 = arith.addi %mul3A_25, %mul3A_27 : i32
      "tpu.region"() ({
        %run_scoped3A = tpu.sem_alloc : memref<!tpu.dma_semaphore, #tpu.memory_space<semaphore_mem>>
        %dma_start3A = arith.constant 0 : i32
        %dma_start3A_29 = tpu.memref_slice %arg5[%add3A_28, %dma_start3A] : memref<160x128xf32, #tpu.memory_space<hbm>> -> memref<8x128xf32, #tpu.memory_space<hbm>>
        %dma_start3A_30 = arith.constant 0 : i32
        %dma_start3A_31 = tpu.memref_slice %arg9[%mul3A_23, %dma_start3A_30] : memref<80x128xf32, #tpu.memory_space<vmem_shared>> -> memref<8x128xf32, #tpu.memory_space<vmem_shared>>
        tpu.enqueue_dma source(%dma_start3A_31 : memref<8x128xf32, #tpu.memory_space<vmem_shared>>) target(%dma_start3A_29 : memref<8x128xf32, #tpu.memory_space<hbm>>) target_semaphore(%run_scoped3A : memref<!tpu.dma_semaphore, #tpu.memory_space<semaphore_mem>>)
        %dma_wait3A = arith.constant 0 : i32
        %dma_wait3A_32 = tpu.memref_slice %arg5[%add3A_28, %dma_wait3A] : memref<160x128xf32, #tpu.memory_space<hbm>> -> memref<8x128xf32, #tpu.memory_space<hbm>>
        %dma_wait3A_33 = arith.constant 0 : i32
        %dma_wait3A_34 = tpu.memref_slice %arg9[%mul3A_23, %dma_wait3A_33] : memref<80x128xf32, #tpu.memory_space<vmem_shared>> -> memref<8x128xf32, #tpu.memory_space<vmem_shared>>
        tpu.wait_dma2 semaphore(%run_scoped3A : memref<!tpu.dma_semaphore, #tpu.memory_space<semaphore_mem>>) src(%dma_wait3A_34 : memref<8x128xf32, #tpu.memory_space<vmem_shared>>) dst(%dma_wait3A_32 : memref<8x128xf32, #tpu.memory_space<hbm>>)
        tpu.yield
      }) : () -> ()
    } else {
    }
    return
  }
}

#map = affine_map<(d0, d1) -> (0, 0)>
module attributes {stable_mosaic.version = 14 : i64} {
  func.func @_msg_sc(%arg0: i32, %arg1: i32, %arg2: memref<10240x128xf32, #tpu.memory_space<hbm>>, %arg3: memref<2560x128xi32, #tpu.memory_space<hbm>>, %arg4: memref<2560x128xi32, #tpu.memory_space<hbm>>, %arg5: memref<640x128xf32, #tpu.memory_space<hbm>>, %arg6: memref<20480x128xf32, #tpu.memory_space<hbm>>, %arg7: memref<40x128xi32, #tpu.memory_space<vmem>>, %arg8: memref<40x128xi32, #tpu.memory_space<vmem>>, %arg9: memref<128x128xf32, #tpu.memory_space<vmem>>, %arg10: memref<128x128xf32, #tpu.memory_space<vmem>>, %arg11: memref<10240x128xf32, #tpu.memory_space<vmem_shared>>, %arg12: memref<!tpu.dma_semaphore, #tpu.memory_space<semaphore_mem>>, %arg13: memref<!tpu.dma_semaphore, #tpu.memory_space<semaphore_mem>>) attributes {dimension_semantics = [#tpu.dimension_semantics<core_parallel>, #tpu.dimension_semantics<subcore_parallel>], iteration_bounds = array<i64: 2, 16>, scalar_prefetch = 0 : i64, scratch_operands = 7 : i64, tpu.core_type = #tpu.core_type<sc_vector_subcore>, window_params = [{transform_indices = #map}, {transform_indices = #map}, {transform_indices = #map}, {transform_indices = #map}, {transform_indices = #map}]} {
    %mul3A = arith.constant 640 : i32
    %mul3A_0 = arith.muli %arg1, %mul3A : i32
    "tpu.region"() ({
      %run_scoped3A = tpu.sem_alloc : memref<!tpu.dma_semaphore, #tpu.memory_space<semaphore_mem>>
      %dma_start3A = arith.constant 0 : i32
      %dma_start3A_14 = tpu.memref_slice %arg11[%mul3A_0, %dma_start3A] : memref<10240x128xf32, #tpu.memory_space<vmem_shared>> -> memref<640x128xf32, #tpu.memory_space<vmem_shared>>
      tpu.enqueue_dma source(%arg5 : memref<640x128xf32, #tpu.memory_space<hbm>>) target(%dma_start3A_14 : memref<640x128xf32, #tpu.memory_space<vmem_shared>>) target_semaphore(%run_scoped3A : memref<!tpu.dma_semaphore, #tpu.memory_space<semaphore_mem>>)
      %dma_wait3A = arith.constant 0 : i32
      %dma_wait3A_15 = tpu.memref_slice %arg11[%mul3A_0, %dma_wait3A] : memref<10240x128xf32, #tpu.memory_space<vmem_shared>> -> memref<640x128xf32, #tpu.memory_space<vmem_shared>>
      tpu.wait_dma2 semaphore(%run_scoped3A : memref<!tpu.dma_semaphore, #tpu.memory_space<semaphore_mem>>) src(%arg5 : memref<640x128xf32, #tpu.memory_space<hbm>>) dst(%dma_wait3A_15 : memref<640x128xf32, #tpu.memory_space<vmem_shared>>)
      tpu.yield
    }) : () -> ()
    %barrier3A = arith.constant 0 : index
    tpu.barrier barrier_id(%barrier3A)
    %eq3A = arith.constant 1 : i32
    %eq3A_1 = arith.cmpi eq, %arg0, %eq3A : i32
    %convert_element_type3A = arith.extui %eq3A_1 : i1 to i32
    %cond3A = arith.constant 0 : i32
    %cond3A_2 = arith.cmpi ne, %convert_element_type3A, %cond3A : i32
    scf.if %cond3A_2 {
      %mul3A_14 = arith.constant 3 : i32
      %mul3A_15 = arith.muli %arg1, %mul3A_14 : i32
      %add3A_16 = arith.constant 0 : i32
      %add3A_17 = arith.addi %mul3A_15, %add3A_16 : i32
      %mul3A_18 = arith.constant 40 : i32
      %mul3A_19 = arith.muli %add3A_17, %mul3A_18 : i32
      "tpu.region"() ({
        %run_scoped3A = tpu.sem_alloc : memref<!tpu.dma_semaphore, #tpu.memory_space<semaphore_mem>>
        %dma_start3A_69 = arith.constant 0 : i32
        %dma_start3A_70 = tpu.memref_slice %arg3[%mul3A_19, %dma_start3A_69] : memref<2560x128xi32, #tpu.memory_space<hbm>> -> memref<40x128xi32, #tpu.memory_space<hbm>>
        %dma_start3A_71 = arith.constant 0 : i32
        %dma_start3A_72 = tpu.memref_slice %arg3[%mul3A_19, %dma_start3A_71] : memref<2560x128xi32, #tpu.memory_space<hbm>> -> memref<40x128xi32, #tpu.memory_space<hbm>>
        tpu.enqueue_dma source(%dma_start3A_72 : memref<40x128xi32, #tpu.memory_space<hbm>>) target(%arg7 : memref<40x128xi32, #tpu.memory_space<vmem>>) target_semaphore(%run_scoped3A : memref<!tpu.dma_semaphore, #tpu.memory_space<semaphore_mem>>)
        %dma_wait3A = arith.constant 0 : i32
        %dma_wait3A_73 = tpu.memref_slice %arg3[%mul3A_19, %dma_wait3A] : memref<2560x128xi32, #tpu.memory_space<hbm>> -> memref<40x128xi32, #tpu.memory_space<hbm>>
        %dma_wait3A_74 = arith.constant 0 : i32
        %dma_wait3A_75 = tpu.memref_slice %arg3[%mul3A_19, %dma_wait3A_74] : memref<2560x128xi32, #tpu.memory_space<hbm>> -> memref<40x128xi32, #tpu.memory_space<hbm>>
        tpu.wait_dma2 semaphore(%run_scoped3A : memref<!tpu.dma_semaphore, #tpu.memory_space<semaphore_mem>>) src(%dma_wait3A_75 : memref<40x128xi32, #tpu.memory_space<hbm>>) dst(%arg7 : memref<40x128xi32, #tpu.memory_space<vmem>>)
        tpu.yield
      }) : () -> ()
      "tpu.region"() ({
        %run_scoped3A = tpu.sem_alloc : memref<!tpu.dma_semaphore, #tpu.memory_space<semaphore_mem>>
        %dma_start3A_69 = arith.constant 0 : i32
        %dma_start3A_70 = tpu.memref_slice %arg4[%mul3A_19, %dma_start3A_69] : memref<2560x128xi32, #tpu.memory_space<hbm>> -> memref<40x128xi32, #tpu.memory_space<hbm>>
        %dma_start3A_71 = arith.constant 0 : i32
        %dma_start3A_72 = tpu.memref_slice %arg4[%mul3A_19, %dma_start3A_71] : memref<2560x128xi32, #tpu.memory_space<hbm>> -> memref<40x128xi32, #tpu.memory_space<hbm>>
        tpu.enqueue_dma source(%dma_start3A_72 : memref<40x128xi32, #tpu.memory_space<hbm>>) target(%arg8 : memref<40x128xi32, #tpu.memory_space<vmem>>) target_semaphore(%run_scoped3A : memref<!tpu.dma_semaphore, #tpu.memory_space<semaphore_mem>>)
        %dma_wait3A = arith.constant 0 : i32
        %dma_wait3A_73 = tpu.memref_slice %arg4[%mul3A_19, %dma_wait3A] : memref<2560x128xi32, #tpu.memory_space<hbm>> -> memref<40x128xi32, #tpu.memory_space<hbm>>
        %dma_wait3A_74 = arith.constant 0 : i32
        %dma_wait3A_75 = tpu.memref_slice %arg4[%mul3A_19, %dma_wait3A_74] : memref<2560x128xi32, #tpu.memory_space<hbm>> -> memref<40x128xi32, #tpu.memory_space<hbm>>
        tpu.wait_dma2 semaphore(%run_scoped3A : memref<!tpu.dma_semaphore, #tpu.memory_space<semaphore_mem>>) src(%dma_wait3A_75 : memref<40x128xi32, #tpu.memory_space<hbm>>) dst(%arg8 : memref<40x128xi32, #tpu.memory_space<vmem>>)
        tpu.yield
      }) : () -> ()
      %dma_start3A = arith.constant 0 : i32
      %dma_start3A_20 = arith.constant 0 : i32
      %dma_start3A_21 = tpu.memref_slice %arg7[%dma_start3A, %dma_start3A_20] : memref<40x128xi32, #tpu.memory_space<vmem>> -> memref<1x128xi32, #tpu.memory_space<vmem>>
      %dma_start3A_22 = tpu.memref_squeeze %dma_start3A_21 : memref<1x128xi32, #tpu.memory_space<vmem>> -> memref<128xi32, #tpu.memory_space<vmem>>
      %dma_start3A_23 = arith.constant 0 : i32
      %dma_start3A_24 = arith.constant 0 : i32
      %dma_start3A_25 = tpu.memref_slice %arg2[%dma_start3A_23, %dma_start3A_24] : memref<10240x128xf32, #tpu.memory_space<hbm>> -> memref<10240x128xf32, #tpu.memory_space<hbm>>
      tpu.enqueue_indirect_dma source(%dma_start3A_25 : memref<10240x128xf32, #tpu.memory_space<hbm>>) target(%arg9 : memref<128x128xf32, #tpu.memory_space<vmem>>) offsets(%dma_start3A_22 : memref<128xi32, #tpu.memory_space<vmem>>) semaphore(%arg12 : memref<!tpu.dma_semaphore, #tpu.memory_space<semaphore_mem>>)
      %scan3A = arith.constant 0 : i32
      %scan3A_26 = arith.constant 0 : i32
      %scan3A_27 = arith.constant 20 : i32
      %scan3A_28 = arith.addi %scan3A_26, %scan3A_27 : i32
      %scan3A_29 = arith.constant 1 : i32
      scf.for %scan3A_69 = %scan3A_26 to %scan3A_28 step %scan3A_29  : i32 {
        %mul3A_70 = arith.constant 2 : i32
        %mul3A_71 = arith.muli %scan3A_69, %mul3A_70 : i32
        %add3A_72 = arith.constant 0 : i32
        %add3A_73 = arith.addi %mul3A_71, %add3A_72 : i32
        %dma_wait3A = arith.constant 0 : i32
        %dma_wait3A_74 = tpu.memref_slice %arg7[%add3A_73, %dma_wait3A] : memref<40x128xi32, #tpu.memory_space<vmem>> -> memref<1x128xi32, #tpu.memory_space<vmem>>
        %dma_wait3A_75 = tpu.memref_squeeze %dma_wait3A_74 : memref<1x128xi32, #tpu.memory_space<vmem>> -> memref<128xi32, #tpu.memory_space<vmem>>
        %dma_wait3A_76 = arith.constant 0 : i32
        %dma_wait3A_77 = arith.constant 0 : i32
        %dma_wait3A_78 = tpu.memref_slice %arg2[%dma_wait3A_76, %dma_wait3A_77] : memref<10240x128xf32, #tpu.memory_space<hbm>> -> memref<10240x128xf32, #tpu.memory_space<hbm>>
        tpu.wait_indirect_dma semaphore(%arg12 : memref<!tpu.dma_semaphore, #tpu.memory_space<semaphore_mem>>) src(%dma_wait3A_78 : memref<10240x128xf32, #tpu.memory_space<hbm>>) dst(%arg9 : memref<128x128xf32, #tpu.memory_space<vmem>>)
        %add3A_79 = arith.constant 1 : i32
        %add3A_80 = arith.addi %add3A_73, %add3A_79 : i32
        %lt3A = arith.constant 40 : i32
        %lt3A_81 = arith.cmpi slt, %add3A_80, %lt3A : i32
        %convert_element_type3A_82 = arith.extui %lt3A_81 : i1 to i32
        %cond3A_83 = arith.constant 0 : i32
        %cond3A_84 = arith.cmpi ne, %convert_element_type3A_82, %cond3A_83 : i32
        scf.if %cond3A_84 {
          %dma_start3A_102 = arith.constant 0 : i32
          %dma_start3A_103 = tpu.memref_slice %arg7[%add3A_80, %dma_start3A_102] : memref<40x128xi32, #tpu.memory_space<vmem>> -> memref<1x128xi32, #tpu.memory_space<vmem>>
          %dma_start3A_104 = tpu.memref_squeeze %dma_start3A_103 : memref<1x128xi32, #tpu.memory_space<vmem>> -> memref<128xi32, #tpu.memory_space<vmem>>
          %dma_start3A_105 = arith.constant 0 : i32
          %dma_start3A_106 = arith.constant 0 : i32
          %dma_start3A_107 = tpu.memref_slice %arg2[%dma_start3A_105, %dma_start3A_106] : memref<10240x128xf32, #tpu.memory_space<hbm>> -> memref<10240x128xf32, #tpu.memory_space<hbm>>
          tpu.enqueue_indirect_dma source(%dma_start3A_107 : memref<10240x128xf32, #tpu.memory_space<hbm>>) target(%arg10 : memref<128x128xf32, #tpu.memory_space<vmem>>) offsets(%dma_start3A_104 : memref<128xi32, #tpu.memory_space<vmem>>) semaphore(%arg13 : memref<!tpu.dma_semaphore, #tpu.memory_space<semaphore_mem>>)
        } else {
        }
        "tpu.region"() ({
          %run_scoped3A = tpu.sem_alloc : memref<!tpu.dma_semaphore, #tpu.memory_space<semaphore_mem>>
          %dma_start3A_102 = arith.constant 0 : i32
          %dma_start3A_103 = tpu.memref_slice %arg8[%add3A_73, %dma_start3A_102] : memref<40x128xi32, #tpu.memory_space<vmem>> -> memref<1x128xi32, #tpu.memory_space<vmem>>
          %dma_start3A_104 = tpu.memref_squeeze %dma_start3A_103 : memref<1x128xi32, #tpu.memory_space<vmem>> -> memref<128xi32, #tpu.memory_space<vmem>>
          %dma_start3A_105 = arith.constant 0 : i32
          %dma_start3A_106 = arith.constant 0 : i32
          %dma_start3A_107 = tpu.memref_slice %arg11[%dma_start3A_105, %dma_start3A_106] : memref<10240x128xf32, #tpu.memory_space<vmem_shared>> -> memref<10240x128xf32, #tpu.memory_space<vmem_shared>>
          tpu.enqueue_indirect_dma source(%arg9 : memref<128x128xf32, #tpu.memory_space<vmem>>) target(%dma_start3A_107 : memref<10240x128xf32, #tpu.memory_space<vmem_shared>>) offsets(%dma_start3A_104 : memref<128xi32, #tpu.memory_space<vmem>>) semaphore(%run_scoped3A : memref<!tpu.dma_semaphore, #tpu.memory_space<semaphore_mem>>) {add = true}
          %dma_wait3A_108 = arith.constant 0 : i32
          %dma_wait3A_109 = tpu.memref_slice %arg8[%add3A_73, %dma_wait3A_108] : memref<40x128xi32, #tpu.memory_space<vmem>> -> memref<1x128xi32, #tpu.memory_space<vmem>>
          %dma_wait3A_110 = tpu.memref_squeeze %dma_wait3A_109 : memref<1x128xi32, #tpu.memory_space<vmem>> -> memref<128xi32, #tpu.memory_space<vmem>>
          %dma_wait3A_111 = arith.constant 0 : i32
          %dma_wait3A_112 = arith.constant 0 : i32
          %dma_wait3A_113 = tpu.memref_slice %arg11[%dma_wait3A_111, %dma_wait3A_112] : memref<10240x128xf32, #tpu.memory_space<vmem_shared>> -> memref<10240x128xf32, #tpu.memory_space<vmem_shared>>
          tpu.wait_indirect_dma semaphore(%run_scoped3A : memref<!tpu.dma_semaphore, #tpu.memory_space<semaphore_mem>>) src(%arg9 : memref<128x128xf32, #tpu.memory_space<vmem>>) dst(%dma_wait3A_113 : memref<10240x128xf32, #tpu.memory_space<vmem_shared>>)
          tpu.yield
        }) : () -> ()
        %mul3A_85 = arith.constant 2 : i32
        %mul3A_86 = arith.muli %scan3A_69, %mul3A_85 : i32
        %add3A_87 = arith.constant 1 : i32
        %add3A_88 = arith.addi %mul3A_86, %add3A_87 : i32
        %dma_wait3A_89 = arith.constant 0 : i32
        %dma_wait3A_90 = tpu.memref_slice %arg7[%add3A_88, %dma_wait3A_89] : memref<40x128xi32, #tpu.memory_space<vmem>> -> memref<1x128xi32, #tpu.memory_space<vmem>>
        %dma_wait3A_91 = tpu.memref_squeeze %dma_wait3A_90 : memref<1x128xi32, #tpu.memory_space<vmem>> -> memref<128xi32, #tpu.memory_space<vmem>>
        %dma_wait3A_92 = arith.constant 0 : i32
        %dma_wait3A_93 = arith.constant 0 : i32
        %dma_wait3A_94 = tpu.memref_slice %arg2[%dma_wait3A_92, %dma_wait3A_93] : memref<10240x128xf32, #tpu.memory_space<hbm>> -> memref<10240x128xf32, #tpu.memory_space<hbm>>
        tpu.wait_indirect_dma semaphore(%arg13 : memref<!tpu.dma_semaphore, #tpu.memory_space<semaphore_mem>>) src(%dma_wait3A_94 : memref<10240x128xf32, #tpu.memory_space<hbm>>) dst(%arg10 : memref<128x128xf32, #tpu.memory_space<vmem>>)
        %add3A_95 = arith.constant 1 : i32
        %add3A_96 = arith.addi %add3A_88, %add3A_95 : i32
        %lt3A_97 = arith.constant 40 : i32
        %lt3A_98 = arith.cmpi slt, %add3A_96, %lt3A_97 : i32
        %convert_element_type3A_99 = arith.extui %lt3A_98 : i1 to i32
        %cond3A_100 = arith.constant 0 : i32
        %cond3A_101 = arith.cmpi ne, %convert_element_type3A_99, %cond3A_100 : i32
        scf.if %cond3A_101 {
          %dma_start3A_102 = arith.constant 0 : i32
          %dma_start3A_103 = tpu.memref_slice %arg7[%add3A_96, %dma_start3A_102] : memref<40x128xi32, #tpu.memory_space<vmem>> -> memref<1x128xi32, #tpu.memory_space<vmem>>
          %dma_start3A_104 = tpu.memref_squeeze %dma_start3A_103 : memref<1x128xi32, #tpu.memory_space<vmem>> -> memref<128xi32, #tpu.memory_space<vmem>>
          %dma_start3A_105 = arith.constant 0 : i32
          %dma_start3A_106 = arith.constant 0 : i32
          %dma_start3A_107 = tpu.memref_slice %arg2[%dma_start3A_105, %dma_start3A_106] : memref<10240x128xf32, #tpu.memory_space<hbm>> -> memref<10240x128xf32, #tpu.memory_space<hbm>>
          tpu.enqueue_indirect_dma source(%dma_start3A_107 : memref<10240x128xf32, #tpu.memory_space<hbm>>) target(%arg9 : memref<128x128xf32, #tpu.memory_space<vmem>>) offsets(%dma_start3A_104 : memref<128xi32, #tpu.memory_space<vmem>>) semaphore(%arg12 : memref<!tpu.dma_semaphore, #tpu.memory_space<semaphore_mem>>)
        } else {
        }
        "tpu.region"() ({
          %run_scoped3A = tpu.sem_alloc : memref<!tpu.dma_semaphore, #tpu.memory_space<semaphore_mem>>
          %dma_start3A_102 = arith.constant 0 : i32
          %dma_start3A_103 = tpu.memref_slice %arg8[%add3A_88, %dma_start3A_102] : memref<40x128xi32, #tpu.memory_space<vmem>> -> memref<1x128xi32, #tpu.memory_space<vmem>>
          %dma_start3A_104 = tpu.memref_squeeze %dma_start3A_103 : memref<1x128xi32, #tpu.memory_space<vmem>> -> memref<128xi32, #tpu.memory_space<vmem>>
          %dma_start3A_105 = arith.constant 0 : i32
          %dma_start3A_106 = arith.constant 0 : i32
          %dma_start3A_107 = tpu.memref_slice %arg11[%dma_start3A_105, %dma_start3A_106] : memref<10240x128xf32, #tpu.memory_space<vmem_shared>> -> memref<10240x128xf32, #tpu.memory_space<vmem_shared>>
          tpu.enqueue_indirect_dma source(%arg10 : memref<128x128xf32, #tpu.memory_space<vmem>>) target(%dma_start3A_107 : memref<10240x128xf32, #tpu.memory_space<vmem_shared>>) offsets(%dma_start3A_104 : memref<128xi32, #tpu.memory_space<vmem>>) semaphore(%run_scoped3A : memref<!tpu.dma_semaphore, #tpu.memory_space<semaphore_mem>>) {add = true}
          %dma_wait3A_108 = arith.constant 0 : i32
          %dma_wait3A_109 = tpu.memref_slice %arg8[%add3A_88, %dma_wait3A_108] : memref<40x128xi32, #tpu.memory_space<vmem>> -> memref<1x128xi32, #tpu.memory_space<vmem>>
          %dma_wait3A_110 = tpu.memref_squeeze %dma_wait3A_109 : memref<1x128xi32, #tpu.memory_space<vmem>> -> memref<128xi32, #tpu.memory_space<vmem>>
          %dma_wait3A_111 = arith.constant 0 : i32
          %dma_wait3A_112 = arith.constant 0 : i32
          %dma_wait3A_113 = tpu.memref_slice %arg11[%dma_wait3A_111, %dma_wait3A_112] : memref<10240x128xf32, #tpu.memory_space<vmem_shared>> -> memref<10240x128xf32, #tpu.memory_space<vmem_shared>>
          tpu.wait_indirect_dma semaphore(%run_scoped3A : memref<!tpu.dma_semaphore, #tpu.memory_space<semaphore_mem>>) src(%arg10 : memref<128x128xf32, #tpu.memory_space<vmem>>) dst(%dma_wait3A_113 : memref<10240x128xf32, #tpu.memory_space<vmem_shared>>)
          tpu.yield
        }) : () -> ()
      }
      %scan3A_30 = arith.constant 20 : i32
      %mul3A_31 = arith.constant 3 : i32
      %mul3A_32 = arith.muli %arg1, %mul3A_31 : i32
      %add3A_33 = arith.constant 1 : i32
      %add3A_34 = arith.addi %mul3A_32, %add3A_33 : i32
      %mul3A_35 = arith.constant 40 : i32
      %mul3A_36 = arith.muli %add3A_34, %mul3A_35 : i32
      "tpu.region"() ({
        %run_scoped3A = tpu.sem_alloc : memref<!tpu.dma_semaphore, #tpu.memory_space<semaphore_mem>>
        %dma_start3A_69 = arith.constant 0 : i32
        %dma_start3A_70 = tpu.memref_slice %arg3[%mul3A_36, %dma_start3A_69] : memref<2560x128xi32, #tpu.memory_space<hbm>> -> memref<40x128xi32, #tpu.memory_space<hbm>>
        %dma_start3A_71 = arith.constant 0 : i32
        %dma_start3A_72 = tpu.memref_slice %arg3[%mul3A_36, %dma_start3A_71] : memref<2560x128xi32, #tpu.memory_space<hbm>> -> memref<40x128xi32, #tpu.memory_space<hbm>>
        tpu.enqueue_dma source(%dma_start3A_72 : memref<40x128xi32, #tpu.memory_space<hbm>>) target(%arg7 : memref<40x128xi32, #tpu.memory_space<vmem>>) target_semaphore(%run_scoped3A : memref<!tpu.dma_semaphore, #tpu.memory_space<semaphore_mem>>)
        %dma_wait3A = arith.constant 0 : i32
        %dma_wait3A_73 = tpu.memref_slice %arg3[%mul3A_36, %dma_wait3A] : memref<2560x128xi32, #tpu.memory_space<hbm>> -> memref<40x128xi32, #tpu.memory_space<hbm>>
        %dma_wait3A_74 = arith.constant 0 : i32
        %dma_wait3A_75 = tpu.memref_slice %arg3[%mul3A_36, %dma_wait3A_74] : memref<2560x128xi32, #tpu.memory_space<hbm>> -> memref<40x128xi32, #tpu.memory_space<hbm>>
        tpu.wait_dma2 semaphore(%run_scoped3A : memref<!tpu.dma_semaphore, #tpu.memory_space<semaphore_mem>>) src(%dma_wait3A_75 : memref<40x128xi32, #tpu.memory_space<hbm>>) dst(%arg7 : memref<40x128xi32, #tpu.memory_space<vmem>>)
        tpu.yield
      }) : () -> ()
      "tpu.region"() ({
        %run_scoped3A = tpu.sem_alloc : memref<!tpu.dma_semaphore, #tpu.memory_space<semaphore_mem>>
        %dma_start3A_69 = arith.constant 0 : i32
        %dma_start3A_70 = tpu.memref_slice %arg4[%mul3A_36, %dma_start3A_69] : memref<2560x128xi32, #tpu.memory_space<hbm>> -> memref<40x128xi32, #tpu.memory_space<hbm>>
        %dma_start3A_71 = arith.constant 0 : i32
        %dma_start3A_72 = tpu.memref_slice %arg4[%mul3A_36, %dma_start3A_71] : memref<2560x128xi32, #tpu.memory_space<hbm>> -> memref<40x128xi32, #tpu.memory_space<hbm>>
        tpu.enqueue_dma source(%dma_start3A_72 : memref<40x128xi32, #tpu.memory_space<hbm>>) target(%arg8 : memref<40x128xi32, #tpu.memory_space<vmem>>) target_semaphore(%run_scoped3A : memref<!tpu.dma_semaphore, #tpu.memory_space<semaphore_mem>>)
        %dma_wait3A = arith.constant 0 : i32
        %dma_wait3A_73 = tpu.memref_slice %arg4[%mul3A_36, %dma_wait3A] : memref<2560x128xi32, #tpu.memory_space<hbm>> -> memref<40x128xi32, #tpu.memory_space<hbm>>
        %dma_wait3A_74 = arith.constant 0 : i32
        %dma_wait3A_75 = tpu.memref_slice %arg4[%mul3A_36, %dma_wait3A_74] : memref<2560x128xi32, #tpu.memory_space<hbm>> -> memref<40x128xi32, #tpu.memory_space<hbm>>
        tpu.wait_dma2 semaphore(%run_scoped3A : memref<!tpu.dma_semaphore, #tpu.memory_space<semaphore_mem>>) src(%dma_wait3A_75 : memref<40x128xi32, #tpu.memory_space<hbm>>) dst(%arg8 : memref<40x128xi32, #tpu.memory_space<vmem>>)
        tpu.yield
      }) : () -> ()
      %dma_start3A_37 = arith.constant 0 : i32
      %dma_start3A_38 = arith.constant 0 : i32
      %dma_start3A_39 = tpu.memref_slice %arg7[%dma_start3A_37, %dma_start3A_38] : memref<40x128xi32, #tpu.memory_space<vmem>> -> memref<1x128xi32, #tpu.memory_space<vmem>>
      %dma_start3A_40 = tpu.memref_squeeze %dma_start3A_39 : memref<1x128xi32, #tpu.memory_space<vmem>> -> memref<128xi32, #tpu.memory_space<vmem>>
      %dma_start3A_41 = arith.constant 0 : i32
      %dma_start3A_42 = arith.constant 0 : i32
      %dma_start3A_43 = tpu.memref_slice %arg2[%dma_start3A_41, %dma_start3A_42] : memref<10240x128xf32, #tpu.memory_space<hbm>> -> memref<10240x128xf32, #tpu.memory_space<hbm>>
      tpu.enqueue_indirect_dma source(%dma_start3A_43 : memref<10240x128xf32, #tpu.memory_space<hbm>>) target(%arg9 : memref<128x128xf32, #tpu.memory_space<vmem>>) offsets(%dma_start3A_40 : memref<128xi32, #tpu.memory_space<vmem>>) semaphore(%arg12 : memref<!tpu.dma_semaphore, #tpu.memory_space<semaphore_mem>>)
      %scan3A_44 = arith.constant 0 : i32
      %scan3A_45 = arith.constant 0 : i32
      %scan3A_46 = arith.constant 20 : i32
      %scan3A_47 = arith.addi %scan3A_45, %scan3A_46 : i32
      %scan3A_48 = arith.constant 1 : i32
      scf.for %scan3A_69 = %scan3A_45 to %scan3A_47 step %scan3A_48  : i32 {
        %mul3A_70 = arith.constant 2 : i32
        %mul3A_71 = arith.muli %scan3A_69, %mul3A_70 : i32
        %add3A_72 = arith.constant 0 : i32
        %add3A_73 = arith.addi %mul3A_71, %add3A_72 : i32
        %dma_wait3A = arith.constant 0 : i32
        %dma_wait3A_74 = tpu.memref_slice %arg7[%add3A_73, %dma_wait3A] : memref<40x128xi32, #tpu.memory_space<vmem>> -> memref<1x128xi32, #tpu.memory_space<vmem>>
        %dma_wait3A_75 = tpu.memref_squeeze %dma_wait3A_74 : memref<1x128xi32, #tpu.memory_space<vmem>> -> memref<128xi32, #tpu.memory_space<vmem>>
        %dma_wait3A_76 = arith.constant 0 : i32
        %dma_wait3A_77 = arith.constant 0 : i32
        %dma_wait3A_78 = tpu.memref_slice %arg2[%dma_wait3A_76, %dma_wait3A_77] : memref<10240x128xf32, #tpu.memory_space<hbm>> -> memref<10240x128xf32, #tpu.memory_space<hbm>>
        tpu.wait_indirect_dma semaphore(%arg12 : memref<!tpu.dma_semaphore, #tpu.memory_space<semaphore_mem>>) src(%dma_wait3A_78 : memref<10240x128xf32, #tpu.memory_space<hbm>>) dst(%arg9 : memref<128x128xf32, #tpu.memory_space<vmem>>)
        %add3A_79 = arith.constant 1 : i32
        %add3A_80 = arith.addi %add3A_73, %add3A_79 : i32
        %lt3A = arith.constant 40 : i32
        %lt3A_81 = arith.cmpi slt, %add3A_80, %lt3A : i32
        %convert_element_type3A_82 = arith.extui %lt3A_81 : i1 to i32
        %cond3A_83 = arith.constant 0 : i32
        %cond3A_84 = arith.cmpi ne, %convert_element_type3A_82, %cond3A_83 : i32
        scf.if %cond3A_84 {
          %dma_start3A_102 = arith.constant 0 : i32
          %dma_start3A_103 = tpu.memref_slice %arg7[%add3A_80, %dma_start3A_102] : memref<40x128xi32, #tpu.memory_space<vmem>> -> memref<1x128xi32, #tpu.memory_space<vmem>>
          %dma_start3A_104 = tpu.memref_squeeze %dma_start3A_103 : memref<1x128xi32, #tpu.memory_space<vmem>> -> memref<128xi32, #tpu.memory_space<vmem>>
          %dma_start3A_105 = arith.constant 0 : i32
          %dma_start3A_106 = arith.constant 0 : i32
          %dma_start3A_107 = tpu.memref_slice %arg2[%dma_start3A_105, %dma_start3A_106] : memref<10240x128xf32, #tpu.memory_space<hbm>> -> memref<10240x128xf32, #tpu.memory_space<hbm>>
          tpu.enqueue_indirect_dma source(%dma_start3A_107 : memref<10240x128xf32, #tpu.memory_space<hbm>>) target(%arg10 : memref<128x128xf32, #tpu.memory_space<vmem>>) offsets(%dma_start3A_104 : memref<128xi32, #tpu.memory_space<vmem>>) semaphore(%arg13 : memref<!tpu.dma_semaphore, #tpu.memory_space<semaphore_mem>>)
        } else {
        }
        "tpu.region"() ({
          %run_scoped3A = tpu.sem_alloc : memref<!tpu.dma_semaphore, #tpu.memory_space<semaphore_mem>>
          %dma_start3A_102 = arith.constant 0 : i32
          %dma_start3A_103 = tpu.memref_slice %arg8[%add3A_73, %dma_start3A_102] : memref<40x128xi32, #tpu.memory_space<vmem>> -> memref<1x128xi32, #tpu.memory_space<vmem>>
          %dma_start3A_104 = tpu.memref_squeeze %dma_start3A_103 : memref<1x128xi32, #tpu.memory_space<vmem>> -> memref<128xi32, #tpu.memory_space<vmem>>
          %dma_start3A_105 = arith.constant 0 : i32
          %dma_start3A_106 = arith.constant 0 : i32
          %dma_start3A_107 = tpu.memref_slice %arg11[%dma_start3A_105, %dma_start3A_106] : memref<10240x128xf32, #tpu.memory_space<vmem_shared>> -> memref<10240x128xf32, #tpu.memory_space<vmem_shared>>
          tpu.enqueue_indirect_dma source(%arg9 : memref<128x128xf32, #tpu.memory_space<vmem>>) target(%dma_start3A_107 : memref<10240x128xf32, #tpu.memory_space<vmem_shared>>) offsets(%dma_start3A_104 : memref<128xi32, #tpu.memory_space<vmem>>) semaphore(%run_scoped3A : memref<!tpu.dma_semaphore, #tpu.memory_space<semaphore_mem>>) {add = true}
          %dma_wait3A_108 = arith.constant 0 : i32
          %dma_wait3A_109 = tpu.memref_slice %arg8[%add3A_73, %dma_wait3A_108] : memref<40x128xi32, #tpu.memory_space<vmem>> -> memref<1x128xi32, #tpu.memory_space<vmem>>
          %dma_wait3A_110 = tpu.memref_squeeze %dma_wait3A_109 : memref<1x128xi32, #tpu.memory_space<vmem>> -> memref<128xi32, #tpu.memory_space<vmem>>
          %dma_wait3A_111 = arith.constant 0 : i32
          %dma_wait3A_112 = arith.constant 0 : i32
          %dma_wait3A_113 = tpu.memref_slice %arg11[%dma_wait3A_111, %dma_wait3A_112] : memref<10240x128xf32, #tpu.memory_space<vmem_shared>> -> memref<10240x128xf32, #tpu.memory_space<vmem_shared>>
          tpu.wait_indirect_dma semaphore(%run_scoped3A : memref<!tpu.dma_semaphore, #tpu.memory_space<semaphore_mem>>) src(%arg9 : memref<128x128xf32, #tpu.memory_space<vmem>>) dst(%dma_wait3A_113 : memref<10240x128xf32, #tpu.memory_space<vmem_shared>>)
          tpu.yield
        }) : () -> ()
        %mul3A_85 = arith.constant 2 : i32
        %mul3A_86 = arith.muli %scan3A_69, %mul3A_85 : i32
        %add3A_87 = arith.constant 1 : i32
        %add3A_88 = arith.addi %mul3A_86, %add3A_87 : i32
        %dma_wait3A_89 = arith.constant 0 : i32
        %dma_wait3A_90 = tpu.memref_slice %arg7[%add3A_88, %dma_wait3A_89] : memref<40x128xi32, #tpu.memory_space<vmem>> -> memref<1x128xi32, #tpu.memory_space<vmem>>
        %dma_wait3A_91 = tpu.memref_squeeze %dma_wait3A_90 : memref<1x128xi32, #tpu.memory_space<vmem>> -> memref<128xi32, #tpu.memory_space<vmem>>
        %dma_wait3A_92 = arith.constant 0 : i32
        %dma_wait3A_93 = arith.constant 0 : i32
        %dma_wait3A_94 = tpu.memref_slice %arg2[%dma_wait3A_92, %dma_wait3A_93] : memref<10240x128xf32, #tpu.memory_space<hbm>> -> memref<10240x128xf32, #tpu.memory_space<hbm>>
        tpu.wait_indirect_dma semaphore(%arg13 : memref<!tpu.dma_semaphore, #tpu.memory_space<semaphore_mem>>) src(%dma_wait3A_94 : memref<10240x128xf32, #tpu.memory_space<hbm>>) dst(%arg10 : memref<128x128xf32, #tpu.memory_space<vmem>>)
        %add3A_95 = arith.constant 1 : i32
        %add3A_96 = arith.addi %add3A_88, %add3A_95 : i32
        %lt3A_97 = arith.constant 40 : i32
        %lt3A_98 = arith.cmpi slt, %add3A_96, %lt3A_97 : i32
        %convert_element_type3A_99 = arith.extui %lt3A_98 : i1 to i32
        %cond3A_100 = arith.constant 0 : i32
        %cond3A_101 = arith.cmpi ne, %convert_element_type3A_99, %cond3A_100 : i32
        scf.if %cond3A_101 {
          %dma_start3A_102 = arith.constant 0 : i32
          %dma_start3A_103 = tpu.memref_slice %arg7[%add3A_96, %dma_start3A_102] : memref<40x128xi32, #tpu.memory_space<vmem>> -> memref<1x128xi32, #tpu.memory_space<vmem>>
          %dma_start3A_104 = tpu.memref_squeeze %dma_start3A_103 : memref<1x128xi32, #tpu.memory_space<vmem>> -> memref<128xi32, #tpu.memory_space<vmem>>
          %dma_start3A_105 = arith.constant 0 : i32
          %dma_start3A_106 = arith.constant 0 : i32
          %dma_start3A_107 = tpu.memref_slice %arg2[%dma_start3A_105, %dma_start3A_106] : memref<10240x128xf32, #tpu.memory_space<hbm>> -> memref<10240x128xf32, #tpu.memory_space<hbm>>
          tpu.enqueue_indirect_dma source(%dma_start3A_107 : memref<10240x128xf32, #tpu.memory_space<hbm>>) target(%arg9 : memref<128x128xf32, #tpu.memory_space<vmem>>) offsets(%dma_start3A_104 : memref<128xi32, #tpu.memory_space<vmem>>) semaphore(%arg12 : memref<!tpu.dma_semaphore, #tpu.memory_space<semaphore_mem>>)
        } else {
        }
        "tpu.region"() ({
          %run_scoped3A = tpu.sem_alloc : memref<!tpu.dma_semaphore, #tpu.memory_space<semaphore_mem>>
          %dma_start3A_102 = arith.constant 0 : i32
          %dma_start3A_103 = tpu.memref_slice %arg8[%add3A_88, %dma_start3A_102] : memref<40x128xi32, #tpu.memory_space<vmem>> -> memref<1x128xi32, #tpu.memory_space<vmem>>
          %dma_start3A_104 = tpu.memref_squeeze %dma_start3A_103 : memref<1x128xi32, #tpu.memory_space<vmem>> -> memref<128xi32, #tpu.memory_space<vmem>>
          %dma_start3A_105 = arith.constant 0 : i32
          %dma_start3A_106 = arith.constant 0 : i32
          %dma_start3A_107 = tpu.memref_slice %arg11[%dma_start3A_105, %dma_start3A_106] : memref<10240x128xf32, #tpu.memory_space<vmem_shared>> -> memref<10240x128xf32, #tpu.memory_space<vmem_shared>>
          tpu.enqueue_indirect_dma source(%arg10 : memref<128x128xf32, #tpu.memory_space<vmem>>) target(%dma_start3A_107 : memref<10240x128xf32, #tpu.memory_space<vmem_shared>>) offsets(%dma_start3A_104 : memref<128xi32, #tpu.memory_space<vmem>>) semaphore(%run_scoped3A : memref<!tpu.dma_semaphore, #tpu.memory_space<semaphore_mem>>) {add = true}
          %dma_wait3A_108 = arith.constant 0 : i32
          %dma_wait3A_109 = tpu.memref_slice %arg8[%add3A_88, %dma_wait3A_108] : memref<40x128xi32, #tpu.memory_space<vmem>> -> memref<1x128xi32, #tpu.memory_space<vmem>>
          %dma_wait3A_110 = tpu.memref_squeeze %dma_wait3A_109 : memref<1x128xi32, #tpu.memory_space<vmem>> -> memref<128xi32, #tpu.memory_space<vmem>>
          %dma_wait3A_111 = arith.constant 0 : i32
          %dma_wait3A_112 = arith.constant 0 : i32
          %dma_wait3A_113 = tpu.memref_slice %arg11[%dma_wait3A_111, %dma_wait3A_112] : memref<10240x128xf32, #tpu.memory_space<vmem_shared>> -> memref<10240x128xf32, #tpu.memory_space<vmem_shared>>
          tpu.wait_indirect_dma semaphore(%run_scoped3A : memref<!tpu.dma_semaphore, #tpu.memory_space<semaphore_mem>>) src(%arg10 : memref<128x128xf32, #tpu.memory_space<vmem>>) dst(%dma_wait3A_113 : memref<10240x128xf32, #tpu.memory_space<vmem_shared>>)
          tpu.yield
        }) : () -> ()
      }
      %scan3A_49 = arith.constant 20 : i32
      %mul3A_50 = arith.constant 3 : i32
      %mul3A_51 = arith.muli %arg1, %mul3A_50 : i32
      %add3A_52 = arith.constant 2 : i32
      %add3A_53 = arith.addi %mul3A_51, %add3A_52 : i32
      %mul3A_54 = arith.constant 40 : i32
      %mul3A_55 = arith.muli %add3A_53, %mul3A_54 : i32
      "tpu.region"() ({
        %run_scoped3A = tpu.sem_alloc : memref<!tpu.dma_semaphore, #tpu.memory_space<semaphore_mem>>
        %dma_start3A_69 = arith.constant 0 : i32
        %dma_start3A_70 = tpu.memref_slice %arg3[%mul3A_55, %dma_start3A_69] : memref<2560x128xi32, #tpu.memory_space<hbm>> -> memref<40x128xi32, #tpu.memory_space<hbm>>
        %dma_start3A_71 = arith.constant 0 : i32
        %dma_start3A_72 = tpu.memref_slice %arg3[%mul3A_55, %dma_start3A_71] : memref<2560x128xi32, #tpu.memory_space<hbm>> -> memref<40x128xi32, #tpu.memory_space<hbm>>
        tpu.enqueue_dma source(%dma_start3A_72 : memref<40x128xi32, #tpu.memory_space<hbm>>) target(%arg7 : memref<40x128xi32, #tpu.memory_space<vmem>>) target_semaphore(%run_scoped3A : memref<!tpu.dma_semaphore, #tpu.memory_space<semaphore_mem>>)
        %dma_wait3A = arith.constant 0 : i32
        %dma_wait3A_73 = tpu.memref_slice %arg3[%mul3A_55, %dma_wait3A] : memref<2560x128xi32, #tpu.memory_space<hbm>> -> memref<40x128xi32, #tpu.memory_space<hbm>>
        %dma_wait3A_74 = arith.constant 0 : i32
        %dma_wait3A_75 = tpu.memref_slice %arg3[%mul3A_55, %dma_wait3A_74] : memref<2560x128xi32, #tpu.memory_space<hbm>> -> memref<40x128xi32, #tpu.memory_space<hbm>>
        tpu.wait_dma2 semaphore(%run_scoped3A : memref<!tpu.dma_semaphore, #tpu.memory_space<semaphore_mem>>) src(%dma_wait3A_75 : memref<40x128xi32, #tpu.memory_space<hbm>>) dst(%arg7 : memref<40x128xi32, #tpu.memory_space<vmem>>)
        tpu.yield
      }) : () -> ()
      "tpu.region"() ({
        %run_scoped3A = tpu.sem_alloc : memref<!tpu.dma_semaphore, #tpu.memory_space<semaphore_mem>>
        %dma_start3A_69 = arith.constant 0 : i32
        %dma_start3A_70 = tpu.memref_slice %arg4[%mul3A_55, %dma_start3A_69] : memref<2560x128xi32, #tpu.memory_space<hbm>> -> memref<40x128xi32, #tpu.memory_space<hbm>>
        %dma_start3A_71 = arith.constant 0 : i32
        %dma_start3A_72 = tpu.memref_slice %arg4[%mul3A_55, %dma_start3A_71] : memref<2560x128xi32, #tpu.memory_space<hbm>> -> memref<40x128xi32, #tpu.memory_space<hbm>>
        tpu.enqueue_dma source(%dma_start3A_72 : memref<40x128xi32, #tpu.memory_space<hbm>>) target(%arg8 : memref<40x128xi32, #tpu.memory_space<vmem>>) target_semaphore(%run_scoped3A : memref<!tpu.dma_semaphore, #tpu.memory_space<semaphore_mem>>)
        %dma_wait3A = arith.constant 0 : i32
        %dma_wait3A_73 = tpu.memref_slice %arg4[%mul3A_55, %dma_wait3A] : memref<2560x128xi32, #tpu.memory_space<hbm>> -> memref<40x128xi32, #tpu.memory_space<hbm>>
        %dma_wait3A_74 = arith.constant 0 : i32
        %dma_wait3A_75 = tpu.memref_slice %arg4[%mul3A_55, %dma_wait3A_74] : memref<2560x128xi32, #tpu.memory_space<hbm>> -> memref<40x128xi32, #tpu.memory_space<hbm>>
        tpu.wait_dma2 semaphore(%run_scoped3A : memref<!tpu.dma_semaphore, #tpu.memory_space<semaphore_mem>>) src(%dma_wait3A_75 : memref<40x128xi32, #tpu.memory_space<hbm>>) dst(%arg8 : memref<40x128xi32, #tpu.memory_space<vmem>>)
        tpu.yield
      }) : () -> ()
      %dma_start3A_56 = arith.constant 0 : i32
      %dma_start3A_57 = arith.constant 0 : i32
      %dma_start3A_58 = tpu.memref_slice %arg7[%dma_start3A_56, %dma_start3A_57] : memref<40x128xi32, #tpu.memory_space<vmem>> -> memref<1x128xi32, #tpu.memory_space<vmem>>
      %dma_start3A_59 = tpu.memref_squeeze %dma_start3A_58 : memref<1x128xi32, #tpu.memory_space<vmem>> -> memref<128xi32, #tpu.memory_space<vmem>>
      %dma_start3A_60 = arith.constant 0 : i32
      %dma_start3A_61 = arith.constant 0 : i32
      %dma_start3A_62 = tpu.memref_slice %arg2[%dma_start3A_60, %dma_start3A_61] : memref<10240x128xf32, #tpu.memory_space<hbm>> -> memref<10240x128xf32, #tpu.memory_space<hbm>>
      tpu.enqueue_indirect_dma source(%dma_start3A_62 : memref<10240x128xf32, #tpu.memory_space<hbm>>) target(%arg9 : memref<128x128xf32, #tpu.memory_space<vmem>>) offsets(%dma_start3A_59 : memref<128xi32, #tpu.memory_space<vmem>>) semaphore(%arg12 : memref<!tpu.dma_semaphore, #tpu.memory_space<semaphore_mem>>)
      %scan3A_63 = arith.constant 0 : i32
      %scan3A_64 = arith.constant 0 : i32
      %scan3A_65 = arith.constant 20 : i32
      %scan3A_66 = arith.addi %scan3A_64, %scan3A_65 : i32
      %scan3A_67 = arith.constant 1 : i32
      scf.for %scan3A_69 = %scan3A_64 to %scan3A_66 step %scan3A_67  : i32 {
        %mul3A_70 = arith.constant 2 : i32
        %mul3A_71 = arith.muli %scan3A_69, %mul3A_70 : i32
        %add3A_72 = arith.constant 0 : i32
        %add3A_73 = arith.addi %mul3A_71, %add3A_72 : i32
        %dma_wait3A = arith.constant 0 : i32
        %dma_wait3A_74 = tpu.memref_slice %arg7[%add3A_73, %dma_wait3A] : memref<40x128xi32, #tpu.memory_space<vmem>> -> memref<1x128xi32, #tpu.memory_space<vmem>>
        %dma_wait3A_75 = tpu.memref_squeeze %dma_wait3A_74 : memref<1x128xi32, #tpu.memory_space<vmem>> -> memref<128xi32, #tpu.memory_space<vmem>>
        %dma_wait3A_76 = arith.constant 0 : i32
        %dma_wait3A_77 = arith.constant 0 : i32
        %dma_wait3A_78 = tpu.memref_slice %arg2[%dma_wait3A_76, %dma_wait3A_77] : memref<10240x128xf32, #tpu.memory_space<hbm>> -> memref<10240x128xf32, #tpu.memory_space<hbm>>
        tpu.wait_indirect_dma semaphore(%arg12 : memref<!tpu.dma_semaphore, #tpu.memory_space<semaphore_mem>>) src(%dma_wait3A_78 : memref<10240x128xf32, #tpu.memory_space<hbm>>) dst(%arg9 : memref<128x128xf32, #tpu.memory_space<vmem>>)
        %add3A_79 = arith.constant 1 : i32
        %add3A_80 = arith.addi %add3A_73, %add3A_79 : i32
        %lt3A = arith.constant 40 : i32
        %lt3A_81 = arith.cmpi slt, %add3A_80, %lt3A : i32
        %convert_element_type3A_82 = arith.extui %lt3A_81 : i1 to i32
        %cond3A_83 = arith.constant 0 : i32
        %cond3A_84 = arith.cmpi ne, %convert_element_type3A_82, %cond3A_83 : i32
        scf.if %cond3A_84 {
          %dma_start3A_102 = arith.constant 0 : i32
          %dma_start3A_103 = tpu.memref_slice %arg7[%add3A_80, %dma_start3A_102] : memref<40x128xi32, #tpu.memory_space<vmem>> -> memref<1x128xi32, #tpu.memory_space<vmem>>
          %dma_start3A_104 = tpu.memref_squeeze %dma_start3A_103 : memref<1x128xi32, #tpu.memory_space<vmem>> -> memref<128xi32, #tpu.memory_space<vmem>>
          %dma_start3A_105 = arith.constant 0 : i32
          %dma_start3A_106 = arith.constant 0 : i32
          %dma_start3A_107 = tpu.memref_slice %arg2[%dma_start3A_105, %dma_start3A_106] : memref<10240x128xf32, #tpu.memory_space<hbm>> -> memref<10240x128xf32, #tpu.memory_space<hbm>>
          tpu.enqueue_indirect_dma source(%dma_start3A_107 : memref<10240x128xf32, #tpu.memory_space<hbm>>) target(%arg10 : memref<128x128xf32, #tpu.memory_space<vmem>>) offsets(%dma_start3A_104 : memref<128xi32, #tpu.memory_space<vmem>>) semaphore(%arg13 : memref<!tpu.dma_semaphore, #tpu.memory_space<semaphore_mem>>)
        } else {
        }
        "tpu.region"() ({
          %run_scoped3A = tpu.sem_alloc : memref<!tpu.dma_semaphore, #tpu.memory_space<semaphore_mem>>
          %dma_start3A_102 = arith.constant 0 : i32
          %dma_start3A_103 = tpu.memref_slice %arg8[%add3A_73, %dma_start3A_102] : memref<40x128xi32, #tpu.memory_space<vmem>> -> memref<1x128xi32, #tpu.memory_space<vmem>>
          %dma_start3A_104 = tpu.memref_squeeze %dma_start3A_103 : memref<1x128xi32, #tpu.memory_space<vmem>> -> memref<128xi32, #tpu.memory_space<vmem>>
          %dma_start3A_105 = arith.constant 0 : i32
          %dma_start3A_106 = arith.constant 0 : i32
          %dma_start3A_107 = tpu.memref_slice %arg11[%dma_start3A_105, %dma_start3A_106] : memref<10240x128xf32, #tpu.memory_space<vmem_shared>> -> memref<10240x128xf32, #tpu.memory_space<vmem_shared>>
          tpu.enqueue_indirect_dma source(%arg9 : memref<128x128xf32, #tpu.memory_space<vmem>>) target(%dma_start3A_107 : memref<10240x128xf32, #tpu.memory_space<vmem_shared>>) offsets(%dma_start3A_104 : memref<128xi32, #tpu.memory_space<vmem>>) semaphore(%run_scoped3A : memref<!tpu.dma_semaphore, #tpu.memory_space<semaphore_mem>>) {add = true}
          %dma_wait3A_108 = arith.constant 0 : i32
          %dma_wait3A_109 = tpu.memref_slice %arg8[%add3A_73, %dma_wait3A_108] : memref<40x128xi32, #tpu.memory_space<vmem>> -> memref<1x128xi32, #tpu.memory_space<vmem>>
          %dma_wait3A_110 = tpu.memref_squeeze %dma_wait3A_109 : memref<1x128xi32, #tpu.memory_space<vmem>> -> memref<128xi32, #tpu.memory_space<vmem>>
          %dma_wait3A_111 = arith.constant 0 : i32
          %dma_wait3A_112 = arith.constant 0 : i32
          %dma_wait3A_113 = tpu.memref_slice %arg11[%dma_wait3A_111, %dma_wait3A_112] : memref<10240x128xf32, #tpu.memory_space<vmem_shared>> -> memref<10240x128xf32, #tpu.memory_space<vmem_shared>>
          tpu.wait_indirect_dma semaphore(%run_scoped3A : memref<!tpu.dma_semaphore, #tpu.memory_space<semaphore_mem>>) src(%arg9 : memref<128x128xf32, #tpu.memory_space<vmem>>) dst(%dma_wait3A_113 : memref<10240x128xf32, #tpu.memory_space<vmem_shared>>)
          tpu.yield
        }) : () -> ()
        %mul3A_85 = arith.constant 2 : i32
        %mul3A_86 = arith.muli %scan3A_69, %mul3A_85 : i32
        %add3A_87 = arith.constant 1 : i32
        %add3A_88 = arith.addi %mul3A_86, %add3A_87 : i32
        %dma_wait3A_89 = arith.constant 0 : i32
        %dma_wait3A_90 = tpu.memref_slice %arg7[%add3A_88, %dma_wait3A_89] : memref<40x128xi32, #tpu.memory_space<vmem>> -> memref<1x128xi32, #tpu.memory_space<vmem>>
        %dma_wait3A_91 = tpu.memref_squeeze %dma_wait3A_90 : memref<1x128xi32, #tpu.memory_space<vmem>> -> memref<128xi32, #tpu.memory_space<vmem>>
        %dma_wait3A_92 = arith.constant 0 : i32
        %dma_wait3A_93 = arith.constant 0 : i32
        %dma_wait3A_94 = tpu.memref_slice %arg2[%dma_wait3A_92, %dma_wait3A_93] : memref<10240x128xf32, #tpu.memory_space<hbm>> -> memref<10240x128xf32, #tpu.memory_space<hbm>>
        tpu.wait_indirect_dma semaphore(%arg13 : memref<!tpu.dma_semaphore, #tpu.memory_space<semaphore_mem>>) src(%dma_wait3A_94 : memref<10240x128xf32, #tpu.memory_space<hbm>>) dst(%arg10 : memref<128x128xf32, #tpu.memory_space<vmem>>)
        %add3A_95 = arith.constant 1 : i32
        %add3A_96 = arith.addi %add3A_88, %add3A_95 : i32
        %lt3A_97 = arith.constant 40 : i32
        %lt3A_98 = arith.cmpi slt, %add3A_96, %lt3A_97 : i32
        %convert_element_type3A_99 = arith.extui %lt3A_98 : i1 to i32
        %cond3A_100 = arith.constant 0 : i32
        %cond3A_101 = arith.cmpi ne, %convert_element_type3A_99, %cond3A_100 : i32
        scf.if %cond3A_101 {
          %dma_start3A_102 = arith.constant 0 : i32
          %dma_start3A_103 = tpu.memref_slice %arg7[%add3A_96, %dma_start3A_102] : memref<40x128xi32, #tpu.memory_space<vmem>> -> memref<1x128xi32, #tpu.memory_space<vmem>>
          %dma_start3A_104 = tpu.memref_squeeze %dma_start3A_103 : memref<1x128xi32, #tpu.memory_space<vmem>> -> memref<128xi32, #tpu.memory_space<vmem>>
          %dma_start3A_105 = arith.constant 0 : i32
          %dma_start3A_106 = arith.constant 0 : i32
          %dma_start3A_107 = tpu.memref_slice %arg2[%dma_start3A_105, %dma_start3A_106] : memref<10240x128xf32, #tpu.memory_space<hbm>> -> memref<10240x128xf32, #tpu.memory_space<hbm>>
          tpu.enqueue_indirect_dma source(%dma_start3A_107 : memref<10240x128xf32, #tpu.memory_space<hbm>>) target(%arg9 : memref<128x128xf32, #tpu.memory_space<vmem>>) offsets(%dma_start3A_104 : memref<128xi32, #tpu.memory_space<vmem>>) semaphore(%arg12 : memref<!tpu.dma_semaphore, #tpu.memory_space<semaphore_mem>>)
        } else {
        }
        "tpu.region"() ({
          %run_scoped3A = tpu.sem_alloc : memref<!tpu.dma_semaphore, #tpu.memory_space<semaphore_mem>>
          %dma_start3A_102 = arith.constant 0 : i32
          %dma_start3A_103 = tpu.memref_slice %arg8[%add3A_88, %dma_start3A_102] : memref<40x128xi32, #tpu.memory_space<vmem>> -> memref<1x128xi32, #tpu.memory_space<vmem>>
          %dma_start3A_104 = tpu.memref_squeeze %dma_start3A_103 : memref<1x128xi32, #tpu.memory_space<vmem>> -> memref<128xi32, #tpu.memory_space<vmem>>
          %dma_start3A_105 = arith.constant 0 : i32
          %dma_start3A_106 = arith.constant 0 : i32
          %dma_start3A_107 = tpu.memref_slice %arg11[%dma_start3A_105, %dma_start3A_106] : memref<10240x128xf32, #tpu.memory_space<vmem_shared>> -> memref<10240x128xf32, #tpu.memory_space<vmem_shared>>
          tpu.enqueue_indirect_dma source(%arg10 : memref<128x128xf32, #tpu.memory_space<vmem>>) target(%dma_start3A_107 : memref<10240x128xf32, #tpu.memory_space<vmem_shared>>) offsets(%dma_start3A_104 : memref<128xi32, #tpu.memory_space<vmem>>) semaphore(%run_scoped3A : memref<!tpu.dma_semaphore, #tpu.memory_space<semaphore_mem>>) {add = true}
          %dma_wait3A_108 = arith.constant 0 : i32
          %dma_wait3A_109 = tpu.memref_slice %arg8[%add3A_88, %dma_wait3A_108] : memref<40x128xi32, #tpu.memory_space<vmem>> -> memref<1x128xi32, #tpu.memory_space<vmem>>
          %dma_wait3A_110 = tpu.memref_squeeze %dma_wait3A_109 : memref<1x128xi32, #tpu.memory_space<vmem>> -> memref<128xi32, #tpu.memory_space<vmem>>
          %dma_wait3A_111 = arith.constant 0 : i32
          %dma_wait3A_112 = arith.constant 0 : i32
          %dma_wait3A_113 = tpu.memref_slice %arg11[%dma_wait3A_111, %dma_wait3A_112] : memref<10240x128xf32, #tpu.memory_space<vmem_shared>> -> memref<10240x128xf32, #tpu.memory_space<vmem_shared>>
          tpu.wait_indirect_dma semaphore(%run_scoped3A : memref<!tpu.dma_semaphore, #tpu.memory_space<semaphore_mem>>) src(%arg10 : memref<128x128xf32, #tpu.memory_space<vmem>>) dst(%dma_wait3A_113 : memref<10240x128xf32, #tpu.memory_space<vmem_shared>>)
          tpu.yield
        }) : () -> ()
      }
      %scan3A_68 = arith.constant 20 : i32
    } else {
    }
    %ne3A = arith.constant 1 : i32
    %ne3A_3 = arith.cmpi ne, %arg0, %ne3A : i32
    %convert_element_type3A_4 = arith.extui %ne3A_3 : i1 to i32
    %cond3A_5 = arith.constant 0 : i32
    %cond3A_6 = arith.cmpi ne, %convert_element_type3A_4, %cond3A_5 : i32
    scf.if %cond3A_6 {
      %mul3A_14 = arith.constant 1 : i32
      %mul3A_15 = arith.muli %arg1, %mul3A_14 : i32
      %add3A_16 = arith.constant 0 : i32
      %add3A_17 = arith.addi %mul3A_15, %add3A_16 : i32
      %mul3A_18 = arith.constant 40 : i32
      %mul3A_19 = arith.muli %add3A_17, %mul3A_18 : i32
      %add3A_20 = arith.constant 1920 : i32
      %add3A_21 = arith.addi %add3A_20, %mul3A_19 : i32
      "tpu.region"() ({
        %run_scoped3A = tpu.sem_alloc : memref<!tpu.dma_semaphore, #tpu.memory_space<semaphore_mem>>
        %dma_start3A_33 = arith.constant 0 : i32
        %dma_start3A_34 = tpu.memref_slice %arg3[%add3A_21, %dma_start3A_33] : memref<2560x128xi32, #tpu.memory_space<hbm>> -> memref<40x128xi32, #tpu.memory_space<hbm>>
        %dma_start3A_35 = arith.constant 0 : i32
        %dma_start3A_36 = tpu.memref_slice %arg3[%add3A_21, %dma_start3A_35] : memref<2560x128xi32, #tpu.memory_space<hbm>> -> memref<40x128xi32, #tpu.memory_space<hbm>>
        tpu.enqueue_dma source(%dma_start3A_36 : memref<40x128xi32, #tpu.memory_space<hbm>>) target(%arg7 : memref<40x128xi32, #tpu.memory_space<vmem>>) target_semaphore(%run_scoped3A : memref<!tpu.dma_semaphore, #tpu.memory_space<semaphore_mem>>)
        %dma_wait3A = arith.constant 0 : i32
        %dma_wait3A_37 = tpu.memref_slice %arg3[%add3A_21, %dma_wait3A] : memref<2560x128xi32, #tpu.memory_space<hbm>> -> memref<40x128xi32, #tpu.memory_space<hbm>>
        %dma_wait3A_38 = arith.constant 0 : i32
        %dma_wait3A_39 = tpu.memref_slice %arg3[%add3A_21, %dma_wait3A_38] : memref<2560x128xi32, #tpu.memory_space<hbm>> -> memref<40x128xi32, #tpu.memory_space<hbm>>
        tpu.wait_dma2 semaphore(%run_scoped3A : memref<!tpu.dma_semaphore, #tpu.memory_space<semaphore_mem>>) src(%dma_wait3A_39 : memref<40x128xi32, #tpu.memory_space<hbm>>) dst(%arg7 : memref<40x128xi32, #tpu.memory_space<vmem>>)
        tpu.yield
      }) : () -> ()
      "tpu.region"() ({
        %run_scoped3A = tpu.sem_alloc : memref<!tpu.dma_semaphore, #tpu.memory_space<semaphore_mem>>
        %dma_start3A_33 = arith.constant 0 : i32
        %dma_start3A_34 = tpu.memref_slice %arg4[%add3A_21, %dma_start3A_33] : memref<2560x128xi32, #tpu.memory_space<hbm>> -> memref<40x128xi32, #tpu.memory_space<hbm>>
        %dma_start3A_35 = arith.constant 0 : i32
        %dma_start3A_36 = tpu.memref_slice %arg4[%add3A_21, %dma_start3A_35] : memref<2560x128xi32, #tpu.memory_space<hbm>> -> memref<40x128xi32, #tpu.memory_space<hbm>>
        tpu.enqueue_dma source(%dma_start3A_36 : memref<40x128xi32, #tpu.memory_space<hbm>>) target(%arg8 : memref<40x128xi32, #tpu.memory_space<vmem>>) target_semaphore(%run_scoped3A : memref<!tpu.dma_semaphore, #tpu.memory_space<semaphore_mem>>)
        %dma_wait3A = arith.constant 0 : i32
        %dma_wait3A_37 = tpu.memref_slice %arg4[%add3A_21, %dma_wait3A] : memref<2560x128xi32, #tpu.memory_space<hbm>> -> memref<40x128xi32, #tpu.memory_space<hbm>>
        %dma_wait3A_38 = arith.constant 0 : i32
        %dma_wait3A_39 = tpu.memref_slice %arg4[%add3A_21, %dma_wait3A_38] : memref<2560x128xi32, #tpu.memory_space<hbm>> -> memref<40x128xi32, #tpu.memory_space<hbm>>
        tpu.wait_dma2 semaphore(%run_scoped3A : memref<!tpu.dma_semaphore, #tpu.memory_space<semaphore_mem>>) src(%dma_wait3A_39 : memref<40x128xi32, #tpu.memory_space<hbm>>) dst(%arg8 : memref<40x128xi32, #tpu.memory_space<vmem>>)
        tpu.yield
      }) : () -> ()
      %dma_start3A = arith.constant 0 : i32
      %dma_start3A_22 = arith.constant 0 : i32
      %dma_start3A_23 = tpu.memref_slice %arg7[%dma_start3A, %dma_start3A_22] : memref<40x128xi32, #tpu.memory_space<vmem>> -> memref<1x128xi32, #tpu.memory_space<vmem>>
      %dma_start3A_24 = tpu.memref_squeeze %dma_start3A_23 : memref<1x128xi32, #tpu.memory_space<vmem>> -> memref<128xi32, #tpu.memory_space<vmem>>
      %dma_start3A_25 = arith.constant 0 : i32
      %dma_start3A_26 = arith.constant 0 : i32
      %dma_start3A_27 = tpu.memref_slice %arg2[%dma_start3A_25, %dma_start3A_26] : memref<10240x128xf32, #tpu.memory_space<hbm>> -> memref<10240x128xf32, #tpu.memory_space<hbm>>
      tpu.enqueue_indirect_dma source(%dma_start3A_27 : memref<10240x128xf32, #tpu.memory_space<hbm>>) target(%arg9 : memref<128x128xf32, #tpu.memory_space<vmem>>) offsets(%dma_start3A_24 : memref<128xi32, #tpu.memory_space<vmem>>) semaphore(%arg12 : memref<!tpu.dma_semaphore, #tpu.memory_space<semaphore_mem>>)
      %scan3A = arith.constant 0 : i32
      %scan3A_28 = arith.constant 0 : i32
      %scan3A_29 = arith.constant 20 : i32
      %scan3A_30 = arith.addi %scan3A_28, %scan3A_29 : i32
      %scan3A_31 = arith.constant 1 : i32
      scf.for %scan3A_33 = %scan3A_28 to %scan3A_30 step %scan3A_31  : i32 {
        %mul3A_34 = arith.constant 2 : i32
        %mul3A_35 = arith.muli %scan3A_33, %mul3A_34 : i32
        %add3A_36 = arith.constant 0 : i32
        %add3A_37 = arith.addi %mul3A_35, %add3A_36 : i32
        %dma_wait3A = arith.constant 0 : i32
        %dma_wait3A_38 = tpu.memref_slice %arg7[%add3A_37, %dma_wait3A] : memref<40x128xi32, #tpu.memory_space<vmem>> -> memref<1x128xi32, #tpu.memory_space<vmem>>
        %dma_wait3A_39 = tpu.memref_squeeze %dma_wait3A_38 : memref<1x128xi32, #tpu.memory_space<vmem>> -> memref<128xi32, #tpu.memory_space<vmem>>
        %dma_wait3A_40 = arith.constant 0 : i32
        %dma_wait3A_41 = arith.constant 0 : i32
        %dma_wait3A_42 = tpu.memref_slice %arg2[%dma_wait3A_40, %dma_wait3A_41] : memref<10240x128xf32, #tpu.memory_space<hbm>> -> memref<10240x128xf32, #tpu.memory_space<hbm>>
        tpu.wait_indirect_dma semaphore(%arg12 : memref<!tpu.dma_semaphore, #tpu.memory_space<semaphore_mem>>) src(%dma_wait3A_42 : memref<10240x128xf32, #tpu.memory_space<hbm>>) dst(%arg9 : memref<128x128xf32, #tpu.memory_space<vmem>>)
        %add3A_43 = arith.constant 1 : i32
        %add3A_44 = arith.addi %add3A_37, %add3A_43 : i32
        %lt3A = arith.constant 40 : i32
        %lt3A_45 = arith.cmpi slt, %add3A_44, %lt3A : i32
        %convert_element_type3A_46 = arith.extui %lt3A_45 : i1 to i32
        %cond3A_47 = arith.constant 0 : i32
        %cond3A_48 = arith.cmpi ne, %convert_element_type3A_46, %cond3A_47 : i32
        scf.if %cond3A_48 {
          %dma_start3A_66 = arith.constant 0 : i32
          %dma_start3A_67 = tpu.memref_slice %arg7[%add3A_44, %dma_start3A_66] : memref<40x128xi32, #tpu.memory_space<vmem>> -> memref<1x128xi32, #tpu.memory_space<vmem>>
          %dma_start3A_68 = tpu.memref_squeeze %dma_start3A_67 : memref<1x128xi32, #tpu.memory_space<vmem>> -> memref<128xi32, #tpu.memory_space<vmem>>
          %dma_start3A_69 = arith.constant 0 : i32
          %dma_start3A_70 = arith.constant 0 : i32
          %dma_start3A_71 = tpu.memref_slice %arg2[%dma_start3A_69, %dma_start3A_70] : memref<10240x128xf32, #tpu.memory_space<hbm>> -> memref<10240x128xf32, #tpu.memory_space<hbm>>
          tpu.enqueue_indirect_dma source(%dma_start3A_71 : memref<10240x128xf32, #tpu.memory_space<hbm>>) target(%arg10 : memref<128x128xf32, #tpu.memory_space<vmem>>) offsets(%dma_start3A_68 : memref<128xi32, #tpu.memory_space<vmem>>) semaphore(%arg13 : memref<!tpu.dma_semaphore, #tpu.memory_space<semaphore_mem>>)
        } else {
        }
        "tpu.region"() ({
          %run_scoped3A = tpu.sem_alloc : memref<!tpu.dma_semaphore, #tpu.memory_space<semaphore_mem>>
          %dma_start3A_66 = arith.constant 0 : i32
          %dma_start3A_67 = tpu.memref_slice %arg8[%add3A_37, %dma_start3A_66] : memref<40x128xi32, #tpu.memory_space<vmem>> -> memref<1x128xi32, #tpu.memory_space<vmem>>
          %dma_start3A_68 = tpu.memref_squeeze %dma_start3A_67 : memref<1x128xi32, #tpu.memory_space<vmem>> -> memref<128xi32, #tpu.memory_space<vmem>>
          %dma_start3A_69 = arith.constant 0 : i32
          %dma_start3A_70 = arith.constant 0 : i32
          %dma_start3A_71 = tpu.memref_slice %arg11[%dma_start3A_69, %dma_start3A_70] : memref<10240x128xf32, #tpu.memory_space<vmem_shared>> -> memref<10240x128xf32, #tpu.memory_space<vmem_shared>>
          tpu.enqueue_indirect_dma source(%arg9 : memref<128x128xf32, #tpu.memory_space<vmem>>) target(%dma_start3A_71 : memref<10240x128xf32, #tpu.memory_space<vmem_shared>>) offsets(%dma_start3A_68 : memref<128xi32, #tpu.memory_space<vmem>>) semaphore(%run_scoped3A : memref<!tpu.dma_semaphore, #tpu.memory_space<semaphore_mem>>) {add = true}
          %dma_wait3A_72 = arith.constant 0 : i32
          %dma_wait3A_73 = tpu.memref_slice %arg8[%add3A_37, %dma_wait3A_72] : memref<40x128xi32, #tpu.memory_space<vmem>> -> memref<1x128xi32, #tpu.memory_space<vmem>>
          %dma_wait3A_74 = tpu.memref_squeeze %dma_wait3A_73 : memref<1x128xi32, #tpu.memory_space<vmem>> -> memref<128xi32, #tpu.memory_space<vmem>>
          %dma_wait3A_75 = arith.constant 0 : i32
          %dma_wait3A_76 = arith.constant 0 : i32
          %dma_wait3A_77 = tpu.memref_slice %arg11[%dma_wait3A_75, %dma_wait3A_76] : memref<10240x128xf32, #tpu.memory_space<vmem_shared>> -> memref<10240x128xf32, #tpu.memory_space<vmem_shared>>
          tpu.wait_indirect_dma semaphore(%run_scoped3A : memref<!tpu.dma_semaphore, #tpu.memory_space<semaphore_mem>>) src(%arg9 : memref<128x128xf32, #tpu.memory_space<vmem>>) dst(%dma_wait3A_77 : memref<10240x128xf32, #tpu.memory_space<vmem_shared>>)
          tpu.yield
        }) : () -> ()
        %mul3A_49 = arith.constant 2 : i32
        %mul3A_50 = arith.muli %scan3A_33, %mul3A_49 : i32
        %add3A_51 = arith.constant 1 : i32
        %add3A_52 = arith.addi %mul3A_50, %add3A_51 : i32
        %dma_wait3A_53 = arith.constant 0 : i32
        %dma_wait3A_54 = tpu.memref_slice %arg7[%add3A_52, %dma_wait3A_53] : memref<40x128xi32, #tpu.memory_space<vmem>> -> memref<1x128xi32, #tpu.memory_space<vmem>>
        %dma_wait3A_55 = tpu.memref_squeeze %dma_wait3A_54 : memref<1x128xi32, #tpu.memory_space<vmem>> -> memref<128xi32, #tpu.memory_space<vmem>>
        %dma_wait3A_56 = arith.constant 0 : i32
        %dma_wait3A_57 = arith.constant 0 : i32
        %dma_wait3A_58 = tpu.memref_slice %arg2[%dma_wait3A_56, %dma_wait3A_57] : memref<10240x128xf32, #tpu.memory_space<hbm>> -> memref<10240x128xf32, #tpu.memory_space<hbm>>
        tpu.wait_indirect_dma semaphore(%arg13 : memref<!tpu.dma_semaphore, #tpu.memory_space<semaphore_mem>>) src(%dma_wait3A_58 : memref<10240x128xf32, #tpu.memory_space<hbm>>) dst(%arg10 : memref<128x128xf32, #tpu.memory_space<vmem>>)
        %add3A_59 = arith.constant 1 : i32
        %add3A_60 = arith.addi %add3A_52, %add3A_59 : i32
        %lt3A_61 = arith.constant 40 : i32
        %lt3A_62 = arith.cmpi slt, %add3A_60, %lt3A_61 : i32
        %convert_element_type3A_63 = arith.extui %lt3A_62 : i1 to i32
        %cond3A_64 = arith.constant 0 : i32
        %cond3A_65 = arith.cmpi ne, %convert_element_type3A_63, %cond3A_64 : i32
        scf.if %cond3A_65 {
          %dma_start3A_66 = arith.constant 0 : i32
          %dma_start3A_67 = tpu.memref_slice %arg7[%add3A_60, %dma_start3A_66] : memref<40x128xi32, #tpu.memory_space<vmem>> -> memref<1x128xi32, #tpu.memory_space<vmem>>
          %dma_start3A_68 = tpu.memref_squeeze %dma_start3A_67 : memref<1x128xi32, #tpu.memory_space<vmem>> -> memref<128xi32, #tpu.memory_space<vmem>>
          %dma_start3A_69 = arith.constant 0 : i32
          %dma_start3A_70 = arith.constant 0 : i32
          %dma_start3A_71 = tpu.memref_slice %arg2[%dma_start3A_69, %dma_start3A_70] : memref<10240x128xf32, #tpu.memory_space<hbm>> -> memref<10240x128xf32, #tpu.memory_space<hbm>>
          tpu.enqueue_indirect_dma source(%dma_start3A_71 : memref<10240x128xf32, #tpu.memory_space<hbm>>) target(%arg9 : memref<128x128xf32, #tpu.memory_space<vmem>>) offsets(%dma_start3A_68 : memref<128xi32, #tpu.memory_space<vmem>>) semaphore(%arg12 : memref<!tpu.dma_semaphore, #tpu.memory_space<semaphore_mem>>)
        } else {
        }
        "tpu.region"() ({
          %run_scoped3A = tpu.sem_alloc : memref<!tpu.dma_semaphore, #tpu.memory_space<semaphore_mem>>
          %dma_start3A_66 = arith.constant 0 : i32
          %dma_start3A_67 = tpu.memref_slice %arg8[%add3A_52, %dma_start3A_66] : memref<40x128xi32, #tpu.memory_space<vmem>> -> memref<1x128xi32, #tpu.memory_space<vmem>>
          %dma_start3A_68 = tpu.memref_squeeze %dma_start3A_67 : memref<1x128xi32, #tpu.memory_space<vmem>> -> memref<128xi32, #tpu.memory_space<vmem>>
          %dma_start3A_69 = arith.constant 0 : i32
          %dma_start3A_70 = arith.constant 0 : i32
          %dma_start3A_71 = tpu.memref_slice %arg11[%dma_start3A_69, %dma_start3A_70] : memref<10240x128xf32, #tpu.memory_space<vmem_shared>> -> memref<10240x128xf32, #tpu.memory_space<vmem_shared>>
          tpu.enqueue_indirect_dma source(%arg10 : memref<128x128xf32, #tpu.memory_space<vmem>>) target(%dma_start3A_71 : memref<10240x128xf32, #tpu.memory_space<vmem_shared>>) offsets(%dma_start3A_68 : memref<128xi32, #tpu.memory_space<vmem>>) semaphore(%run_scoped3A : memref<!tpu.dma_semaphore, #tpu.memory_space<semaphore_mem>>) {add = true}
          %dma_wait3A_72 = arith.constant 0 : i32
          %dma_wait3A_73 = tpu.memref_slice %arg8[%add3A_52, %dma_wait3A_72] : memref<40x128xi32, #tpu.memory_space<vmem>> -> memref<1x128xi32, #tpu.memory_space<vmem>>
          %dma_wait3A_74 = tpu.memref_squeeze %dma_wait3A_73 : memref<1x128xi32, #tpu.memory_space<vmem>> -> memref<128xi32, #tpu.memory_space<vmem>>
          %dma_wait3A_75 = arith.constant 0 : i32
          %dma_wait3A_76 = arith.constant 0 : i32
          %dma_wait3A_77 = tpu.memref_slice %arg11[%dma_wait3A_75, %dma_wait3A_76] : memref<10240x128xf32, #tpu.memory_space<vmem_shared>> -> memref<10240x128xf32, #tpu.memory_space<vmem_shared>>
          tpu.wait_indirect_dma semaphore(%run_scoped3A : memref<!tpu.dma_semaphore, #tpu.memory_space<semaphore_mem>>) src(%arg10 : memref<128x128xf32, #tpu.memory_space<vmem>>) dst(%dma_wait3A_77 : memref<10240x128xf32, #tpu.memory_space<vmem_shared>>)
          tpu.yield
        }) : () -> ()
      }
      %scan3A_32 = arith.constant 20 : i32
    } else {
    }
    %barrier3A_7 = arith.constant 0 : index
    tpu.barrier barrier_id(%barrier3A_7)
    %mul3A_8 = arith.constant 640 : i32
    %mul3A_9 = arith.muli %arg1, %mul3A_8 : i32
    %mul3A_10 = arith.constant 10240 : i32
    %mul3A_11 = arith.muli %arg0, %mul3A_10 : i32
    %mul3A_12 = arith.constant 640 : i32
    %mul3A_13 = arith.muli %arg1, %mul3A_12 : i32
    %add3A = arith.addi %mul3A_11, %mul3A_13 : i32
    "tpu.region"() ({
      %run_scoped3A = tpu.sem_alloc : memref<!tpu.dma_semaphore, #tpu.memory_space<semaphore_mem>>
      %dma_start3A = arith.constant 0 : i32
      %dma_start3A_14 = tpu.memref_slice %arg6[%add3A, %dma_start3A] : memref<20480x128xf32, #tpu.memory_space<hbm>> -> memref<640x128xf32, #tpu.memory_space<hbm>>
      %dma_start3A_15 = arith.constant 0 : i32
      %dma_start3A_16 = tpu.memref_slice %arg11[%mul3A_9, %dma_start3A_15] : memref<10240x128xf32, #tpu.memory_space<vmem_shared>> -> memref<640x128xf32, #tpu.memory_space<vmem_shared>>
      tpu.enqueue_dma source(%dma_start3A_16 : memref<640x128xf32, #tpu.memory_space<vmem_shared>>) target(%dma_start3A_14 : memref<640x128xf32, #tpu.memory_space<hbm>>) target_semaphore(%run_scoped3A : memref<!tpu.dma_semaphore, #tpu.memory_space<semaphore_mem>>)
      %dma_wait3A = arith.constant 0 : i32
      %dma_wait3A_17 = tpu.memref_slice %arg6[%add3A, %dma_wait3A] : memref<20480x128xf32, #tpu.memory_space<hbm>> -> memref<640x128xf32, #tpu.memory_space<hbm>>
      %dma_wait3A_18 = arith.constant 0 : i32
      %dma_wait3A_19 = tpu.memref_slice %arg11[%mul3A_9, %dma_wait3A_18] : memref<10240x128xf32, #tpu.memory_space<vmem_shared>> -> memref<640x128xf32, #tpu.memory_space<vmem_shared>>
      tpu.wait_dma2 semaphore(%run_scoped3A : memref<!tpu.dma_semaphore, #tpu.memory_space<semaphore_mem>>) src(%dma_wait3A_19 : memref<640x128xf32, #tpu.memory_space<vmem_shared>>) dst(%dma_wait3A_17 : memref<640x128xf32, #tpu.memory_space<hbm>>)
      tpu.yield
    }) : () -> ()
    return
  }
}

module attributes {stable_mosaic.version = 14 : i64} {
  func.func @_gmat_body(%arg0: i32, %arg1: memref<512x128xf32, #tpu.memory_space<vmem>>, %arg2: memref<128x128xf32, #tpu.memory_space<vmem>>, %arg3: memref<512x1xf32, #tpu.memory_space<vmem>>, %arg4: memref<512x1xf32, #tpu.memory_space<vmem>>, %arg5: memref<512x128xf32, #tpu.memory_space<vmem>>) attributes {dimension_semantics = [#tpu.dimension_semantics<arbitrary>], iteration_bounds = array<i64: 20>, scalar_prefetch = 0 : i64, scratch_operands = 0 : i64, tpu.core_type = #tpu.core_type<tc>, window_params = [{transform_indices = @transform_0, window_bounds = array<i64: 512, 128>}, {pipeline_mode = #tpu.pipeline_mode<synchronous>, transform_indices = @transform_1, window_bounds = array<i64: 128, 128>}, {transform_indices = @transform_2, window_bounds = array<i64: 512, 1>}, {transform_indices = @transform_3, window_bounds = array<i64: 512, 1>}, {transform_indices = @transform_4, window_bounds = array<i64: 512, 128>}]} {
    %get3A = arith.constant 0 : index
    %get3A_0 = arith.constant 0 : index
    %get3A_1 = vector.load %arg3[%get3A, %get3A_0] : memref<512x1xf32, #tpu.memory_space<vmem>>, vector<512x1xf32>
    %get3A_2 = arith.constant 0 : index
    %get3A_3 = arith.constant 0 : index
    %get3A_4 = vector.load %arg4[%get3A_2, %get3A_3] : memref<512x1xf32, #tpu.memory_space<vmem>>, vector<512x1xf32>
    %add3A = arith.addf %get3A_1, %get3A_4 : vector<512x1xf32>
    %add3A_5 = arith.constant 1.000000e+00 : f32
    %add3A_6 = vector.broadcast %add3A_5 : f32 to vector<512x1xf32>
    %add3A_7 = arith.addf %add3A, %add3A_6 : vector<512x1xf32>
    %rsqrt3A = math.rsqrt %add3A_7 : vector<512x1xf32>
    %get3A_8 = arith.constant 0 : index
    %get3A_9 = arith.constant 0 : index
    %get3A_10 = vector.load %arg1[%get3A_8, %get3A_9] : memref<512x128xf32, #tpu.memory_space<vmem>>, vector<512x128xf32>
    %get3A_11 = arith.constant 0 : index
    %get3A_12 = arith.constant 0 : index
    %get3A_13 = vector.load %arg2[%get3A_11, %get3A_12] : memref<128x128xf32, #tpu.memory_space<vmem>>, vector<128x128xf32>
    %dot_general3A = arith.constant dense<0.000000e+00> : vector<512x128xf32>
    %dot_general3A_14 = tpu.matmul %get3A_10, %get3A_13, %dot_general3A {dimension_numbers = #tpu.dot_dimension_numbers<[1], [0], [0], [1], [0, 0, 1, 1], [], []>, transpose_lhs_hint = false} : vector<512x128xf32>, vector<128x128xf32>, vector<512x128xf32> -> vector<512x128xf32>
    %mul3A = vector.broadcast %rsqrt3A : vector<512x1xf32> to vector<512x128xf32>
    %mul3A_15 = arith.mulf %dot_general3A_14, %mul3A : vector<512x128xf32>
    %swap3A = arith.constant 0 : index
    %swap3A_16 = arith.constant 0 : index
    %swap3A_17 = vector.load %arg5[%swap3A, %swap3A_16] : memref<512x128xf32, #tpu.memory_space<vmem>>, vector<512x128xf32>
    tpu.vector_store %arg5[%swap3A, %swap3A_16], %mul3A_15 {strides = array<i32>} : memref<512x128xf32, #tpu.memory_space<vmem>>, vector<512x128xf32>,
    return
  }
  func.func @transform_0(%arg0: i32) -> (i32, i32) {
    %c0_i32 = arith.constant 0 : i32
    %c0_i32_0 = arith.constant 0 : i32
    return %arg0, %c0_i32 : i32, i32
  }
  func.func @transform_1(%arg0: i32) -> (i32, i32) {
    %c0_i32 = arith.constant 0 : i32
    %c0_i32_0 = arith.constant 0 : i32
    %c0_i32_1 = arith.constant 0 : i32
    return %c0_i32, %c0_i32_0 : i32, i32
  }
  func.func @transform_2(%arg0: i32) -> (i32, i32) {
    %c0_i32 = arith.constant 0 : i32
    %c0_i32_0 = arith.constant 0 : i32
    return %arg0, %c0_i32 : i32, i32
  }
  func.func @transform_3(%arg0: i32) -> (i32, i32) {
    %c0_i32 = arith.constant 0 : i32
    %c0_i32_0 = arith.constant 0 : i32
    return %arg0, %c0_i32 : i32, i32
  }
  func.func @transform_4(%arg0: i32) -> (i32, i32) {
    %c0_i32 = arith.constant 0 : i32
    %c0_i32_0 = arith.constant 0 : i32
    return %arg0, %c0_i32 : i32, i32
  }
}

module attributes {stable_mosaic.version = 14 : i64} {
  func.func @_cb2_body(%arg0: i32, %arg1: memref<512x128xf32, #tpu.memory_space<vmem>>, %arg2: memref<512x128xf32, #tpu.memory_space<vmem>>, %arg3: memref<512x128xf32, #tpu.memory_space<vmem>>, %arg4: memref<512x1xf32, #tpu.memory_space<vmem>>, %arg5: memref<512x1xf32, #tpu.memory_space<vmem>>, %arg6: memref<1x128xf32, #tpu.memory_space<vmem>>, %arg7: memref<128x128xf32, #tpu.memory_space<vmem>>, %arg8: memref<512x128xf32, #tpu.memory_space<vmem>>) attributes {dimension_semantics = [#tpu.dimension_semantics<arbitrary>], iteration_bounds = array<i64: 20>, scalar_prefetch = 0 : i64, scratch_operands = 0 : i64, tpu.core_type = #tpu.core_type<tc>, window_params = [{transform_indices = @transform_0, window_bounds = array<i64: 512, 128>}, {transform_indices = @transform_1, window_bounds = array<i64: 512, 128>}, {transform_indices = @transform_2, window_bounds = array<i64: 512, 128>}, {transform_indices = @transform_3, window_bounds = array<i64: 512, 1>}, {transform_indices = @transform_4, window_bounds = array<i64: 512, 1>}, {pipeline_mode = #tpu.pipeline_mode<synchronous>, transform_indices = @transform_5, window_bounds = array<i64: 1, 128>}, {pipeline_mode = #tpu.pipeline_mode<synchronous>, transform_indices = @transform_6, window_bounds = array<i64: 128, 128>}, {transform_indices = @transform_7, window_bounds = array<i64: 512, 128>}]} {
    %get3A = arith.constant 0 : index
    %get3A_0 = arith.constant 0 : index
    %get3A_1 = vector.load %arg4[%get3A, %get3A_0] : memref<512x1xf32, #tpu.memory_space<vmem>>, vector<512x1xf32>
    %get3A_2 = arith.constant 0 : index
    %get3A_3 = arith.constant 0 : index
    %get3A_4 = vector.load %arg5[%get3A_2, %get3A_3] : memref<512x1xf32, #tpu.memory_space<vmem>>, vector<512x1xf32>
    %add3A = arith.addf %get3A_1, %get3A_4 : vector<512x1xf32>
    %add3A_5 = arith.constant 1.000000e+00 : f32
    %add3A_6 = vector.broadcast %add3A_5 : f32 to vector<512x1xf32>
    %add3A_7 = arith.addf %add3A, %add3A_6 : vector<512x1xf32>
    %rsqrt3A = math.rsqrt %add3A_7 : vector<512x1xf32>
    %get3A_8 = arith.constant 0 : index
    %get3A_9 = arith.constant 0 : index
    %get3A_10 = vector.load %arg1[%get3A_8, %get3A_9] : memref<512x128xf32, #tpu.memory_space<vmem>>, vector<512x128xf32>
    %get3A_11 = arith.constant 0 : index
    %get3A_12 = arith.constant 0 : index
    %get3A_13 = vector.load %arg2[%get3A_11, %get3A_12] : memref<512x128xf32, #tpu.memory_space<vmem>>, vector<512x128xf32>
    %add3A_14 = arith.addf %get3A_10, %get3A_13 : vector<512x128xf32>
    %get3A_15 = arith.constant 0 : index
    %get3A_16 = arith.constant 0 : index
    %get3A_17 = vector.load %arg3[%get3A_15, %get3A_16] : memref<512x128xf32, #tpu.memory_space<vmem>>, vector<512x128xf32>
    %add3A_18 = arith.addf %add3A_14, %get3A_17 : vector<512x128xf32>
    %mul3A = vector.broadcast %rsqrt3A : vector<512x1xf32> to vector<512x128xf32>
    %mul3A_19 = arith.mulf %add3A_18, %mul3A : vector<512x128xf32>
    %get3A_20 = arith.constant 0 : index
    %get3A_21 = arith.constant 0 : index
    %get3A_22 = vector.load %arg6[%get3A_20, %get3A_21] : memref<1x128xf32, #tpu.memory_space<vmem>>, vector<1x128xf32>
    %add3A_23 = vector.broadcast %get3A_22 : vector<1x128xf32> to vector<512x128xf32>
    %add3A_24 = arith.addf %mul3A_19, %add3A_23 : vector<512x128xf32>
    %max3A = arith.constant 0.000000e+00 : f32
    %max3A_25 = vector.broadcast %max3A : f32 to vector<512x128xf32>
    %max3A_26 = arith.maximumf %add3A_24, %max3A_25 : vector<512x128xf32>
    %mul3A_27 = arith.constant 512 : i32
    %mul3A_28 = arith.muli %arg0, %mul3A_27 : i32
    %iota3A = tpu.iota {dimensions = array<i32: 0>} : vector<512x1xi32>
    %add3A_29 = vector.broadcast %mul3A_28 : i32 to vector<512x1xi32>
    %add3A_30 = arith.addi %add3A_29, %iota3A : vector<512x1xi32>
    %lt3A = arith.constant 10000 : i32
    %lt3A_31 = vector.broadcast %lt3A : i32 to vector<512x1xi32>
    %lt3A_32 = arith.cmpi slt, %add3A_30, %lt3A_31 : vector<512x1xi32>
    %jit3A = arith.constant 0.000000e+00 : f32
    %broadcast_in_dim3A = vector.shape_cast %lt3A_32 : vector<512x1xi1> to vector<512x1xi1>
    %broadcast_in_dim3A_33 = vector.broadcast %broadcast_in_dim3A : vector<512x1xi1> to vector<512x128xi1>
    %broadcast_in_dim3A_34 = vector.broadcast %jit3A : f32 to vector<512x128xf32>
    %select_n3A = arith.select %broadcast_in_dim3A_33, %max3A_26, %broadcast_in_dim3A_34 : vector<512x128xi1>, vector<512x128xf32>
    %get3A_35 = arith.constant 0 : index
    %get3A_36 = arith.constant 0 : index
    %get3A_37 = vector.load %arg7[%get3A_35, %get3A_36] : memref<128x128xf32, #tpu.memory_space<vmem>>, vector<128x128xf32>
    %dot_general3A = arith.constant dense<0.000000e+00> : vector<512x128xf32>
    %dot_general3A_38 = tpu.matmul %select_n3A, %get3A_37, %dot_general3A {dimension_numbers = #tpu.dot_dimension_numbers<[1], [0], [0], [1], [0, 0, 1, 1], [], []>, transpose_lhs_hint = false} : vector<512x128xf32>, vector<128x128xf32>, vector<512x128xf32> -> vector<512x128xf32>
    %mul3A_39 = vector.broadcast %rsqrt3A : vector<512x1xf32> to vector<512x128xf32>
    %mul3A_40 = arith.mulf %dot_general3A_38, %mul3A_39 : vector<512x128xf32>
    %swap3A = arith.constant 0 : index
    %swap3A_41 = arith.constant 0 : index
    %swap3A_42 = vector.load %arg8[%swap3A, %swap3A_41] : memref<512x128xf32, #tpu.memory_space<vmem>>, vector<512x128xf32>
    tpu.vector_store %arg8[%swap3A, %swap3A_41], %mul3A_40 {strides = array<i32>} : memref<512x128xf32, #tpu.memory_space<vmem>>, vector<512x128xf32>,
    return
  }
  func.func @transform_0(%arg0: i32) -> (i32, i32) {
    %c0_i32 = arith.constant 0 : i32
    %c0_i32_0 = arith.constant 0 : i32
    return %arg0, %c0_i32 : i32, i32
  }
  func.func @transform_1(%arg0: i32) -> (i32, i32) {
    %c0_i32 = arith.constant 0 : i32
    %c0_i32_0 = arith.constant 0 : i32
    return %arg0, %c0_i32 : i32, i32
  }
  func.func @transform_2(%arg0: i32) -> (i32, i32) {
    %c0_i32 = arith.constant 0 : i32
    %c0_i32_0 = arith.constant 0 : i32
    return %arg0, %c0_i32 : i32, i32
  }
  func.func @transform_3(%arg0: i32) -> (i32, i32) {
    %c0_i32 = arith.constant 0 : i32
    %c0_i32_0 = arith.constant 0 : i32
    return %arg0, %c0_i32 : i32, i32
  }
  func.func @transform_4(%arg0: i32) -> (i32, i32) {
    %c0_i32 = arith.constant 0 : i32
    %c0_i32_0 = arith.constant 0 : i32
    return %arg0, %c0_i32 : i32, i32
  }
  func.func @transform_5(%arg0: i32) -> (i32, i32) {
    %c0_i32 = arith.constant 0 : i32
    %c0_i32_0 = arith.constant 0 : i32
    %c0_i32_1 = arith.constant 0 : i32
    return %c0_i32, %c0_i32_0 : i32, i32
  }
  func.func @transform_6(%arg0: i32) -> (i32, i32) {
    %c0_i32 = arith.constant 0 : i32
    %c0_i32_0 = arith.constant 0 : i32
    %c0_i32_1 = arith.constant 0 : i32
    return %c0_i32, %c0_i32_0 : i32, i32
  }
  func.func @transform_7(%arg0: i32) -> (i32, i32) {
    %c0_i32 = arith.constant 0 : i32
    %c0_i32_0 = arith.constant 0 : i32
    return %arg0, %c0_i32 : i32, i32
  }
}

module attributes {stable_mosaic.version = 14 : i64} {
  func.func @_head_body(%arg0: memref<64x128xf32, #tpu.memory_space<vmem>>, %arg1: memref<64x128xf32, #tpu.memory_space<vmem>>, %arg2: memref<128x64xf32, #tpu.memory_space<vmem>>, %arg3: memref<1x64xf32, #tpu.memory_space<vmem>>, %arg4: memref<128x64xf32, #tpu.memory_space<vmem>>, %arg5: memref<1x64xf32, #tpu.memory_space<vmem>>, %arg6: memref<64x64xf32, #tpu.memory_space<vmem>>, %arg7: memref<64x128xf32, #tpu.memory_space<vmem>>, %arg8: memref<1x128xf32, #tpu.memory_space<vmem>>, %arg9: memref<128x128xf32, #tpu.memory_space<vmem>>, %arg10: memref<1x128xf32, #tpu.memory_space<vmem>>, %arg11: memref<128x4992xf32, #tpu.memory_space<vmem>>, %arg12: memref<1x4992xf32, #tpu.memory_space<vmem>>, %arg13: memref<64x64xf32, #tpu.memory_space<vmem>>, %arg14: memref<64x64xf32, #tpu.memory_space<vmem>>, %arg15: memref<64x4992xf32, #tpu.memory_space<vmem>>) attributes {dimension_semantics = [], scalar_prefetch = 0 : i64, scratch_operands = 0 : i64, tpu.core_type = #tpu.core_type<tc>} {
    %get3A = arith.constant 0 : index
    %get3A_0 = arith.constant 0 : index
    %get3A_1 = vector.load %arg0[%get3A, %get3A_0] : memref<64x128xf32, #tpu.memory_space<vmem>>, vector<64x128xf32>
    %get3A_2 = arith.constant 0 : index
    %get3A_3 = arith.constant 0 : index
    %get3A_4 = vector.load %arg1[%get3A_2, %get3A_3] : memref<64x128xf32, #tpu.memory_space<vmem>>, vector<64x128xf32>
    %max3A = arith.constant 1.000000e+00 : f32
    %max3A_5 = vector.broadcast %max3A : f32 to vector<64x128xf32>
    %max3A_6 = arith.maximumf %get3A_4, %max3A_5 : vector<64x128xf32>
    %div3A = arith.divf %get3A_1, %max3A_6 : vector<64x128xf32>
    %get3A_7 = arith.constant 0 : index
    %get3A_8 = arith.constant 0 : index
    %get3A_9 = vector.load %arg2[%get3A_7, %get3A_8] : memref<128x64xf32, #tpu.memory_space<vmem>>, vector<128x64xf32>
    %dot_general3A = arith.constant dense<0.000000e+00> : vector<64x64xf32>
    %dot_general3A_10 = tpu.matmul %div3A, %get3A_9, %dot_general3A {dimension_numbers = #tpu.dot_dimension_numbers<[1], [0], [0], [1], [0, 0, 1, 1], [], []>, transpose_lhs_hint = false} : vector<64x128xf32>, vector<128x64xf32>, vector<64x64xf32> -> vector<64x64xf32>
    %get3A_11 = arith.constant 0 : index
    %get3A_12 = arith.constant 0 : index
    %get3A_13 = vector.load %arg3[%get3A_11, %get3A_12] : memref<1x64xf32, #tpu.memory_space<vmem>>, vector<1x64xf32>
    %add3A = vector.broadcast %get3A_13 : vector<1x64xf32> to vector<64x64xf32>
    %add3A_14 = arith.addf %dot_general3A_10, %add3A : vector<64x64xf32>
    %get3A_15 = arith.constant 0 : index
    %get3A_16 = arith.constant 0 : index
    %get3A_17 = vector.load %arg4[%get3A_15, %get3A_16] : memref<128x64xf32, #tpu.memory_space<vmem>>, vector<128x64xf32>
    %dot_general3A_18 = arith.constant dense<0.000000e+00> : vector<64x64xf32>
    %dot_general3A_19 = tpu.matmul %div3A, %get3A_17, %dot_general3A_18 {dimension_numbers = #tpu.dot_dimension_numbers<[1], [0], [0], [1], [0, 0, 1, 1], [], []>, transpose_lhs_hint = false} : vector<64x128xf32>, vector<128x64xf32>, vector<64x64xf32> -> vector<64x64xf32>
    %get3A_20 = arith.constant 0 : index
    %get3A_21 = arith.constant 0 : index
    %get3A_22 = vector.load %arg5[%get3A_20, %get3A_21] : memref<1x64xf32, #tpu.memory_space<vmem>>, vector<1x64xf32>
    %add3A_23 = vector.broadcast %get3A_22 : vector<1x64xf32> to vector<64x64xf32>
    %add3A_24 = arith.addf %dot_general3A_19, %add3A_23 : vector<64x64xf32>
    %swap3A = arith.constant 0 : index
    %swap3A_25 = arith.constant 0 : index
    %swap3A_26 = vector.load %arg13[%swap3A, %swap3A_25] : memref<64x64xf32, #tpu.memory_space<vmem>>, vector<64x64xf32>
    tpu.vector_store %arg13[%swap3A, %swap3A_25], %add3A_14 {strides = array<i32>} : memref<64x64xf32, #tpu.memory_space<vmem>>, vector<64x64xf32>,
    %swap3A_27 = arith.constant 0 : index
    %swap3A_28 = arith.constant 0 : index
    %swap3A_29 = vector.load %arg14[%swap3A_27, %swap3A_28] : memref<64x64xf32, #tpu.memory_space<vmem>>, vector<64x64xf32>
    tpu.vector_store %arg14[%swap3A_27, %swap3A_28], %add3A_24 {strides = array<i32>} : memref<64x64xf32, #tpu.memory_space<vmem>>, vector<64x64xf32>,
    %get3A_30 = arith.constant 0 : index
    %get3A_31 = arith.constant 0 : index
    %get3A_32 = vector.load %arg6[%get3A_30, %get3A_31] : memref<64x64xf32, #tpu.memory_space<vmem>>, vector<64x64xf32>
    %mul3A = arith.constant 5.000000e-01 : f32
    %mul3A_33 = vector.broadcast %mul3A : f32 to vector<64x64xf32>
    %mul3A_34 = arith.mulf %mul3A_33, %add3A_24 : vector<64x64xf32>
    %exp3A = math.exp %mul3A_34 : vector<64x64xf32>
    %mul3A_35 = arith.mulf %get3A_32, %exp3A : vector<64x64xf32>
    %add3A_36 = arith.addf %add3A_14, %mul3A_35 : vector<64x64xf32>
    %get3A_37 = arith.constant 0 : index
    %get3A_38 = arith.constant 0 : index
    %get3A_39 = vector.load %arg7[%get3A_37, %get3A_38] : memref<64x128xf32, #tpu.memory_space<vmem>>, vector<64x128xf32>
    %dot_general3A_40 = arith.constant dense<0.000000e+00> : vector<64x128xf32>
    %dot_general3A_41 = tpu.matmul %add3A_36, %get3A_39, %dot_general3A_40 {dimension_numbers = #tpu.dot_dimension_numbers<[1], [0], [0], [1], [0, 0, 1, 1], [], []>, transpose_lhs_hint = false} : vector<64x64xf32>, vector<64x128xf32>, vector<64x128xf32> -> vector<64x128xf32>
    %get3A_42 = arith.constant 0 : index
    %get3A_43 = arith.constant 0 : index
    %get3A_44 = vector.load %arg8[%get3A_42, %get3A_43] : memref<1x128xf32, #tpu.memory_space<vmem>>, vector<1x128xf32>
    %add3A_45 = vector.broadcast %get3A_44 : vector<1x128xf32> to vector<64x128xf32>
    %add3A_46 = arith.addf %dot_general3A_41, %add3A_45 : vector<64x128xf32>
    %max3A_47 = arith.constant 0.000000e+00 : f32
    %max3A_48 = vector.broadcast %max3A_47 : f32 to vector<64x128xf32>
    %max3A_49 = arith.maximumf %add3A_46, %max3A_48 : vector<64x128xf32>
    %get3A_50 = arith.constant 0 : index
    %get3A_51 = arith.constant 0 : index
    %get3A_52 = vector.load %arg9[%get3A_50, %get3A_51] : memref<128x128xf32, #tpu.memory_space<vmem>>, vector<128x128xf32>
    %dot_general3A_53 = arith.constant dense<0.000000e+00> : vector<64x128xf32>
    %dot_general3A_54 = tpu.matmul %max3A_49, %get3A_52, %dot_general3A_53 {dimension_numbers = #tpu.dot_dimension_numbers<[1], [0], [0], [1], [0, 0, 1, 1], [], []>, transpose_lhs_hint = false} : vector<64x128xf32>, vector<128x128xf32>, vector<64x128xf32> -> vector<64x128xf32>
    %get3A_55 = arith.constant 0 : index
    %get3A_56 = arith.constant 0 : index
    %get3A_57 = vector.load %arg10[%get3A_55, %get3A_56] : memref<1x128xf32, #tpu.memory_space<vmem>>, vector<1x128xf32>
    %add3A_58 = vector.broadcast %get3A_57 : vector<1x128xf32> to vector<64x128xf32>
    %add3A_59 = arith.addf %dot_general3A_54, %add3A_58 : vector<64x128xf32>
    %max3A_60 = arith.constant 0.000000e+00 : f32
    %max3A_61 = vector.broadcast %max3A_60 : f32 to vector<64x128xf32>
    %max3A_62 = arith.maximumf %add3A_59, %max3A_61 : vector<64x128xf32>
    %get3A_63 = arith.constant 0 : index
    %get3A_64 = arith.constant 0 : index
    %get3A_65 = vector.load %arg11[%get3A_63, %get3A_64] : memref<128x4992xf32, #tpu.memory_space<vmem>>, vector<128x4992xf32>
    %dot_general3A_66 = arith.constant dense<0.000000e+00> : vector<64x4992xf32>
    %dot_general3A_67 = tpu.matmul %max3A_62, %get3A_65, %dot_general3A_66 {dimension_numbers = #tpu.dot_dimension_numbers<[1], [0], [0], [1], [0, 0, 1, 1], [], []>, transpose_lhs_hint = false} : vector<64x128xf32>, vector<128x4992xf32>, vector<64x4992xf32> -> vector<64x4992xf32>
    %get3A_68 = arith.constant 0 : index
    %get3A_69 = arith.constant 0 : index
    %get3A_70 = vector.load %arg12[%get3A_68, %get3A_69] : memref<1x4992xf32, #tpu.memory_space<vmem>>, vector<1x4992xf32>
    %add3A_71 = vector.broadcast %get3A_70 : vector<1x4992xf32> to vector<64x4992xf32>
    %add3A_72 = arith.addf %dot_general3A_67, %add3A_71 : vector<64x4992xf32>
    %logistic3A = arith.negf %add3A_72 : vector<64x4992xf32>
    %logistic3A_73 = math.exp %logistic3A : vector<64x4992xf32>
    %logistic3A_74 = arith.constant 1.000000e+00 : f32
    %logistic3A_75 = vector.broadcast %logistic3A_74 : f32 to vector<64x4992xf32>
    %logistic3A_76 = arith.addf %logistic3A_75, %logistic3A_73 : vector<64x4992xf32>
    %logistic3A_77 = arith.divf %logistic3A_75, %logistic3A_76 : vector<64x4992xf32>
    %swap3A_78 = arith.constant 0 : index
    %swap3A_79 = arith.constant 0 : index
    %swap3A_80 = vector.load %arg15[%swap3A_78, %swap3A_79] : memref<64x4992xf32, #tpu.memory_space<vmem>>, vector<64x4992xf32>
    tpu.vector_store %arg15[%swap3A_78, %swap3A_79], %logistic3A_77 {strides = array<i32>} : memref<64x4992xf32, #tpu.memory_space<vmem>>, vector<64x4992xf32>,
    return
  }
}

module attributes {stable_mosaic.version = 14 : i64} {
  func.func @_pool_body(%arg0: i32, %arg1: memref<512x128xf32, #tpu.memory_space<vmem>>, %arg2: memref<512x128xf32, #tpu.memory_space<vmem>>, %arg3: memref<512x128xf32, #tpu.memory_space<vmem>>, %arg4: memref<512x1xf32, #tpu.memory_space<vmem>>, %arg5: memref<512x1xf32, #tpu.memory_space<vmem>>, %arg6: memref<1x128xf32, #tpu.memory_space<vmem>>, %arg7: memref<512x1xi32, #tpu.memory_space<vmem>>, %arg8: memref<64x128xf32, #tpu.memory_space<vmem>>, %arg9: memref<64x128xf32, #tpu.memory_space<vmem>>) attributes {dimension_semantics = [#tpu.dimension_semantics<arbitrary>], iteration_bounds = array<i64: 20>, scalar_prefetch = 0 : i64, scratch_operands = 0 : i64, tpu.core_type = #tpu.core_type<tc>, window_params = [{transform_indices = @transform_0, window_bounds = array<i64: 512, 128>}, {transform_indices = @transform_1, window_bounds = array<i64: 512, 128>}, {transform_indices = @transform_2, window_bounds = array<i64: 512, 128>}, {transform_indices = @transform_3, window_bounds = array<i64: 512, 1>}, {transform_indices = @transform_4, window_bounds = array<i64: 512, 1>}, {pipeline_mode = #tpu.pipeline_mode<synchronous>, transform_indices = @transform_5, window_bounds = array<i64: 1, 128>}, {transform_indices = @transform_6, window_bounds = array<i64: 512, 1>}, {pipeline_mode = #tpu.pipeline_mode<synchronous>, transform_indices = @transform_7, window_bounds = array<i64: 64, 128>}, {pipeline_mode = #tpu.pipeline_mode<synchronous>, transform_indices = @transform_8, window_bounds = array<i64: 64, 128>}]} {
    %get3A = arith.constant 0 : index
    %get3A_0 = arith.constant 0 : index
    %get3A_1 = vector.load %arg4[%get3A, %get3A_0] : memref<512x1xf32, #tpu.memory_space<vmem>>, vector<512x1xf32>
    %get3A_2 = arith.constant 0 : index
    %get3A_3 = arith.constant 0 : index
    %get3A_4 = vector.load %arg5[%get3A_2, %get3A_3] : memref<512x1xf32, #tpu.memory_space<vmem>>, vector<512x1xf32>
    %add3A = arith.addf %get3A_1, %get3A_4 : vector<512x1xf32>
    %add3A_5 = arith.constant 1.000000e+00 : f32
    %add3A_6 = vector.broadcast %add3A_5 : f32 to vector<512x1xf32>
    %add3A_7 = arith.addf %add3A, %add3A_6 : vector<512x1xf32>
    %rsqrt3A = math.rsqrt %add3A_7 : vector<512x1xf32>
    %get3A_8 = arith.constant 0 : index
    %get3A_9 = arith.constant 0 : index
    %get3A_10 = vector.load %arg1[%get3A_8, %get3A_9] : memref<512x128xf32, #tpu.memory_space<vmem>>, vector<512x128xf32>
    %get3A_11 = arith.constant 0 : index
    %get3A_12 = arith.constant 0 : index
    %get3A_13 = vector.load %arg2[%get3A_11, %get3A_12] : memref<512x128xf32, #tpu.memory_space<vmem>>, vector<512x128xf32>
    %add3A_14 = arith.addf %get3A_10, %get3A_13 : vector<512x128xf32>
    %get3A_15 = arith.constant 0 : index
    %get3A_16 = arith.constant 0 : index
    %get3A_17 = vector.load %arg3[%get3A_15, %get3A_16] : memref<512x128xf32, #tpu.memory_space<vmem>>, vector<512x128xf32>
    %add3A_18 = arith.addf %add3A_14, %get3A_17 : vector<512x128xf32>
    %mul3A = vector.broadcast %rsqrt3A : vector<512x1xf32> to vector<512x128xf32>
    %mul3A_19 = arith.mulf %add3A_18, %mul3A : vector<512x128xf32>
    %get3A_20 = arith.constant 0 : index
    %get3A_21 = arith.constant 0 : index
    %get3A_22 = vector.load %arg6[%get3A_20, %get3A_21] : memref<1x128xf32, #tpu.memory_space<vmem>>, vector<1x128xf32>
    %add3A_23 = vector.broadcast %get3A_22 : vector<1x128xf32> to vector<512x128xf32>
    %add3A_24 = arith.addf %mul3A_19, %add3A_23 : vector<512x128xf32>
    %max3A = arith.constant 0.000000e+00 : f32
    %max3A_25 = vector.broadcast %max3A : f32 to vector<512x128xf32>
    %max3A_26 = arith.maximumf %add3A_24, %max3A_25 : vector<512x128xf32>
    %get3A_27 = arith.constant 0 : index
    %get3A_28 = arith.constant 0 : index
    %get3A_29 = vector.load %arg7[%get3A_27, %get3A_28] : memref<512x1xi32, #tpu.memory_space<vmem>>, vector<512x1xi32>
    %iota3A = tpu.iota {dimensions = array<i32: 1>} : vector<512x64xi32>
    %eq3A = vector.broadcast %get3A_29 : vector<512x1xi32> to vector<512x64xi32>
    %eq3A_30 = arith.cmpi eq, %eq3A, %iota3A : vector<512x64xi32>
    %convert_element_type3A = arith.extui %eq3A_30 : vector<512x64xi1> to vector<512x64xi32>
    %convert_element_type3A_31 = arith.sitofp %convert_element_type3A : vector<512x64xi32> to vector<512x64xf32>
    %dot_general3A = arith.constant dense<0.000000e+00> : vector<64x128xf32>
    %dot_general3A_32 = tpu.matmul %convert_element_type3A_31, %max3A_26, %dot_general3A {dimension_numbers = #tpu.dot_dimension_numbers<[0], [0], [1], [1], [0, 1, 1, 1], [], []>, transpose_lhs_hint = false} : vector<512x64xf32>, vector<512x128xf32>, vector<64x128xf32> -> vector<64x128xf32>
    %broadcast_in_dim3A = arith.constant 1.000000e+00 : f32
    %broadcast_in_dim3A_33 = vector.broadcast %broadcast_in_dim3A : f32 to vector<512x128xf32>
    %dot_general3A_34 = arith.constant dense<0.000000e+00> : vector<64x128xf32>
    %dot_general3A_35 = tpu.matmul %convert_element_type3A_31, %broadcast_in_dim3A_33, %dot_general3A_34 {dimension_numbers = #tpu.dot_dimension_numbers<[0], [0], [1], [1], [0, 1, 1, 1], [], []>, transpose_lhs_hint = false} : vector<512x64xf32>, vector<512x128xf32>, vector<64x128xf32> -> vector<64x128xf32>
    %eq3A_36 = arith.constant 0 : i32
    %eq3A_37 = arith.cmpi eq, %arg0, %eq3A_36 : i32
    %convert_element_type3A_38 = arith.extui %eq3A_37 : i1 to i32
    %cond3A = arith.constant 0 : i32
    %cond3A_39 = arith.cmpi ne, %convert_element_type3A_38, %cond3A : i32
    scf.if %cond3A_39 {
      %broadcast_in_dim3A_53 = arith.constant 0.000000e+00 : f32
      %broadcast_in_dim3A_54 = vector.broadcast %broadcast_in_dim3A_53 : f32 to vector<64x128xf32>
      %swap3A_55 = arith.constant 0 : index
      %swap3A_56 = arith.constant 0 : index
      %swap3A_57 = vector.load %arg8[%swap3A_55, %swap3A_56] : memref<64x128xf32, #tpu.memory_space<vmem>>, vector<64x128xf32>
      tpu.vector_store %arg8[%swap3A_55, %swap3A_56], %broadcast_in_dim3A_54 {strides = array<i32>} : memref<64x128xf32, #tpu.memory_space<vmem>>, vector<64x128xf32>,
      %broadcast_in_dim3A_58 = arith.constant 0.000000e+00 : f32
      %broadcast_in_dim3A_59 = vector.broadcast %broadcast_in_dim3A_58 : f32 to vector<64x128xf32>
      %swap3A_60 = arith.constant 0 : index
      %swap3A_61 = arith.constant 0 : index
      %swap3A_62 = vector.load %arg9[%swap3A_60, %swap3A_61] : memref<64x128xf32, #tpu.memory_space<vmem>>, vector<64x128xf32>
      tpu.vector_store %arg9[%swap3A_60, %swap3A_61], %broadcast_in_dim3A_59 {strides = array<i32>} : memref<64x128xf32, #tpu.memory_space<vmem>>, vector<64x128xf32>,
    } else {
    }
    %get3A_40 = arith.constant 0 : index
    %get3A_41 = arith.constant 0 : index
    %get3A_42 = vector.load %arg8[%get3A_40, %get3A_41] : memref<64x128xf32, #tpu.memory_space<vmem>>, vector<64x128xf32>
    %add3A_43 = arith.addf %get3A_42, %dot_general3A_32 : vector<64x128xf32>
    %swap3A = arith.constant 0 : index
    %swap3A_44 = arith.constant 0 : index
    %swap3A_45 = vector.load %arg8[%swap3A, %swap3A_44] : memref<64x128xf32, #tpu.memory_space<vmem>>, vector<64x128xf32>
    tpu.vector_store %arg8[%swap3A, %swap3A_44], %add3A_43 {strides = array<i32>} : memref<64x128xf32, #tpu.memory_space<vmem>>, vector<64x128xf32>,
    %get3A_46 = arith.constant 0 : index
    %get3A_47 = arith.constant 0 : index
    %get3A_48 = vector.load %arg9[%get3A_46, %get3A_47] : memref<64x128xf32, #tpu.memory_space<vmem>>, vector<64x128xf32>
    %add3A_49 = arith.addf %get3A_48, %dot_general3A_35 : vector<64x128xf32>
    %swap3A_50 = arith.constant 0 : index
    %swap3A_51 = arith.constant 0 : index
    %swap3A_52 = vector.load %arg9[%swap3A_50, %swap3A_51] : memref<64x128xf32, #tpu.memory_space<vmem>>, vector<64x128xf32>
    tpu.vector_store %arg9[%swap3A_50, %swap3A_51], %add3A_49 {strides = array<i32>} : memref<64x128xf32, #tpu.memory_space<vmem>>, vector<64x128xf32>,
    return
  }
  func.func @transform_0(%arg0: i32) -> (i32, i32) {
    %c0_i32 = arith.constant 0 : i32
    %c0_i32_0 = arith.constant 0 : i32
    return %arg0, %c0_i32 : i32, i32
  }
  func.func @transform_1(%arg0: i32) -> (i32, i32) {
    %c0_i32 = arith.constant 0 : i32
    %c0_i32_0 = arith.constant 0 : i32
    return %arg0, %c0_i32 : i32, i32
  }
  func.func @transform_2(%arg0: i32) -> (i32, i32) {
    %c0_i32 = arith.constant 0 : i32
    %c0_i32_0 = arith.constant 0 : i32
    return %arg0, %c0_i32 : i32, i32
  }
  func.func @transform_3(%arg0: i32) -> (i32, i32) {
    %c0_i32 = arith.constant 0 : i32
    %c0_i32_0 = arith.constant 0 : i32
    return %arg0, %c0_i32 : i32, i32
  }
  func.func @transform_4(%arg0: i32) -> (i32, i32) {
    %c0_i32 = arith.constant 0 : i32
    %c0_i32_0 = arith.constant 0 : i32
    return %arg0, %c0_i32 : i32, i32
  }
  func.func @transform_5(%arg0: i32) -> (i32, i32) {
    %c0_i32 = arith.constant 0 : i32
    %c0_i32_0 = arith.constant 0 : i32
    %c0_i32_1 = arith.constant 0 : i32
    return %c0_i32, %c0_i32_0 : i32, i32
  }
  func.func @transform_6(%arg0: i32) -> (i32, i32) {
    %c0_i32 = arith.constant 0 : i32
    %c0_i32_0 = arith.constant 0 : i32
    return %arg0, %c0_i32 : i32, i32
  }
  func.func @transform_7(%arg0: i32) -> (i32, i32) {
    %c0_i32 = arith.constant 0 : i32
    %c0_i32_0 = arith.constant 0 : i32
    %c0_i32_1 = arith.constant 0 : i32
    return %c0_i32, %c0_i32_0 : i32, i32
  }
  func.func @transform_8(%arg0: i32) -> (i32, i32) {
    %c0_i32 = arith.constant 0 : i32
    %c0_i32_0 = arith.constant 0 : i32
    %c0_i32_1 = arith.constant 0 : i32
    return %c0_i32, %c0_i32_0 : i32, i32
  }
}

</mosaic_0001>

<sc_bundles>
// kernel: kernel.10.cloned.1.call-start
scs
__scs_entry_jumppad:
0x0: {  	(pc) =	sbr.rel $0x88, $3  }
0x1: {  	(tag) =	ssettag $0x0;
	lr =	simm.s32 $0x1  }
0x2: {  	[smem:$0x3F90] =	sst lr;
	_ =	strace $0xD0000000  }
0x3: {  	_ = 	snop  }
0x4: {  	_ = 	snop  }
0x5: {  	_ = 	snop  }
0x6: {  	_ = 	snop  }
0x7: {  	_ = 	snop  }
__scs_overlays_trampoline_lowered:
0x8: {  	[smem:$0x3F9F] =	sst s0  }
0x9: {  	[smem:$0x3FA0] =	sst s1  }
0xa: {  	[smem:$0x3FA1] =	sst s2  }
0xb: {  	[smem:$0x3FA2] =	sst s3  }
0xc: {  	[smem:$0x3FA3] =	sst s4  }
0xd: {  	[smem:$0x3FA4] =	sst s5  }
0xe: {  	[smem:$0x3FA5] =	sst s6  }
0xf: {  	[smem:$0x3FA6] =	sst s7  }
0x10: {  	[smem:$0x3FA7] =	sst s8  }
0x11: {  	[smem:$0x3FA8] =	sst s9;
	s0 =	simm.s32 @!p0 $0x0  }
0x12: {  	s1 =	sld [smem:$0x3F8E];
	s0 =	simm.s32 @p0 $0x1  }
0x13: {  	[smem:$0x3FA9] =	sst s0;
	s0 =	simm.s32 @!p1 $0x0  }
0x14: {  	s2 =	sld [smem:$0x3F8D];
	s0 =	simm.s32 @p1 $0x1  }
0x15: {  	[smem:$0x3FAA] =	sst s0;
	s0 =	simm.s32 @!p2 $0x0  }
0x16: {  	s3 =	sld [smem:$0x3FDB];
	s0 =	simm.s32 @p2 $0x1  }
0x17: {  	s4 =	simm.s32 $0x1BF5;
	[smem:$0x3FAC] =	sst s0  }
0x18: {  	s0 =	sld [smem:$0x3F8F];
	_ =	swait.ge [sflag:s4], $0x0  }
0x19: {  	s7 =	sld [smem:$0x3F90]  }
0x1a: {  	s8 =	sadd.s32 $0xFFFFE003, lr  }
0x1b: {  	s9 =	sadd.s32 $0xFFFFFEF7, lr;
	s5 =	simm.s32 $0xFFFFFFFF;
	p2 =	slt.u32 s8, $0xFFFFF086  }
0x1c: {  	p1 =	slt.u32 s9, $0xF7A;
	s5 =	simm.s32 @!p2 $0x0  }
0x1d: {  	s5 =	simm.s32 @p1 $0x1;
	p0 =	seq.s32 s7, s2  }
0x1e: {  	s7 =	smul.u32 @!p0 $0xF7A, s2;
	p2 =	seq.s32 @!p0 s5, $0x0  }
0x1f: {  	s9 =	smul.u32 $0xF7A, s1;
	s8 =	simm.s32 @!p0 $0x1BF5;
	p2 =	por !p2, p0  }
0x20: {  	[sflag:s8] =	ssyncset.s32 @!p0 $0xFFFFF086;
	s6 =	sadd.s32 @!p0 s3, s7;
	s7 =	simm.s32 @!p0 $0x108  }
0x21: {  	s3 =	sadd.s32 s3, s9;
	s6 =	sadd.s32 @!p0 $0x88, s6;
	s7 =	simm.s32 @p2 $0x1082  }
0x22: {  	[simem:s7], [sflag:s8] =	dma.local @!p0 [hbm:s6], $0xF7A  }
0x23: {  	s9 =	sor.u32 $0xD0000000, s2;
	s6 =	simm.s32 $0x108;
	_ =	swait.ge @!p0 [sflag:s8], $0x0  }
0x24: {  	s3 =	sadd.s32 $0x88, s3;
	s6 =	simm.s32 @!p1 $0x1082;
	[sflag:s4] =	ssyncset.s32 $0xFFFFF086  }
0x25: {  	[simem:s6], [sflag:s4] =	dma.local [hbm:s3], $0xF7A  }
0x26: {  	[smem:$0x3F90] =	sst s1;
	(tag) =	ssettag s2;
	_ =	strace s9  }
0x27: {  	s1 =	sld [smem:$0x3FA0]  }
0x28: {  	s2 =	sld [smem:$0x3FA1]  }
0x29: {  	s4 =	sld [smem:$0x3FA3]  }
0x2a: {  	p0 =	seq.s32 s5, $0x0;
	s5 =	sld [smem:$0x3FA4]  }
0x2b: {  	s6 =	sld [smem:$0x3FA5]  }
0x2c: {  	s7 =	sld [smem:$0x3FA6]  }
0x2d: {  	s3 =	simm.s32 $0x108;
	s8 =	sld [smem:$0x3FA7]  }
0x2e: {  	s3 =	simm.s32 @!p0 $0x1082;
	s9 =	sld [smem:$0x3FA8]  }
0x2f: {  	lr =	sadd.s32 s0, s3;
	s0 =	sld [smem:$0x3F9F]  }
0x30: {  	s3 =	sld [smem:$0x3FA2]  }
0x31: {  	[smem:$0x3FAB] =	sst s10  }
0x32: {  	s10 =	sld [smem:$0x3FA9];
	_ =	sdelay $0x3  }
0x33: {  	p0 =	seq.s32 s10, $0x1;
	s10 =	sld [smem:$0x3FAB];
	_ =	sdelay $0x3  }
0x34: {  	[smem:$0x3FAB] =	sst s10  }
0x35: {  	s10 =	sld [smem:$0x3FAA];
	_ =	sdelay $0x3  }
0x36: {  	p1 =	seq.s32 s10, $0x1;
	s10 =	sld [smem:$0x3FAB];
	_ =	sdelay $0x3  }
0x37: {  	[smem:$0x3FAB] =	sst s10  }
0x38: {  	s10 =	sld [smem:$0x3FAC]  }
0x39: {  	_ = 	snop;
	(pc) =	sbr.ind lr, $3  }
0x3a: {  	_ = 	snop  }
0x3b: {  	_ = 	snop  }
0x3c: {  	p2 =	seq.s32 s10, $0x1;
	s10 =	sld [smem:$0x3FAB]  }
0x3d: {  	_ =	shalt  }
0x3e: {  	_ =	shalt  }
0x3f: {  	_ =	shalt  }
0x40: {  	_ =	shalt  }
0x41: {  	_ =	shalt  }
0x42: {  	_ =	shalt  }
0x43: {  	_ =	shalt  }
0x44: {  	_ =	shalt  }
0x45: {  	_ =	shalt  }
0x46: {  	_ =	shalt  }
0x47: {  	_ =	shalt  }
0x48: {  	_ =	shalt  }
0x49: {  	_ =	shalt  }
0x4a: {  	_ =	shalt  }
0x4b: {  	_ =	shalt  }
0x4c: {  	_ =	shalt  }
0x4d: {  	_ =	shalt  }
0x4e: {  	_ =	shalt  }
0x4f: {  	_ =	shalt  }
0x50: {  	_ =	shalt  }
0x51: {  	_ =	shalt  }
0x52: {  	_ =	shalt  }
0x53: {  	_ =	shalt  }
0x54: {  	_ =	shalt  }
0x55: {  	_ =	shalt  }
0x56: {  	_ =	shalt  }
0x57: {  	_ =	shalt  }
0x58: {  	_ =	shalt  }
0x59: {  	_ =	shalt  }
0x5a: {  	_ =	shalt  }
0x5b: {  	_ =	shalt  }
0x5c: {  	_ =	shalt  }
0x5d: {  	_ =	shalt  }
0x5e: {  	_ =	shalt  }
0x5f: {  	_ =	shalt  }
0x60: {  	_ =	shalt  }
0x61: {  	_ =	shalt  }
0x62: {  	_ =	shalt  }
0x63: {  	_ =	shalt  }
0x64: {  	_ =	shalt  }
0x65: {  	_ =	shalt  }
0x66: {  	_ =	shalt  }
0x67: {  	_ =	shalt  }
0x68: {  	_ =	shalt  }
0x69: {  	_ =	shalt  }
0x6a: {  	_ =	shalt  }
0x6b: {  	_ =	shalt  }
0x6c: {  	_ =	shalt  }
0x6d: {  	_ =	shalt  }
0x6e: {  	_ =	shalt  }
0x6f: {  	_ =	shalt  }
0x70: {  	_ =	shalt  }
0x71: {  	_ =	shalt  }
0x72: {  	_ =	shalt  }
0x73: {  	_ =	shalt  }
0x74: {  	_ =	shalt  }
0x75: {  	_ =	shalt  }
0x76: {  	_ =	shalt  }
0x77: {  	_ =	shalt  }
0x78: {  	_ =	shalt  }
0x79: {  	_ =	shalt  }
0x7a: {  	_ =	shalt  }
0x7b: {  	_ =	shalt  }
0x7c: {  	_ =	shalt  }
0x7d: {  	_ =	shalt  }
0x7e: {  	_ =	shalt  }
0x7f: {  	_ =	shalt  }
0x80: {  	_ =	shalt  }
0x81: {  	_ =	shalt  }
0x82: {  	_ =	shalt  }
0x83: {  	_ =	shalt  }
0x84: {  	_ =	shalt  }
0x85: {  	_ =	shalt  }
0x86: {  	_ =	shalt  }
0x87: {  	_ =	shalt  }
.Lfunc_end0:
.L_simem_size_0:
called_computation_lowered:
.L_overlay_start_0:
0x88: {  	s2 =	sld [smem:$0x3FD9]  }
0x89: {  	s3 =	sld [smem:$0x3FFE];
	_ =	sdelay $0x1  }
0x8a: {  	s1 =	srdreg.scid  }
0x8b: {  	s0 =	sand.u32 $0x1, s1  }
0x8c: {  	s14 =	sshll.u32 s0, $0xA;
	s2 =	sadd.s32 s3, s2  }
0x8d: {  	s2 =	sadd.s32 s2, s14  }
0x8e: {  	[smem:$0x3FB7] =	sst s2  }
0x8f: {  	_ = 	snop  }
0x90: {  	s2 =	sld [smem:$0x3FD0];
	_ =	sdelay $0x2  }
0x91: {  	s15 =	simm.s32 $0xA;
	s4 =	simm.s32 $0x10  }
0x92: {  	[smem:s4], [sflag:s15] =	dma.local [hbm:s2], $0x1  }
0x93: {  	_ =	swait.eq [sflag:s15], $0x1  }
0x94: {  	[sflag:s15] =	ssyncset.done $0x0  }
0x95: {  	[sflag:s15] =	ssyncadd.s32 $0xFFFFFFFF  }
0x96: {  	s16 =	sld [smem:$0x12];
	(tm) =	ssettm $0x1  }
0x97: {  	s17 =	sld [smem:$0x3FFB];
	_ =	sdelay $0x3  }
0x98: {  	_ =	strace s17  }
0x99: {  	s3 =	sld [smem:$0x3FFC];
	_ =	sdelay $0x3  }
0x9a: {  	_ =	strace s3  }
0x9b: {  	s3 =	sld [smem:$0x3FFD];
	_ =	sdelay $0x3  }
0x9c: {  	_ =	strace s3  }
0x9d: {  	_ =	strace $0x8FFFFFFF  }
0x9e: {  	s18 =	sld [smem:$0x3FDB];
	_ =	sdelay $0x1  }
0x9f: {  	s19 =	simm.s32 $_scs_section_size  }
0xa0: {  	s5 =	simm.s32 $_size__tile_overlayer_lowered;
	s6 =	simm.s32 $_tile_overlayer_lowered  }
0xa1: {  	s22 =	simm.s32 $0x1BFF;
	s21 =	sshll.u32 s6, $0x1;
	s3 =	sadd.s32 s19, s18  }
0xa2: {  	s7 =	simm.s32 $0x0;
	s20 =	sshll.u32 s5, $0x1;
	s5 =	sadd.s32 s21, s3  }
0xa3: {  	[timem:s7], [sflag:s22] =	dma.local [hbm:s5], s20  }
0xa4: {  	_ =	swait.ge [sflag:s22], s20  }
0xa5: {  	s4 =	ssub.s32 $0x0, s20;
	[sflag:s22] =	ssyncset.done $0x0  }
0xa6: {  	[sflag:s22] =	ssyncadd.s32 s4;
	_ =	sdelay $0x1  }
0xa7: {  	s23 =	simm.s32 $0x1B8B  }
0xa8: {  	_ =	swait.ge [sflag:s23], $0x1  }
0xa9: {  	[sflag:s23] =	ssyncset.done $0x0  }
0xaa: {  	s25 =	simm.s32 $0x1B8E;
	s24 =	sld [smem:$0x3FFE];
	[sflag:s23] =	ssyncadd.s32 $0xFFFFFFFF  }
0xab: {  	s26 =	simm.s32 $execute0_lowered;
	[smem:$0x3FD2] =	sst s25  }
0xac: {  	s5 =	sshll.u32 s26, $0x1;
	_ =	strace $0x80000046;
	[dreg:$0x1] =	wrdreg $0xFFFFFFFF  }
0xad: {  	s28 =	simm.s32 $_size_execute0_lowered;
	s3 =	sadd.s32 s3, s5;
	[dreg:$0x0] =	wrdreg $0x0  }
0xae: {  	s5 =	sshll.u32 s28, $0x1;
	[dreg:$0x2] =	wrdreg s3  }
0xaf: {  	[dreg:$0x3] =	wrdreg s5  }
0xb0: {  	[dreg:$0x4] =	wrdreg $0xC0  }
0xb1: {  	_ =	task [dreg:s7], $0x5FFFF  }
0xb2: {  	[dreg:$0x1] =	wrdreg $0xFFFFFFFF  }
0xb3: {  	[dreg:$0x0] =	wrdreg $0x60  }
0xb4: {  	[dreg:$0x2] =	wrdreg s24  }
0xb5: {  	[dreg:$0x3] =	wrdreg s16  }
0xb6: {  	[dreg:$0x4] =	wrdreg $0x50800  }
0xb7: {  	[dreg:$0x5] =	wrdreg $0x9  }
0xb8: {  	_ =	task.clear_ibuf [dreg:s7], $0x6FFFF;
	_ =	strace $0x90000046  }
0xb9: {  	s29 =	simm.s32 $0x9;
	_ =	strace $0x80000048  }
0xba: {  	_ =	swait.ge [sflag:s29], $0x1  }
0xbb: {  	[sflag:s29] =	ssyncadd.s32 $0xFFFFFFFF  }
0xbc: {  	_ =	strace $0x90000048  }
0xbd: {  	_ =	sfence  }
0xbe: {  	s30 =	sld [smem:$0x0];
	_ =	sdelay $0x2  }
0xbf: {  	s31 =	sshll.u32 s1, $0xD;
	s1 =	sshrl.u32 s1, $0x2  }
0xc0: {  	s3 =	sand.u32 $0x4000, s31;
	s1 =	sadd.s32 s1, s30  }
0xc1: {  	s0 =	sor.u32 s3, s0;
	s1 =	sshll.u32 s1, $0x11  }
0xc2: {  	s0 =	sor.u32 s1, s0  }
0xc3: {  	s0 =	sadd.s32 $0x8F2B, s0  }
0xc4: {  	[sflag:s0] =	ssyncadd.remote.s32 $0x1  }
0xc5: {  	_ =	sfence.sel $0xFFFF  }
0xc6: {  	[dreg:$0x0] =	wrdreg $0xFFFFFFFF;
	(pc) =	sbr.abs _section_cstart, $3  }
0xc7: {  	[dreg:$0x1] =	wrdreg $0xFFFFFFFF  }
0xc8: {  	_ =	task.clear_ibuf [dreg:s7], $0x2FFFF;
	_ =	strace $0x9FFFFFFF  }
0xc9: {  	(tm) =	ssettm $0x7FFFFFFF  }
tec
execute0_lowered:
.L_overlay_start_1:
0x0: {  	(tag) =	ssettag $0x1  }
0x1: {  	s5 =	rddreg [dreg:$0x0]  }
0x2: {  	s1 =	rddreg [dreg:$0x1]  }
0x3: {  	s2 =	rddreg [dreg:$0x2]  }
0x4: {  	s3 =	srdreg.scid;
	s13 =	stileid.u32  }
0x5: {  	s0 =	rddreg [dreg:$0x3];
	s11 =	simm.s32 $0x2800;
	s12 =	simm.s32 $0x50  }
0x6: {  	s15 =	simm.s32 $0x0;
	s4 =	sand.u32 $0x1, s3;
	s6 =	sshll.u32 s13, $0x1  }
0x7: {  	s3 =	simm.s32 $0x0;
	s8 =	sshll.u32 s13, $0xA;
	p0 =	sne.s32 s13, $0x0  }
0x8: {  	p1 =	sgt.u32 s13, $0x9;
	s6 =	sor.u32 s4, s6;
	s7 =	smul.u32 $0x2800, s4  }
0x9: {  	[smem:$0x7FF] =	sst s3;
	s9 =	ssub.s32 $0x2, s4;
	s4 =	sadd.s32 $0x10000, s5  }
0xa: {  	s14 =	sadd.s32 s8, s2;
	s13 =	sshll.u32 @!p1 s13, $0x6;
	s6 =	smul.u32 $0x500, s6  }
0xb: {  	_ =	strace $0x80000047;
	s10 =	sshrl.u32 s9, $0x1;
	s13 =	sor.u32 @!p1 $0x1C01, s13  }
0xc: {  	s14 =	sshrl.u32 @!p1 s14, $0x3;
	s7 =	sadd.s32 s7, s8;
	s9 =	ssub.s32 s9, s10  }
0xd: {  	s8 =	simm.s32 $0x1;
	s6 =	sadd.s32 s6, s5;
	s7 =	sshrl.u32 s7, $0x3  }
0xe: {  	s10 =	sshrl.u32 @!p0 s2, $0x3;
	s7 =	sadd.s32 s7, s5;
	s5 =	sadd.s32 $0x6000, s6  }
0xf: {  	v0 =	vimm.f32 $0.0e+00;
	v1 =	vimm.s32 $0x0;
	v2 =	vimm.f32 $1.000000000e+00;
	s6 =	sadd.s32 $0x10600, s7;
	s7 =	smax.u32 s9, $0x1;
	s9 =	simm.s32 $0x5000  }
.LBB2_1:
0x10: {  	[tilespmem:s3], [sflag:$0x1] =	stream.linear.gather [hbm4b:s5+s3], $0x2800, $0x38;
	[tilespmem:$0x5300] =	vst v63  }
0x11: {  	_ =	swait.ge [sflag:s8], $0x2800  }
0x12: {  	[sflag:s8] =	ssyncset.done $0x0  }
0x13: {  	[sflag:s8] =	ssyncadd.s32 $0xFFFFD800  }
0x14: {  	[tilespmem:s9], [sflag:$0x1] =	stream.linear.gather [hbm4b:s1+s3], $0x80, $0x38;
	[tilespmem:$0x5300] =	vst v63  }
0x15: {  	_ =	swait.ge [sflag:s8], $0x80  }
0x16: {  	[sflag:s8] =	ssyncset.done $0x0  }
0x17: {  	s16 =	simm.s32 @!p0 $0x1C01;
	[sflag:s8] =	ssyncadd.s32 $0xFFFFFF80  }
0x18: {  	[spmem:s10], [sflag:s16] =	dma.local @!p0 [hbm:s4], $0x500  }
0x19: {  	s16 =	simm.s32 @!p0 $0x1  }
0x1a: {  	_ =	swait.ge @!p0 [sflag:s16], $0x500  }
0x1b: {  	[sflag:s16] =	ssyncset.done @!p0 $0x0  }
0x1c: {  	s17 =	simm.s32 $0x0;
	[sflag:s16] =	ssyncadd.s32 @!p0 $0xFFFFFB00;
	s16 =	simm.s32 $0x0  }
.LBB2_2:
0x1d: {  	p2 =	sne.s32 s17, $0x9FC0  }
.Ltmp0:
0x1e: {  	_ = 	snop;
	(pc) =	sbr.rel @p2 .LBB2_2-.Ltmp0, $4  }
0x1f: {  	s18 =	sand.u32 $0xFE00, s17  }
0x20: {  	s19 =	sand.u32 $0x70, s16;
	s18 =	sshrl.u32 s18, $0x2  }
0x21: {  	s18 =	sor.u32 s19, s18  }
0x22: {  	s16 =	sadd.s32 $0x10, s16;
	s17 =	sadd.s32 $0x40, s17;
	[tilespmem:s18+$0x2800] =	vst v0  }
0x23: {  	s16 =	simm.s32 $0x0  }
0x24: {  	s17 =	sand.u32 $0xFE00, s16  }
0x25: {  	s16 =	sand.u32 $0x70, s16;
	s17 =	sshrl.u32 s17, $0x2  }
0x26: {  	s16 =	sor.u32 s16, s17  }
0x27: {  	v3 =	vld [tilespmem:s16+$0x0];
	_ =	sdelay $0x4  }
0x28: {  	v4 =	vshra.s32 v3, $0x1F  }
0x29: {  	v4 =	vshrl.u32 v4, $0x19  }
0x2a: {  	v4 =	vadd.s32 v4, v3  }
0x2b: {  	v4 =	vshra.s32 v4, $0x7  }
0x2c: {  	v5 =	vshll.u32 v4, $0x7  }
0x2d: {  	vm0 =	vlt.s32 v3, $0x1;
	vm1 =	vne.s32 v3, v5  }
0x2e: {  	vm0 =	vmand vm0, vm1  }
0x2f: {  	v5 =	vsel vm0, $0xFFFFFFFF, v1  }
0x30: {  	v4 =	vadd.s32 v5, v4  }
0x31: {  	v3 =	vand.u32 $0x7F, v3;
	v4 =	vshll.u32 v4, $0x7  }
0x32: {  	v3 =	vor.u32 v3, v4;
	_ =	sdelay $0x1  }
0x33: {  	s31 =	simm.s32 $0x40  }
0x34: {  	s18 =	sand.u32 $0xFE00, s31;
	s17 =	simm.s32 $0x80;
	s16 =	simm.s32 $0x10  }
.LBB2_4:
0x35: {  	p2 =	sne.s32 s17, $0x9FC0;
	s19 =	sand.u32 $0x70, s16;
	s18 =	sshrl.u32 s18, $0x2  }
0x36: {  	s18 =	sor.u32 s19, s18;
	[tilespmem:v3+s11+$0x0] =	vst.idx.add.f32.msk $0xffff, v2  }
0x37: {  	v3 =	vld [tilespmem:s18+$0x0];
	_ =	sdelay $0x4  }
0x38: {  	v4 =	vshra.s32 v3, $0x1F  }
0x39: {  	v4 =	vshrl.u32 v4, $0x19  }
0x3a: {  	v4 =	vadd.s32 v4, v3  }
0x3b: {  	v4 =	vshra.s32 v4, $0x7  }
0x3c: {  	v5 =	vshll.u32 v4, $0x7  }
0x3d: {  	vm0 =	vlt.s32 v3, $0x1;
	vm1 =	vne.s32 v3, v5  }
0x3e: {  	vm0 =	vmand vm0, vm1  }
0x3f: {  	v5 =	vsel vm0, $0xFFFFFFFF, v1  }
0x40: {  	v4 =	vadd.s32 v5, v4  }
.Ltmp1:
0x41: {  	v3 =	vand.u32 $0x7F, v3;
	v4 =	vshll.u32 v4, $0x7;
	(pc) =	sbr.rel @p2 .LBB2_4-.Ltmp1, $2  }
0x42: {  	v3 =	vor.u32 v3, v4;
	_ =	sdelay $0x2  }
0x43: {  	s16 =	sadd.s32 $0x10, s16;
	s18 =	sand.u32 $0xFE00, s17;
	s17 =	sadd.s32 $0x40, s17  }
0x44: {  	_ =	sdelay $0x2  }
0x45: {  	s16 =	sand.u32 $0x70, s16;
	s17 =	sshrl.u32 s18, $0x2  }
0x46: {  	[tilespmem:v3+s11+$0x0] =	vst.idx.add.f32.msk $0xffff, v2;
	s16 =	sor.u32 s16, s17  }
0x47: {  	v3 =	vld [tilespmem:s16+$0x0];
	_ =	sdelay $0x4  }
0x48: {  	v4 =	vshra.s32 v3, $0x1F  }
0x49: {  	v4 =	vshrl.u32 v4, $0x19  }
0x4a: {  	v4 =	vadd.s32 v4, v3  }
0x4b: {  	v4 =	vshra.s32 v4, $0x7  }
0x4c: {  	v5 =	vshll.u32 v4, $0x7  }
0x4d: {  	vm0 =	vlt.s32 v3, $0x1;
	vm1 =	vne.s32 v3, v5  }
0x4e: {  	vm0 =	vmand vm0, vm1  }
0x4f: {  	v63 =	vsel vm0, $0xFFFFFFFF, v1  }
0x50: {  	v4 =	vadd.s32 v63, v4  }
0x51: {  	v3 =	vand.u32 $0x7F, v3;
	v4 =	vshll.u32 v4, $0x7  }
0x52: {  	v3 =	vor.u32 v3, v4;
	_ =	sdelay $0x4  }
0x53: {  	[tilespmem:v3+s11+$0x0] =	vst.idx.add.f32.msk $0xffff, v2  }
0x54: {  	[bflag:$0x0] =	sbarrier.arrive $0xFFFF  }
0x55: {  	[spmem:s2] =	stream.indirect.scatter.add.f32 [tilespmem:s11], [sflag:$0x1], $0x80, s9, s12, $0xb8;
	[tilespmem:$0x5300] =	vst v63  }
0x56: {  	_ =	swait.ge [sflag:s8], $0x2800  }
0x57: {  	s15 =	sadd.s32 $0x1, s15;
	[sflag:s8] =	ssyncset.done $0x0  }
0x58: {  	p2 =	sne.s32 s15, s7;
	[sflag:s8] =	ssyncadd.s32 $0xFFFFD800  }
.Ltmp2:
0x59: {  	s16 =	simm.s32 @!p1 $0x1;
	[bflag:$0x0] =	sbarrier.arrive $0xFFFF;
	(pc) =	sbr.rel @p2 .LBB2_1-.Ltmp2, $4  }
0x5a: {  	[hbm:s6], [sflag:s13] =	dma.local @!p1 [spmem:s14], $0x80  }
0x5b: {  	_ =	swait.ge @!p1 [sflag:s16], $0x80  }
0x5c: {  	[sflag:s16] =	ssyncset.done @!p1 $0x0  }
0x5d: {  	[sflag:s16] =	ssyncadd.s32 @!p1 $0xFFFFFF80  }
0x5e: {  	_ =	sfence.sel $0x180000  }
0x5f: {  	[bflag:$0x0] =	sbarrier.arrive $0xFFFF  }
0x60: {  	_ =	strace $0x90000047  }
0x61: {  	s0 =	sadd.s32 @!p0 $0x100000, s0;
	[bflag:$0x2] =	sbarrier.arrive $0xFFFF  }
0x62: {  	[sflag:s0] =	ssyncadd.tile.s32 @!p0 $0x1;
	_ =	shalt  }
.Lfunc_end2:
_tile_overlayer_lowered:
.L_overlay_start_2:
0x63: {  	(tag) =	ssettag $0x2  }
0x64: {  	s0 =	rddreg [dreg:$0x0];
	s2 =	stileid.u32  }
0x65: {  	s1 =	rddreg [dreg:$0x1];
	p0 =	sne.s32 s2, $0x0  }
0x66: {  	s3 =	rddreg [dreg:$0x2];
	[bflag:$0x3] =	sbarrier.arrive $0xFFFF;
	s2 =	simm.s32 @!p0 $0x1C01  }
0x67: {  	[timem:s3], [sflag:s2] =	dma.local @!p0 [hbm:s0], s1  }
0x68: {  	s0 =	simm.s32 @!p0 $0x1  }
0x69: {  	_ =	swait.ge @!p0 [sflag:s0], s1  }
0x6a: {  	s1 =	ssub.s32 @!p0 $0x0, s1;
	[sflag:s0] =	ssyncset.done @!p0 $0x0  }
0x6b: {  	[sflag:s0] =	ssyncadd.s32 @!p0 s1  }
0x6c: {  	[bflag:$0x3] =	sbarrier.arrive $0xFFFF  }
0x6d: {  	_ =	shalt  }

// kernel: kernel.13.cloned.1.call-start
scs
__scs_entry_jumppad:
0x0: {  	(pc) =	sbr.rel $0x88, $3  }
0x1: {  	(tag) =	ssettag $0x0;
	lr =	simm.s32 $0x1  }
0x2: {  	[smem:$0x3F90] =	sst lr;
	_ =	strace $0xD0000000  }
0x3: {  	_ = 	snop  }
0x4: {  	_ = 	snop  }
0x5: {  	_ = 	snop  }
0x6: {  	_ = 	snop  }
0x7: {  	_ = 	snop  }
__scs_overlays_trampoline_lowered:
0x8: {  	[smem:$0x3F9F] =	sst s0  }
0x9: {  	[smem:$0x3FA0] =	sst s1  }
0xa: {  	[smem:$0x3FA1] =	sst s2  }
0xb: {  	[smem:$0x3FA2] =	sst s3  }
0xc: {  	[smem:$0x3FA3] =	sst s4  }
0xd: {  	[smem:$0x3FA4] =	sst s5  }
0xe: {  	[smem:$0x3FA5] =	sst s6  }
0xf: {  	[smem:$0x3FA6] =	sst s7  }
0x10: {  	[smem:$0x3FA7] =	sst s8  }
0x11: {  	[smem:$0x3FA8] =	sst s9;
	s0 =	simm.s32 @!p0 $0x0  }
0x12: {  	s1 =	sld [smem:$0x3F8E];
	s0 =	simm.s32 @p0 $0x1  }
0x13: {  	[smem:$0x3FA9] =	sst s0;
	s0 =	simm.s32 @!p1 $0x0  }
0x14: {  	s2 =	sld [smem:$0x3F8D];
	s0 =	simm.s32 @p1 $0x1  }
0x15: {  	[smem:$0x3FAA] =	sst s0;
	s0 =	simm.s32 @!p2 $0x0  }
0x16: {  	s3 =	sld [smem:$0x3FDB];
	s0 =	simm.s32 @p2 $0x1  }
0x17: {  	s4 =	simm.s32 $0x1BF5;
	[smem:$0x3FAC] =	sst s0  }
0x18: {  	s0 =	sld [smem:$0x3F8F];
	_ =	swait.ge [sflag:s4], $0x0  }
0x19: {  	s7 =	sld [smem:$0x3F90]  }
0x1a: {  	s8 =	sadd.s32 $0xFFFFE003, lr  }
0x1b: {  	s9 =	sadd.s32 $0xFFFFFEF7, lr;
	s5 =	simm.s32 $0xFFFFFFFF;
	p2 =	slt.u32 s8, $0xFFFFF086  }
0x1c: {  	p1 =	slt.u32 s9, $0xF7A;
	s5 =	simm.s32 @!p2 $0x0  }
0x1d: {  	s5 =	simm.s32 @p1 $0x1;
	p0 =	seq.s32 s7, s2  }
0x1e: {  	s7 =	smul.u32 @!p0 $0xF7A, s2;
	p2 =	seq.s32 @!p0 s5, $0x0  }
0x1f: {  	s9 =	smul.u32 $0xF7A, s1;
	s8 =	simm.s32 @!p0 $0x1BF5;
	p2 =	por !p2, p0  }
0x20: {  	[sflag:s8] =	ssyncset.s32 @!p0 $0xFFFFF086;
	s6 =	sadd.s32 @!p0 s3, s7;
	s7 =	simm.s32 @!p0 $0x108  }
0x21: {  	s3 =	sadd.s32 s3, s9;
	s6 =	sadd.s32 @!p0 $0x88, s6;
	s7 =	simm.s32 @p2 $0x1082  }
0x22: {  	[simem:s7], [sflag:s8] =	dma.local @!p0 [hbm:s6], $0xF7A  }
0x23: {  	s9 =	sor.u32 $0xD0000000, s2;
	s6 =	simm.s32 $0x108;
	_ =	swait.ge @!p0 [sflag:s8], $0x0  }
0x24: {  	s3 =	sadd.s32 $0x88, s3;
	s6 =	simm.s32 @!p1 $0x1082;
	[sflag:s4] =	ssyncset.s32 $0xFFFFF086  }
0x25: {  	[simem:s6], [sflag:s4] =	dma.local [hbm:s3], $0xF7A  }
0x26: {  	[smem:$0x3F90] =	sst s1;
	(tag) =	ssettag s2;
	_ =	strace s9  }
0x27: {  	s1 =	sld [smem:$0x3FA0]  }
0x28: {  	s2 =	sld [smem:$0x3FA1]  }
0x29: {  	s4 =	sld [smem:$0x3FA3]  }
0x2a: {  	p0 =	seq.s32 s5, $0x0;
	s5 =	sld [smem:$0x3FA4]  }
0x2b: {  	s6 =	sld [smem:$0x3FA5]  }
0x2c: {  	s7 =	sld [smem:$0x3FA6]  }
0x2d: {  	s3 =	simm.s32 $0x108;
	s8 =	sld [smem:$0x3FA7]  }
0x2e: {  	s3 =	simm.s32 @!p0 $0x1082;
	s9 =	sld [smem:$0x3FA8]  }
0x2f: {  	lr =	sadd.s32 s0, s3;
	s0 =	sld [smem:$0x3F9F]  }
0x30: {  	s3 =	sld [smem:$0x3FA2]  }
0x31: {  	[smem:$0x3FAB] =	sst s10  }
0x32: {  	s10 =	sld [smem:$0x3FA9];
	_ =	sdelay $0x3  }
0x33: {  	p0 =	seq.s32 s10, $0x1;
	s10 =	sld [smem:$0x3FAB];
	_ =	sdelay $0x3  }
0x34: {  	[smem:$0x3FAB] =	sst s10  }
0x35: {  	s10 =	sld [smem:$0x3FAA];
	_ =	sdelay $0x3  }
0x36: {  	p1 =	seq.s32 s10, $0x1;
	s10 =	sld [smem:$0x3FAB];
	_ =	sdelay $0x3  }
0x37: {  	[smem:$0x3FAB] =	sst s10  }
0x38: {  	s10 =	sld [smem:$0x3FAC]  }
0x39: {  	_ = 	snop;
	(pc) =	sbr.ind lr, $3  }
0x3a: {  	_ = 	snop  }
0x3b: {  	_ = 	snop  }
0x3c: {  	p2 =	seq.s32 s10, $0x1;
	s10 =	sld [smem:$0x3FAB]  }
0x3d: {  	_ =	shalt  }
0x3e: {  	_ =	shalt  }
0x3f: {  	_ =	shalt  }
0x40: {  	_ =	shalt  }
0x41: {  	_ =	shalt  }
0x42: {  	_ =	shalt  }
0x43: {  	_ =	shalt  }
0x44: {  	_ =	shalt  }
0x45: {  	_ =	shalt  }
0x46: {  	_ =	shalt  }
0x47: {  	_ =	shalt  }
0x48: {  	_ =	shalt  }
0x49: {  	_ =	shalt  }
0x4a: {  	_ =	shalt  }
0x4b: {  	_ =	shalt  }
0x4c: {  	_ =	shalt  }
0x4d: {  	_ =	shalt  }
0x4e: {  	_ =	shalt  }
0x4f: {  	_ =	shalt  }
0x50: {  	_ =	shalt  }
0x51: {  	_ =	shalt  }
0x52: {  	_ =	shalt  }
0x53: {  	_ =	shalt  }
0x54: {  	_ =	shalt  }
0x55: {  	_ =	shalt  }
0x56: {  	_ =	shalt  }
0x57: {  	_ =	shalt  }
0x58: {  	_ =	shalt  }
0x59: {  	_ =	shalt  }
0x5a: {  	_ =	shalt  }
0x5b: {  	_ =	shalt  }
0x5c: {  	_ =	shalt  }
0x5d: {  	_ =	shalt  }
0x5e: {  	_ =	shalt  }
0x5f: {  	_ =	shalt  }
0x60: {  	_ =	shalt  }
0x61: {  	_ =	shalt  }
0x62: {  	_ =	shalt  }
0x63: {  	_ =	shalt  }
0x64: {  	_ =	shalt  }
0x65: {  	_ =	shalt  }
0x66: {  	_ =	shalt  }
0x67: {  	_ =	shalt  }
0x68: {  	_ =	shalt  }
0x69: {  	_ =	shalt  }
0x6a: {  	_ =	shalt  }
0x6b: {  	_ =	shalt  }
0x6c: {  	_ =	shalt  }
0x6d: {  	_ =	shalt  }
0x6e: {  	_ =	shalt  }
0x6f: {  	_ =	shalt  }
0x70: {  	_ =	shalt  }
0x71: {  	_ =	shalt  }
0x72: {  	_ =	shalt  }
0x73: {  	_ =	shalt  }
0x74: {  	_ =	shalt  }
0x75: {  	_ =	shalt  }
0x76: {  	_ =	shalt  }
0x77: {  	_ =	shalt  }
0x78: {  	_ =	shalt  }
0x79: {  	_ =	shalt  }
0x7a: {  	_ =	shalt  }
0x7b: {  	_ =	shalt  }
0x7c: {  	_ =	shalt  }
0x7d: {  	_ =	shalt  }
0x7e: {  	_ =	shalt  }
0x7f: {  	_ =	shalt  }
0x80: {  	_ =	shalt  }
0x81: {  	_ =	shalt  }
0x82: {  	_ =	shalt  }
0x83: {  	_ =	shalt  }
0x84: {  	_ =	shalt  }
0x85: {  	_ =	shalt  }
0x86: {  	_ =	shalt  }
0x87: {  	_ =	shalt  }
.Lfunc_end0:
.L_simem_size_0:
called_computation.1_lowered:
.L_overlay_start_0:
0x88: {  	s2 =	sld [smem:$0x3FD9]  }
0x89: {  	s3 =	sld [smem:$0x3FFE];
	_ =	sdelay $0x1  }
0x8a: {  	s1 =	srdreg.scid  }
0x8b: {  	s0 =	sand.u32 $0x1, s1  }
0x8c: {  	s14 =	sshll.u32 s0, $0xA;
	s2 =	sadd.s32 s3, s2  }
0x8d: {  	s2 =	sadd.s32 s2, s14  }
0x8e: {  	[smem:$0x3FB7] =	sst s2  }
0x8f: {  	_ = 	snop  }
0x90: {  	s2 =	sld [smem:$0x3FD0];
	_ =	sdelay $0x2  }
0x91: {  	s15 =	simm.s32 $0xA;
	s4 =	simm.s32 $0x10  }
0x92: {  	[smem:s4], [sflag:s15] =	dma.local [hbm:s2], $0x1  }
0x93: {  	_ =	swait.eq [sflag:s15], $0x1  }
0x94: {  	[sflag:s15] =	ssyncset.done $0x0  }
0x95: {  	[sflag:s15] =	ssyncadd.s32 $0xFFFFFFFF  }
0x96: {  	s16 =	sld [smem:$0x10];
	(tm) =	ssettm $0x1  }
0x97: {  	s17 =	sld [smem:$0x3FFB];
	_ =	sdelay $0x3  }
0x98: {  	_ =	strace s17  }
0x99: {  	s3 =	sld [smem:$0x3FFC];
	_ =	sdelay $0x3  }
0x9a: {  	_ =	strace s3  }
0x9b: {  	s3 =	sld [smem:$0x3FFD];
	_ =	sdelay $0x3  }
0x9c: {  	_ =	strace s3  }
0x9d: {  	_ =	strace $0x8FFFFFFF  }
0x9e: {  	s18 =	sld [smem:$0x3FDB];
	_ =	sdelay $0x1  }
0x9f: {  	s19 =	simm.s32 $_scs_section_size  }
0xa0: {  	s5 =	simm.s32 $_size__tile_overlayer_lowered;
	s6 =	simm.s32 $_tile_overlayer_lowered  }
0xa1: {  	s22 =	simm.s32 $0x1BFF;
	s21 =	sshll.u32 s6, $0x1;
	s3 =	sadd.s32 s19, s18  }
0xa2: {  	s7 =	simm.s32 $0x0;
	s20 =	sshll.u32 s5, $0x1;
	s5 =	sadd.s32 s21, s3  }
0xa3: {  	[timem:s7], [sflag:s22] =	dma.local [hbm:s5], s20  }
0xa4: {  	_ =	swait.ge [sflag:s22], s20  }
0xa5: {  	s4 =	ssub.s32 $0x0, s20;
	[sflag:s22] =	ssyncset.done $0x0  }
0xa6: {  	[sflag:s22] =	ssyncadd.s32 s4;
	_ =	sdelay $0x1  }
0xa7: {  	s23 =	simm.s32 $0x1B8B  }
0xa8: {  	_ =	swait.ge [sflag:s23], $0x1  }
0xa9: {  	[sflag:s23] =	ssyncset.done $0x0  }
0xaa: {  	s25 =	simm.s32 $0x1B8E;
	s24 =	sld [smem:$0x3FFE];
	[sflag:s23] =	ssyncadd.s32 $0xFFFFFFFF  }
0xab: {  	s26 =	simm.s32 $execute0_lowered;
	[smem:$0x3FD2] =	sst s25  }
0xac: {  	s5 =	sshll.u32 s26, $0x1;
	_ =	strace $0x80000049;
	[dreg:$0x1] =	wrdreg $0xFFFFFFFF  }
0xad: {  	s28 =	simm.s32 $_size_execute0_lowered;
	s3 =	sadd.s32 s3, s5;
	[dreg:$0x0] =	wrdreg $0x0  }
0xae: {  	s5 =	sshll.u32 s28, $0x1;
	[dreg:$0x2] =	wrdreg s3  }
0xaf: {  	[dreg:$0x3] =	wrdreg s5  }
0xb0: {  	[dreg:$0x4] =	wrdreg $0xC0  }
0xb1: {  	_ =	task [dreg:s7], $0x5FFFF  }
0xb2: {  	[dreg:$0x1] =	wrdreg $0xFFFFFFFF  }
0xb3: {  	[dreg:$0x0] =	wrdreg $0x60  }
0xb4: {  	[dreg:$0x2] =	wrdreg s24  }
0xb5: {  	[dreg:$0x3] =	wrdreg s16  }
0xb6: {  	[dreg:$0x4] =	wrdreg $0xA8000  }
0xb7: {  	[dreg:$0x5] =	wrdreg $0x9  }
0xb8: {  	_ =	task.clear_ibuf [dreg:s7], $0x6FFFF;
	_ =	strace $0x90000049  }
0xb9: {  	s29 =	simm.s32 $0x9;
	_ =	strace $0x8000004B  }
0xba: {  	_ =	swait.ge [sflag:s29], $0x1  }
0xbb: {  	[sflag:s29] =	ssyncadd.s32 $0xFFFFFFFF  }
0xbc: {  	_ =	strace $0x9000004B  }
0xbd: {  	_ =	sfence  }
0xbe: {  	s30 =	sld [smem:$0x0];
	_ =	sdelay $0x2  }
0xbf: {  	s31 =	sshll.u32 s1, $0xD;
	s1 =	sshrl.u32 s1, $0x2  }
0xc0: {  	s3 =	sand.u32 $0x4000, s31;
	s1 =	sadd.s32 s1, s30  }
0xc1: {  	s0 =	sor.u32 s3, s0;
	s1 =	sshll.u32 s1, $0x11  }
0xc2: {  	s0 =	sor.u32 s1, s0  }
0xc3: {  	s0 =	sadd.s32 $0x8F2B, s0  }
0xc4: {  	[sflag:s0] =	ssyncadd.remote.s32 $0x1  }
0xc5: {  	_ =	sfence.sel $0xFFFF  }
0xc6: {  	[dreg:$0x0] =	wrdreg $0xFFFFFFFF;
	(pc) =	sbr.abs _section_cstart, $3  }
0xc7: {  	[dreg:$0x1] =	wrdreg $0xFFFFFFFF  }
0xc8: {  	_ =	task.clear_ibuf [dreg:s7], $0x2FFFF;
	_ =	strace $0x9FFFFFFF  }
0xc9: {  	(tm) =	ssettm $0x7FFFFFFF  }
tec
execute0_lowered:
.L_overlay_start_1:
0x0: {  	(tag) =	ssettag $0x1  }
0x1: {  	s6 =	rddreg [dreg:$0x0]  }
0x2: {  	s13 =	rddreg [dreg:$0x1]  }
0x3: {  	s2 =	rddreg [dreg:$0x2]  }
0x4: {  	s0 =	rddreg [dreg:$0x3];
	s4 =	srdreg.scid  }
0x5: {  	s1 =	stileid.u32;
	s3 =	simm.s32 $0x0;
	s20 =	simm.s32 $0x80  }
0x6: {  	s21 =	simm.s32 $0x2800;
	s22 =	simm.s32 $0x1;
	s5 =	smul.u32 $0x2800, s1  }
0x7: {  	s23 =	simm.s32 $0x6800;
	s24 =	simm.s32 $0x2;
	s8 =	smul.u32 $0x50000, s1  }
0x8: {  	s28 =	simm.s32 $0x2780;
	s17 =	sand.u32 $0x1, s4;
	s9 =	smul.u32 $0x3C00, s1  }
0x9: {  	[smem:$0x7FF] =	sst s3;
	s4 =	sadd.s32 $0x60000, s6;
	s29 =	smul.u32 $0x780, s1  }
0xa: {  	s14 =	sadd.s32 $0x6000, s6;
	s30 =	sshll.u32 s1, $0x6;
	s10 =	smul.u32 $0x1400, s1  }
0xb: {  	s7 =	smul.u32 $0x28000, s17;
	_ =	strace $0x8000004A;
	s25 =	ssub.s32 $0x2, s17  }
0xc: {  	p0 =	seq.s32 s17, $0x0;
	s26 =	sshrl.u32 s25, $0x1;
	s8 =	sshrl.u32 s8, $0x2  }
0xd: {  	s11 =	sshrl.u32 s9, $0x3;
	s19 =	sshrl.u32 s10, $0x3;
	s7 =	sadd.s32 s5, s7  }
0xe: {  	s5 =	sadd.s32 $0x88000, s6;
	s16 =	ssub.s32 s25, s26;
	s18 =	sadd.s32 s8, s2  }
0xf: {  	s12 =	sadd.s32 $0x280, s11;
	s8 =	sadd.s32 s14, s29;
	s31 =	sadd.s32 $0x500, s11  }
0x10: {  	s19 =	sadd.s32 $0x7800, s19;
	s25 =	simm.s32 $0x1380;
	s26 =	simm.s32 $0x2700  }
.Ltmp0:
0x11: {  	s15 =	sadd.s32 s7, s6;
	s6 =	sor.u32 $0x1C03, s30;
	(pc) =	sbr.rel .LBB2_1-.Ltmp0, $4  }
0x12: {  	s7 =	sadd.s32 s13, s29;
	s9 =	sadd.s32 s13, s12;
	s10 =	sadd.s32 s14, s12  }
0x13: {  	s11 =	sadd.s32 s13, s31;
	s12 =	sadd.s32 s14, s31;
	s13 =	sadd.s32 s13, s19  }
0x14: {  	s14 =	sadd.s32 s14, s19;
	s16 =	smax.u32 s16, $0x1;
	s17 =	sshrl.u32 s18, $0x3  }
0x15: {  	s18 =	simm.s32 $0x3;
	s19 =	simm.s32 $0x1400;
	s15 =	sadd.s32 $0x8A800, s15  }
.LBB2_11:
0x16: {  	[sflag:s18] =	ssyncadd.s32 $0xFFFFC000  }
.LBB2_12:
0x17: {  	_ =	swait.ge [sflag:s22], $0x4000  }
0x18: {  	[sflag:s22] =	ssyncset.done $0x0  }
0x19: {  	[sflag:s22] =	ssyncadd.s32 $0xFFFFC000  }
0x1a: {  	[tilespmem:s23], [sflag:$0x2] =	stream.indirect.gather [hbm4b:s4+s20], $0x80, s25, s20, $0xb8;
	[tilespmem:$0x1E800] =	vst v63  }
0x1b: {  	_ = 	snop  }
0x1c: {  	[spmem:s2] =	stream.indirect.scatter.add.f32 [tilespmem:s21], [sflag:$0x3], $0x80, s26, s20, $0xb8;
	[tilespmem:$0x1E800] =	vst v63  }
0x1d: {  	_ =	swait.ge [sflag:s18], $0x4000  }
0x1e: {  	[sflag:s18] =	ssyncset.done $0x0  }
0x1f: {  	[sflag:s18] =	ssyncadd.s32 $0xFFFFC000  }
0x20: {  	_ =	swait.ge [sflag:s24], $0x4000  }
0x21: {  	[sflag:s24] =	ssyncset.done $0x0  }
0x22: {  	[sflag:s24] =	ssyncadd.s32 $0xFFFFC000  }
0x23: {  	[spmem:s2] =	stream.indirect.scatter.add.f32 [tilespmem:s23], [sflag:$0x3], $0x80, s28, s20, $0xb8;
	[tilespmem:$0x1E800] =	vst v63  }
0x24: {  	_ =	swait.ge [sflag:s18], $0x4000  }
0x25: {  	s3 =	sadd.s32 $0x1, s3;
	[sflag:s18] =	ssyncset.done $0x0  }
0x26: {  	p1 =	sne.s32 s3, s16;
	[sflag:s18] =	ssyncadd.s32 $0xFFFFC000  }
.Ltmp1:
0x27: {  	[bflag:$0x0] =	sbarrier.arrive $0xFFFF;
	(pc) =	sbr.rel @!p1 .LBB2_13-.Ltmp1, $4  }
0x28: {  	[hbm:s15], [sflag:s6] =	dma.local [spmem:s17], $0x2800  }
0x29: {  	_ =	swait.ge [sflag:s18], $0x2800  }
0x2a: {  	[sflag:s18] =	ssyncset.done $0x0  }
0x2b: {  	[sflag:s18] =	ssyncadd.s32 $0xFFFFD800  }
.LBB2_1:
0x2c: {  	[spmem:s17], [sflag:s6] =	dma.local [hbm:s5], $0x2800  }
.Ltmp2:
0x2d: {  	_ =	swait.ge [sflag:s18], $0x2800;
	(pc) =	sbr.rel @!p0 .LBB2_2-.Ltmp2, $4  }
0x2e: {  	[sflag:s18] =	ssyncset.done $0x0  }
0x2f: {  	[sflag:s18] =	ssyncadd.s32 $0xFFFFD800  }
0x30: {  	[bflag:$0x0] =	sbarrier.arrive $0xFFFF  }
0x31: {  	s29 =	simm.s32 $0x0  }
0x32: {  	[tilespmem:s29], [sflag:$0x3] =	stream.linear.gather [hbm4b:s13+s29], $0x1400, $0x38;
	[tilespmem:$0x1E800] =	vst v63  }
0x33: {  	_ =	swait.ge [sflag:s18], $0x1400  }
0x34: {  	[sflag:s18] =	ssyncset.done $0x0  }
0x35: {  	[sflag:s18] =	ssyncadd.s32 $0xFFFFEC00  }
0x36: {  	[tilespmem:s19], [sflag:$0x3] =	stream.linear.gather [hbm4b:s14+s29], $0x1400, $0x38;
	[tilespmem:$0x1E800] =	vst v63  }
0x37: {  	_ =	swait.ge [sflag:s18], $0x1400  }
0x38: {  	[sflag:s18] =	ssyncset.done $0x0  }
0x39: {  	[sflag:s18] =	ssyncadd.s32 $0xFFFFEC00  }
0x3a: {  	[tilespmem:s21], [sflag:$0x1] =	stream.indirect.gather [hbm4b:s4+s20], $0x80, s29, s20, $0xb8;
	[tilespmem:$0x1E800] =	vst v63  }
0x3b: {  	_ =	swait.ge [sflag:s22], $0x4000  }
0x3c: {  	[sflag:s22] =	ssyncset.done $0x0  }
0x3d: {  	s29 =	simm.s32 $0x80;
	[sflag:s22] =	ssyncadd.s32 $0xFFFFC000  }
0x3e: {  	[tilespmem:s23], [sflag:$0x2] =	stream.indirect.gather [hbm4b:s4+s20], $0x80, s29, s20, $0xb8;
	[tilespmem:$0x1E800] =	vst v63  }
0x3f: {  	s29 =	simm.s32 $0x1400  }
0x40: {  	[spmem:s2] =	stream.indirect.scatter.add.f32 [tilespmem:s21], [sflag:$0x3], $0x80, s29, s20, $0xb8;
	[tilespmem:$0x1E800] =	vst v63  }
0x41: {  	_ =	swait.ge [sflag:s18], $0x4000  }
0x42: {  	[sflag:s18] =	ssyncset.done $0x0  }
0x43: {  	[sflag:s18] =	ssyncadd.s32 $0xFFFFC000  }
0x44: {  	_ =	swait.ge [sflag:s24], $0x4000  }
0x45: {  	[sflag:s24] =	ssyncset.done $0x0  }
0x46: {  	s29 =	simm.s32 $0x100;
	[sflag:s24] =	ssyncadd.s32 $0xFFFFC000  }
0x47: {  	[tilespmem:s21], [sflag:$0x1] =	stream.indirect.gather [hbm4b:s4+s20], $0x80, s29, s20, $0xb8;
	[tilespmem:$0x1E800] =	vst v63  }
0x48: {  	s29 =	simm.s32 $0x1480  }
0x49: {  	[spmem:s2] =	stream.indirect.scatter.add.f32 [tilespmem:s23], [sflag:$0x3], $0x80, s29, s20, $0xb8;
	[tilespmem:$0x1E800] =	vst v63  }
0x4a: {  	_ =	swait.ge [sflag:s18], $0x4000  }
0x4b: {  	s29 =	simm.s32 $0x400;
	[sflag:s18] =	ssyncset.done $0x0  }
.LBB2_10:
0x4c: {  	p1 =	sne.s32 s29, $0x4800  }
0x4d: {  	[sflag:s18] =	ssyncadd.s32 $0xFFFFC000;
	s30 =	smov.u32 s29;
	s29 =	sadd.s32 $0x400, s29  }
0x4e: {  	_ = 	snop  }
0x4f: {  	_ =	swait.ge [sflag:s22], $0x4000  }
0x50: {  	s30 =	sshra.s32 s30, $0x2;
	[sflag:s22] =	ssyncset.done $0x0  }
0x51: {  	s31 =	sadd.s32 $0x80, s30;
	[sflag:s22] =	ssyncadd.s32 $0xFFFFC000  }
0x52: {  	[tilespmem:s23], [sflag:$0x2] =	stream.indirect.gather [hbm4b:s4+s20], $0x80, s31, s20, $0xb8;
	[tilespmem:$0x1E800] =	vst v63  }
0x53: {  	s31 =	sadd.s32 $0x1400, s30  }
0x54: {  	[spmem:s2] =	stream.indirect.scatter.add.f32 [tilespmem:s21], [sflag:$0x3], $0x80, s31, s20, $0xb8;
	[tilespmem:$0x1E800] =	vst v63  }
0x55: {  	_ =	swait.ge [sflag:s18], $0x4000  }
0x56: {  	[sflag:s18] =	ssyncset.done $0x0  }
0x57: {  	[sflag:s18] =	ssyncadd.s32 $0xFFFFC000  }
0x58: {  	_ =	swait.ge [sflag:s24], $0x4000  }
0x59: {  	[sflag:s24] =	ssyncset.done $0x0  }
0x5a: {  	s31 =	sadd.s32 $0x100, s30;
	[sflag:s24] =	ssyncadd.s32 $0xFFFFC000  }
0x5b: {  	[tilespmem:s21], [sflag:$0x1] =	stream.indirect.gather [hbm4b:s4+s20], $0x80, s31, s20, $0xb8;
	[tilespmem:$0x1E800] =	vst v63  }
.Ltmp3:
0x5c: {  	_ = 	snop;
	(pc) =	sbr.rel @p1 .LBB2_10-.Ltmp3, $4  }
0x5d: {  	s30 =	sadd.s32 $0x1480, s30  }
0x5e: {  	[spmem:s2] =	stream.indirect.scatter.add.f32 [tilespmem:s23], [sflag:$0x3], $0x80, s30, s20, $0xb8;
	[tilespmem:$0x1E800] =	vst v63  }
0x5f: {  	_ =	swait.ge [sflag:s18], $0x4000  }
0x60: {  	[sflag:s18] =	ssyncset.done $0x0  }
.Ltmp4:
0x61: {  	_ = 	snop;
	(pc) =	sbr.rel .LBB2_11-.Ltmp4, $1  }
0x62: {  	_ =	sdelay $0x3  }
.LBB2_2:
0x63: {  	[tilespmem:s29], [sflag:$0x3] =	stream.linear.gather [hbm4b:s7+s29], $0x1400, $0x38;
	[tilespmem:$0x1E800] =	vst v63  }
0x64: {  	_ =	swait.ge [sflag:s18], $0x1400  }
0x65: {  	[sflag:s18] =	ssyncset.done $0x0  }
0x66: {  	[sflag:s18] =	ssyncadd.s32 $0xFFFFEC00  }
0x67: {  	[tilespmem:s19], [sflag:$0x3] =	stream.linear.gather [hbm4b:s8+s29], $0x1400, $0x38;
	[tilespmem:$0x1E800] =	vst v63  }
0x68: {  	_ =	swait.ge [sflag:s18], $0x1400  }
0x69: {  	[sflag:s18] =	ssyncset.done $0x0  }
0x6a: {  	[sflag:s18] =	ssyncadd.s32 $0xFFFFEC00  }
0x6b: {  	[tilespmem:s21], [sflag:$0x1] =	stream.indirect.gather [hbm4b:s4+s20], $0x80, s29, s20, $0xb8;
	[tilespmem:$0x1E800] =	vst v63  }
0x6c: {  	_ =	swait.ge [sflag:s22], $0x4000  }
0x6d: {  	[sflag:s22] =	ssyncset.done $0x0  }
0x6e: {  	s29 =	simm.s32 $0x80;
	[sflag:s22] =	ssyncadd.s32 $0xFFFFC000  }
0x6f: {  	[tilespmem:s23], [sflag:$0x2] =	stream.indirect.gather [hbm4b:s4+s20], $0x80, s29, s20, $0xb8;
	[tilespmem:$0x1E800] =	vst v63  }
0x70: {  	s29 =	simm.s32 $0x1400  }
0x71: {  	[spmem:s2] =	stream.indirect.scatter.add.f32 [tilespmem:s21], [sflag:$0x3], $0x80, s29, s20, $0xb8;
	[tilespmem:$0x1E800] =	vst v63  }
0x72: {  	_ =	swait.ge [sflag:s18], $0x4000  }
0x73: {  	[sflag:s18] =	ssyncset.done $0x0  }
0x74: {  	[sflag:s18] =	ssyncadd.s32 $0xFFFFC000  }
0x75: {  	_ =	swait.ge [sflag:s24], $0x4000  }
0x76: {  	[sflag:s24] =	ssyncset.done $0x0  }
0x77: {  	s29 =	simm.s32 $0x100;
	[sflag:s24] =	ssyncadd.s32 $0xFFFFC000  }
0x78: {  	[tilespmem:s21], [sflag:$0x1] =	stream.indirect.gather [hbm4b:s4+s20], $0x80, s29, s20, $0xb8;
	[tilespmem:$0x1E800] =	vst v63  }
0x79: {  	s29 =	simm.s32 $0x1480  }
0x7a: {  	[spmem:s2] =	stream.indirect.scatter.add.f32 [tilespmem:s23], [sflag:$0x3], $0x80, s29, s20, $0xb8;
	[tilespmem:$0x1E800] =	vst v63  }
0x7b: {  	_ =	swait.ge [sflag:s18], $0x4000  }
0x7c: {  	s29 =	simm.s32 $0x400;
	[sflag:s18] =	ssyncset.done $0x0  }
.LBB2_3:
0x7d: {  	p1 =	sne.s32 s29, $0x4800  }
0x7e: {  	[sflag:s18] =	ssyncadd.s32 $0xFFFFC000;
	s30 =	smov.u32 s29;
	s29 =	sadd.s32 $0x400, s29  }
0x7f: {  	_ = 	snop  }
0x80: {  	_ =	swait.ge [sflag:s22], $0x4000  }
0x81: {  	s30 =	sshra.s32 s30, $0x2;
	[sflag:s22] =	ssyncset.done $0x0  }
0x82: {  	s31 =	sadd.s32 $0x80, s30;
	[sflag:s22] =	ssyncadd.s32 $0xFFFFC000  }
0x83: {  	[tilespmem:s23], [sflag:$0x2] =	stream.indirect.gather [hbm4b:s4+s20], $0x80, s31, s20, $0xb8;
	[tilespmem:$0x1E800] =	vst v63  }
0x84: {  	s31 =	sadd.s32 $0x1400, s30  }
0x85: {  	[spmem:s2] =	stream.indirect.scatter.add.f32 [tilespmem:s21], [sflag:$0x3], $0x80, s31, s20, $0xb8;
	[tilespmem:$0x1E800] =	vst v63  }
0x86: {  	_ =	swait.ge [sflag:s18], $0x4000  }
0x87: {  	[sflag:s18] =	ssyncset.done $0x0  }
0x88: {  	[sflag:s18] =	ssyncadd.s32 $0xFFFFC000  }
0x89: {  	_ =	swait.ge [sflag:s24], $0x4000  }
0x8a: {  	[sflag:s24] =	ssyncset.done $0x0  }
0x8b: {  	s31 =	sadd.s32 $0x100, s30;
	[sflag:s24] =	ssyncadd.s32 $0xFFFFC000  }
0x8c: {  	[tilespmem:s21], [sflag:$0x1] =	stream.indirect.gather [hbm4b:s4+s20], $0x80, s31, s20, $0xb8;
	[tilespmem:$0x1E800] =	vst v63  }
.Ltmp5:
0x8d: {  	_ = 	snop;
	(pc) =	sbr.rel @p1 .LBB2_3-.Ltmp5, $4  }
0x8e: {  	s30 =	sadd.s32 $0x1480, s30  }
0x8f: {  	[spmem:s2] =	stream.indirect.scatter.add.f32 [tilespmem:s23], [sflag:$0x3], $0x80, s30, s20, $0xb8;
	[tilespmem:$0x1E800] =	vst v63  }
0x90: {  	_ =	swait.ge [sflag:s18], $0x4000  }
0x91: {  	[sflag:s18] =	ssyncset.done $0x0  }
0x92: {  	[sflag:s18] =	ssyncadd.s32 $0xFFFFC000  }
0x93: {  	_ =	swait.ge [sflag:s22], $0x4000  }
0x94: {  	[sflag:s22] =	ssyncset.done $0x0  }
0x95: {  	[sflag:s22] =	ssyncadd.s32 $0xFFFFC000  }
0x96: {  	[tilespmem:s23], [sflag:$0x2] =	stream.indirect.gather [hbm4b:s4+s20], $0x80, s25, s20, $0xb8;
	[tilespmem:$0x1E800] =	vst v63  }
0x97: {  	_ = 	snop  }
0x98: {  	[spmem:s2] =	stream.indirect.scatter.add.f32 [tilespmem:s21], [sflag:$0x3], $0x80, s26, s20, $0xb8;
	[tilespmem:$0x1E800] =	vst v63  }
0x99: {  	_ =	swait.ge [sflag:s18], $0x4000  }
0x9a: {  	[sflag:s18] =	ssyncset.done $0x0  }
0x9b: {  	[sflag:s18] =	ssyncadd.s32 $0xFFFFC000  }
0x9c: {  	_ =	swait.ge [sflag:s24], $0x4000  }
0x9d: {  	[sflag:s24] =	ssyncset.done $0x0  }
0x9e: {  	[sflag:s24] =	ssyncadd.s32 $0xFFFFC000  }
0x9f: {  	[spmem:s2] =	stream.indirect.scatter.add.f32 [tilespmem:s23], [sflag:$0x3], $0x80, s28, s20, $0xb8;
	[tilespmem:$0x1E800] =	vst v63  }
0xa0: {  	_ =	swait.ge [sflag:s18], $0x4000  }
0xa1: {  	[sflag:s18] =	ssyncset.done $0x0  }
0xa2: {  	s29 =	simm.s32 $0x0;
	[sflag:s18] =	ssyncadd.s32 $0xFFFFC000  }
0xa3: {  	[tilespmem:s29], [sflag:$0x3] =	stream.linear.gather [hbm4b:s9+s29], $0x1400, $0x38;
	[tilespmem:$0x1E800] =	vst v63  }
0xa4: {  	_ =	swait.ge [sflag:s18], $0x1400  }
0xa5: {  	[sflag:s18] =	ssyncset.done $0x0  }
0xa6: {  	[sflag:s18] =	ssyncadd.s32 $0xFFFFEC00  }
0xa7: {  	[tilespmem:s19], [sflag:$0x3] =	stream.linear.gather [hbm4b:s10+s29], $0x1400, $0x38;
	[tilespmem:$0x1E800] =	vst v63  }
0xa8: {  	_ =	swait.ge [sflag:s18], $0x1400  }
0xa9: {  	[sflag:s18] =	ssyncset.done $0x0  }
0xaa: {  	[sflag:s18] =	ssyncadd.s32 $0xFFFFEC00  }
0xab: {  	[tilespmem:s21], [sflag:$0x1] =	stream.indirect.gather [hbm4b:s4+s20], $0x80, s29, s20, $0xb8;
	[tilespmem:$0x1E800] =	vst v63  }
0xac: {  	_ =	swait.ge [sflag:s22], $0x4000  }
0xad: {  	[sflag:s22] =	ssyncset.done $0x0  }
0xae: {  	s29 =	simm.s32 $0x80;
	[sflag:s22] =	ssyncadd.s32 $0xFFFFC000  }
0xaf: {  	[tilespmem:s23], [sflag:$0x2] =	stream.indirect.gather [hbm4b:s4+s20], $0x80, s29, s20, $0xb8;
	[tilespmem:$0x1E800] =	vst v63  }
0xb0: {  	s29 =	simm.s32 $0x1400  }
0xb1: {  	[spmem:s2] =	stream.indirect.scatter.add.f32 [tilespmem:s21], [sflag:$0x3], $0x80, s29, s20, $0xb8;
	[tilespmem:$0x1E800] =	vst v63  }
0xb2: {  	_ =	swait.ge [sflag:s18], $0x4000  }
0xb3: {  	[sflag:s18] =	ssyncset.done $0x0  }
0xb4: {  	[sflag:s18] =	ssyncadd.s32 $0xFFFFC000  }
0xb5: {  	_ =	swait.ge [sflag:s24], $0x4000  }
0xb6: {  	[sflag:s24] =	ssyncset.done $0x0  }
0xb7: {  	s29 =	simm.s32 $0x100;
	[sflag:s24] =	ssyncadd.s32 $0xFFFFC000  }
0xb8: {  	[tilespmem:s21], [sflag:$0x1] =	stream.indirect.gather [hbm4b:s4+s20], $0x80, s29, s20, $0xb8;
	[tilespmem:$0x1E800] =	vst v63  }
0xb9: {  	s29 =	simm.s32 $0x1480  }
0xba: {  	[spmem:s2] =	stream.indirect.scatter.add.f32 [tilespmem:s23], [sflag:$0x3], $0x80, s29, s20, $0xb8;
	[tilespmem:$0x1E800] =	vst v63  }
0xbb: {  	_ =	swait.ge [sflag:s18], $0x4000  }
0xbc: {  	s29 =	simm.s32 $0x400;
	[sflag:s18] =	ssyncset.done $0x0  }
.LBB2_5:
0xbd: {  	p1 =	sne.s32 s29, $0x4800  }
0xbe: {  	[sflag:s18] =	ssyncadd.s32 $0xFFFFC000;
	s30 =	smov.u32 s29;
	s29 =	sadd.s32 $0x400, s29  }
0xbf: {  	_ = 	snop  }
0xc0: {  	_ =	swait.ge [sflag:s22], $0x4000  }
0xc1: {  	s30 =	sshra.s32 s30, $0x2;
	[sflag:s22] =	ssyncset.done $0x0  }
0xc2: {  	s31 =	sadd.s32 $0x80, s30;
	[sflag:s22] =	ssyncadd.s32 $0xFFFFC000  }
0xc3: {  	[tilespmem:s23], [sflag:$0x2] =	stream.indirect.gather [hbm4b:s4+s20], $0x80, s31, s20, $0xb8;
	[tilespmem:$0x1E800] =	vst v63  }
0xc4: {  	s31 =	sadd.s32 $0x1400, s30  }
0xc5: {  	[spmem:s2] =	stream.indirect.scatter.add.f32 [tilespmem:s21], [sflag:$0x3], $0x80, s31, s20, $0xb8;
	[tilespmem:$0x1E800] =	vst v63  }
0xc6: {  	_ =	swait.ge [sflag:s18], $0x4000  }
0xc7: {  	[sflag:s18] =	ssyncset.done $0x0  }
0xc8: {  	[sflag:s18] =	ssyncadd.s32 $0xFFFFC000  }
0xc9: {  	_ =	swait.ge [sflag:s24], $0x4000  }
0xca: {  	[sflag:s24] =	ssyncset.done $0x0  }
0xcb: {  	s31 =	sadd.s32 $0x100, s30;
	[sflag:s24] =	ssyncadd.s32 $0xFFFFC000  }
0xcc: {  	[tilespmem:s21], [sflag:$0x1] =	stream.indirect.gather [hbm4b:s4+s20], $0x80, s31, s20, $0xb8;
	[tilespmem:$0x1E800] =	vst v63  }
.Ltmp6:
0xcd: {  	_ = 	snop;
	(pc) =	sbr.rel @p1 .LBB2_5-.Ltmp6, $4  }
0xce: {  	s30 =	sadd.s32 $0x1480, s30  }
0xcf: {  	[spmem:s2] =	stream.indirect.scatter.add.f32 [tilespmem:s23], [sflag:$0x3], $0x80, s30, s20, $0xb8;
	[tilespmem:$0x1E800] =	vst v63  }
0xd0: {  	_ =	swait.ge [sflag:s18], $0x4000  }
0xd1: {  	[sflag:s18] =	ssyncset.done $0x0  }
0xd2: {  	[sflag:s18] =	ssyncadd.s32 $0xFFFFC000  }
0xd3: {  	_ =	swait.ge [sflag:s22], $0x4000  }
0xd4: {  	[sflag:s22] =	ssyncset.done $0x0  }
0xd5: {  	[sflag:s22] =	ssyncadd.s32 $0xFFFFC000  }
0xd6: {  	[tilespmem:s23], [sflag:$0x2] =	stream.indirect.gather [hbm4b:s4+s20], $0x80, s25, s20, $0xb8;
	[tilespmem:$0x1E800] =	vst v63  }
0xd7: {  	_ = 	snop  }
0xd8: {  	[spmem:s2] =	stream.indirect.scatter.add.f32 [tilespmem:s21], [sflag:$0x3], $0x80, s26, s20, $0xb8;
	[tilespmem:$0x1E800] =	vst v63  }
0xd9: {  	_ =	swait.ge [sflag:s18], $0x4000  }
0xda: {  	[sflag:s18] =	ssyncset.done $0x0  }
0xdb: {  	[sflag:s18] =	ssyncadd.s32 $0xFFFFC000  }
0xdc: {  	_ =	swait.ge [sflag:s24], $0x4000  }
0xdd: {  	[sflag:s24] =	ssyncset.done $0x0  }
0xde: {  	[sflag:s24] =	ssyncadd.s32 $0xFFFFC000  }
0xdf: {  	[spmem:s2] =	stream.indirect.scatter.add.f32 [tilespmem:s23], [sflag:$0x3], $0x80, s28, s20, $0xb8;
	[tilespmem:$0x1E800] =	vst v63  }
0xe0: {  	_ =	swait.ge [sflag:s18], $0x4000  }
0xe1: {  	[sflag:s18] =	ssyncset.done $0x0  }
0xe2: {  	s29 =	simm.s32 $0x0;
	[sflag:s18] =	ssyncadd.s32 $0xFFFFC000  }
0xe3: {  	[tilespmem:s29], [sflag:$0x3] =	stream.linear.gather [hbm4b:s11+s29], $0x1400, $0x38;
	[tilespmem:$0x1E800] =	vst v63  }
0xe4: {  	_ =	swait.ge [sflag:s18], $0x1400  }
0xe5: {  	[sflag:s18] =	ssyncset.done $0x0  }
0xe6: {  	[sflag:s18] =	ssyncadd.s32 $0xFFFFEC00  }
0xe7: {  	[tilespmem:s19], [sflag:$0x3] =	stream.linear.gather [hbm4b:s12+s29], $0x1400, $0x38;
	[tilespmem:$0x1E800] =	vst v63  }
0xe8: {  	_ =	swait.ge [sflag:s18], $0x1400  }
0xe9: {  	[sflag:s18] =	ssyncset.done $0x0  }
0xea: {  	[sflag:s18] =	ssyncadd.s32 $0xFFFFEC00  }
0xeb: {  	[tilespmem:s21], [sflag:$0x1] =	stream.indirect.gather [hbm4b:s4+s20], $0x80, s29, s20, $0xb8;
	[tilespmem:$0x1E800] =	vst v63  }
0xec: {  	_ =	swait.ge [sflag:s22], $0x4000  }
0xed: {  	[sflag:s22] =	ssyncset.done $0x0  }
0xee: {  	s29 =	simm.s32 $0x80;
	[sflag:s22] =	ssyncadd.s32 $0xFFFFC000  }
0xef: {  	[tilespmem:s23], [sflag:$0x2] =	stream.indirect.gather [hbm4b:s4+s20], $0x80, s29, s20, $0xb8;
	[tilespmem:$0x1E800] =	vst v63  }
0xf0: {  	s29 =	simm.s32 $0x1400  }
0xf1: {  	[spmem:s2] =	stream.indirect.scatter.add.f32 [tilespmem:s21], [sflag:$0x3], $0x80, s29, s20, $0xb8;
	[tilespmem:$0x1E800] =	vst v63  }
0xf2: {  	_ =	swait.ge [sflag:s18], $0x4000  }
0xf3: {  	[sflag:s18] =	ssyncset.done $0x0  }
0xf4: {  	[sflag:s18] =	ssyncadd.s32 $0xFFFFC000  }
0xf5: {  	_ =	swait.ge [sflag:s24], $0x4000  }
0xf6: {  	[sflag:s24] =	ssyncset.done $0x0  }
0xf7: {  	s29 =	simm.s32 $0x100;
	[sflag:s24] =	ssyncadd.s32 $0xFFFFC000  }
0xf8: {  	[tilespmem:s21], [sflag:$0x1] =	stream.indirect.gather [hbm4b:s4+s20], $0x80, s29, s20, $0xb8;
	[tilespmem:$0x1E800] =	vst v63  }
0xf9: {  	s29 =	simm.s32 $0x1480  }
0xfa: {  	[spmem:s2] =	stream.indirect.scatter.add.f32 [tilespmem:s23], [sflag:$0x3], $0x80, s29, s20, $0xb8;
	[tilespmem:$0x1E800] =	vst v63  }
0xfb: {  	_ =	swait.ge [sflag:s18], $0x4000  }
0xfc: {  	s29 =	simm.s32 $0x400;
	[sflag:s18] =	ssyncset.done $0x0  }
.LBB2_7:
0xfd: {  	p1 =	seq.s32 s29, $0x4800  }
0xfe: {  	[sflag:s18] =	ssyncadd.s32 $0xFFFFC000;
	s30 =	smov.u32 s29;
	s29 =	sadd.s32 $0x400, s29  }
0xff: {  	_ = 	snop  }
0x100: {  	_ =	swait.ge [sflag:s22], $0x4000  }
0x101: {  	s30 =	sshra.s32 s30, $0x2;
	[sflag:s22] =	ssyncset.done $0x0  }
0x102: {  	s31 =	sadd.s32 $0x80, s30;
	[sflag:s22] =	ssyncadd.s32 $0xFFFFC000  }
0x103: {  	[tilespmem:s23], [sflag:$0x2] =	stream.indirect.gather [hbm4b:s4+s20], $0x80, s31, s20, $0xb8;
	[tilespmem:$0x1E800] =	vst v63  }
0x104: {  	s31 =	sadd.s32 $0x1400, s30  }
0x105: {  	[spmem:s2] =	stream.indirect.scatter.add.f32 [tilespmem:s21], [sflag:$0x3], $0x80, s31, s20, $0xb8;
	[tilespmem:$0x1E800] =	vst v63  }
0x106: {  	_ =	swait.ge [sflag:s18], $0x4000  }
0x107: {  	[sflag:s18] =	ssyncset.done $0x0  }
0x108: {  	[sflag:s18] =	ssyncadd.s32 $0xFFFFC000  }
0x109: {  	_ =	swait.ge [sflag:s24], $0x4000  }
0x10a: {  	[sflag:s24] =	ssyncset.done $0x0  }
0x10b: {  	s31 =	sadd.s32 $0x100, s30;
	[sflag:s24] =	ssyncadd.s32 $0xFFFFC000  }
0x10c: {  	[tilespmem:s21], [sflag:$0x1] =	stream.indirect.gather [hbm4b:s4+s20], $0x80, s31, s20, $0xb8;
	[tilespmem:$0x1E800] =	vst v63  }
.Ltmp7:
0x10d: {  	_ = 	snop;
	(pc) =	sbr.rel @!p1 .LBB2_7-.Ltmp7, $4  }
0x10e: {  	s30 =	sadd.s32 $0x1480, s30  }
0x10f: {  	[spmem:s2] =	stream.indirect.scatter.add.f32 [tilespmem:s23], [sflag:$0x3], $0x80, s30, s20, $0xb8;
	[tilespmem:$0x1E800] =	vst v63  }
0x110: {  	_ =	swait.ge [sflag:s18], $0x4000  }
0x111: {  	[sflag:s18] =	ssyncset.done $0x0  }
.Ltmp8:
0x112: {  	(pc) =	sbr.rel .LBB2_12-.Ltmp8, $2  }
0x113: {  	_ =	sdelay $0x2  }
0x114: {  	[sflag:s18] =	ssyncadd.s32 $0xFFFFC000  }
.LBB2_13:
0x115: {  	_ =	sfence.sel $0x180000  }
0x116: {  	[bflag:$0x0] =	sbarrier.arrive $0xFFFF  }
0x117: {  	p0 =	sne.s32 s1, $0x0;
	_ =	strace $0x9000004A  }
0x118: {  	s0 =	sadd.s32 @!p0 $0x100000, s0;
	[bflag:$0x2] =	sbarrier.arrive $0xFFFF  }
0x119: {  	[sflag:s0] =	ssyncadd.tile.s32 @!p0 $0x1;
	_ =	shalt  }
.Lfunc_end2:
_tile_overlayer_lowered:
.L_overlay_start_2:
0x11a: {  	(tag) =	ssettag $0x2  }
0x11b: {  	s0 =	rddreg [dreg:$0x0];
	s2 =	stileid.u32  }
0x11c: {  	s1 =	rddreg [dreg:$0x1];
	p0 =	sne.s32 s2, $0x0  }
0x11d: {  	s3 =	rddreg [dreg:$0x2];
	[bflag:$0x3] =	sbarrier.arrive $0xFFFF;
	s2 =	simm.s32 @!p0 $0x1C03  }
0x11e: {  	[timem:s3], [sflag:s2] =	dma.local @!p0 [hbm:s0], s1  }
0x11f: {  	s0 =	simm.s32 @!p0 $0x3  }
0x120: {  	_ =	swait.ge @!p0 [sflag:s0], s1  }
0x121: {  	s1 =	ssub.s32 @!p0 $0x0, s1;
	[sflag:s0] =	ssyncset.done @!p0 $0x0  }
0x122: {  	[sflag:s0] =	ssyncadd.s32 @!p0 s1  }
0x123: {  	[bflag:$0x3] =	sbarrier.arrive $0xFFFF  }
0x124: {  	_ =	shalt  }

// kernel: kernel.16.cloned.1.call-start
scs
__scs_entry_jumppad:
0x0: {  	(pc) =	sbr.rel $0x88, $3  }
0x1: {  	(tag) =	ssettag $0x0;
	lr =	simm.s32 $0x1  }
0x2: {  	[smem:$0x3F90] =	sst lr;
	_ =	strace $0xD0000000  }
0x3: {  	_ = 	snop  }
0x4: {  	_ = 	snop  }
0x5: {  	_ = 	snop  }
0x6: {  	_ = 	snop  }
0x7: {  	_ = 	snop  }
__scs_overlays_trampoline_lowered:
0x8: {  	[smem:$0x3F9F] =	sst s0  }
0x9: {  	[smem:$0x3FA0] =	sst s1  }
0xa: {  	[smem:$0x3FA1] =	sst s2  }
0xb: {  	[smem:$0x3FA2] =	sst s3  }
0xc: {  	[smem:$0x3FA3] =	sst s4  }
0xd: {  	[smem:$0x3FA4] =	sst s5  }
0xe: {  	[smem:$0x3FA5] =	sst s6  }
0xf: {  	[smem:$0x3FA6] =	sst s7  }
0x10: {  	[smem:$0x3FA7] =	sst s8  }
0x11: {  	[smem:$0x3FA8] =	sst s9;
	s0 =	simm.s32 @!p0 $0x0  }
0x12: {  	s1 =	sld [smem:$0x3F8E];
	s0 =	simm.s32 @p0 $0x1  }
0x13: {  	[smem:$0x3FA9] =	sst s0;
	s0 =	simm.s32 @!p1 $0x0  }
0x14: {  	s2 =	sld [smem:$0x3F8D];
	s0 =	simm.s32 @p1 $0x1  }
0x15: {  	[smem:$0x3FAA] =	sst s0;
	s0 =	simm.s32 @!p2 $0x0  }
0x16: {  	s3 =	sld [smem:$0x3FDB];
	s0 =	simm.s32 @p2 $0x1  }
0x17: {  	s4 =	simm.s32 $0x1BF5;
	[smem:$0x3FAC] =	sst s0  }
0x18: {  	s0 =	sld [smem:$0x3F8F];
	_ =	swait.ge [sflag:s4], $0x0  }
0x19: {  	s7 =	sld [smem:$0x3F90]  }
0x1a: {  	s8 =	sadd.s32 $0xFFFFE003, lr  }
0x1b: {  	s9 =	sadd.s32 $0xFFFFFEF7, lr;
	s5 =	simm.s32 $0xFFFFFFFF;
	p2 =	slt.u32 s8, $0xFFFFF086  }
0x1c: {  	p1 =	slt.u32 s9, $0xF7A;
	s5 =	simm.s32 @!p2 $0x0  }
0x1d: {  	s5 =	simm.s32 @p1 $0x1;
	p0 =	seq.s32 s7, s2  }
0x1e: {  	s7 =	smul.u32 @!p0 $0xF7A, s2;
	p2 =	seq.s32 @!p0 s5, $0x0  }
0x1f: {  	s9 =	smul.u32 $0xF7A, s1;
	s8 =	simm.s32 @!p0 $0x1BF5;
	p2 =	por !p2, p0  }
0x20: {  	[sflag:s8] =	ssyncset.s32 @!p0 $0xFFFFF086;
	s6 =	sadd.s32 @!p0 s3, s7;
	s7 =	simm.s32 @!p0 $0x108  }
0x21: {  	s3 =	sadd.s32 s3, s9;
	s6 =	sadd.s32 @!p0 $0x88, s6;
	s7 =	simm.s32 @p2 $0x1082  }
0x22: {  	[simem:s7], [sflag:s8] =	dma.local @!p0 [hbm:s6], $0xF7A  }
0x23: {  	s9 =	sor.u32 $0xD0000000, s2;
	s6 =	simm.s32 $0x108;
	_ =	swait.ge @!p0 [sflag:s8], $0x0  }
0x24: {  	s3 =	sadd.s32 $0x88, s3;
	s6 =	simm.s32 @!p1 $0x1082;
	[sflag:s4] =	ssyncset.s32 $0xFFFFF086  }
0x25: {  	[simem:s6], [sflag:s4] =	dma.local [hbm:s3], $0xF7A  }
0x26: {  	[smem:$0x3F90] =	sst s1;
	(tag) =	ssettag s2;
	_ =	strace s9  }
0x27: {  	s1 =	sld [smem:$0x3FA0]  }
0x28: {  	s2 =	sld [smem:$0x3FA1]  }
0x29: {  	s4 =	sld [smem:$0x3FA3]  }
0x2a: {  	p0 =	seq.s32 s5, $0x0;
	s5 =	sld [smem:$0x3FA4]  }
0x2b: {  	s6 =	sld [smem:$0x3FA5]  }
0x2c: {  	s7 =	sld [smem:$0x3FA6]  }
0x2d: {  	s3 =	simm.s32 $0x108;
	s8 =	sld [smem:$0x3FA7]  }
0x2e: {  	s3 =	simm.s32 @!p0 $0x1082;
	s9 =	sld [smem:$0x3FA8]  }
0x2f: {  	lr =	sadd.s32 s0, s3;
	s0 =	sld [smem:$0x3F9F]  }
0x30: {  	s3 =	sld [smem:$0x3FA2]  }
0x31: {  	[smem:$0x3FAB] =	sst s10  }
0x32: {  	s10 =	sld [smem:$0x3FA9];
	_ =	sdelay $0x3  }
0x33: {  	p0 =	seq.s32 s10, $0x1;
	s10 =	sld [smem:$0x3FAB];
	_ =	sdelay $0x3  }
0x34: {  	[smem:$0x3FAB] =	sst s10  }
0x35: {  	s10 =	sld [smem:$0x3FAA];
	_ =	sdelay $0x3  }
0x36: {  	p1 =	seq.s32 s10, $0x1;
	s10 =	sld [smem:$0x3FAB];
	_ =	sdelay $0x3  }
0x37: {  	[smem:$0x3FAB] =	sst s10  }
0x38: {  	s10 =	sld [smem:$0x3FAC]  }
0x39: {  	_ = 	snop;
	(pc) =	sbr.ind lr, $3  }
0x3a: {  	_ = 	snop  }
0x3b: {  	_ = 	snop  }
0x3c: {  	p2 =	seq.s32 s10, $0x1;
	s10 =	sld [smem:$0x3FAB]  }
0x3d: {  	_ =	shalt  }
0x3e: {  	_ =	shalt  }
0x3f: {  	_ =	shalt  }
0x40: {  	_ =	shalt  }
0x41: {  	_ =	shalt  }
0x42: {  	_ =	shalt  }
0x43: {  	_ =	shalt  }
0x44: {  	_ =	shalt  }
0x45: {  	_ =	shalt  }
0x46: {  	_ =	shalt  }
0x47: {  	_ =	shalt  }
0x48: {  	_ =	shalt  }
0x49: {  	_ =	shalt  }
0x4a: {  	_ =	shalt  }
0x4b: {  	_ =	shalt  }
0x4c: {  	_ =	shalt  }
0x4d: {  	_ =	shalt  }
0x4e: {  	_ =	shalt  }
0x4f: {  	_ =	shalt  }
0x50: {  	_ =	shalt  }
0x51: {  	_ =	shalt  }
0x52: {  	_ =	shalt  }
0x53: {  	_ =	shalt  }
0x54: {  	_ =	shalt  }
0x55: {  	_ =	shalt  }
0x56: {  	_ =	shalt  }
0x57: {  	_ =	shalt  }
0x58: {  	_ =	shalt  }
0x59: {  	_ =	shalt  }
0x5a: {  	_ =	shalt  }
0x5b: {  	_ =	shalt  }
0x5c: {  	_ =	shalt  }
0x5d: {  	_ =	shalt  }
0x5e: {  	_ =	shalt  }
0x5f: {  	_ =	shalt  }
0x60: {  	_ =	shalt  }
0x61: {  	_ =	shalt  }
0x62: {  	_ =	shalt  }
0x63: {  	_ =	shalt  }
0x64: {  	_ =	shalt  }
0x65: {  	_ =	shalt  }
0x66: {  	_ =	shalt  }
0x67: {  	_ =	shalt  }
0x68: {  	_ =	shalt  }
0x69: {  	_ =	shalt  }
0x6a: {  	_ =	shalt  }
0x6b: {  	_ =	shalt  }
0x6c: {  	_ =	shalt  }
0x6d: {  	_ =	shalt  }
0x6e: {  	_ =	shalt  }
0x6f: {  	_ =	shalt  }
0x70: {  	_ =	shalt  }
0x71: {  	_ =	shalt  }
0x72: {  	_ =	shalt  }
0x73: {  	_ =	shalt  }
0x74: {  	_ =	shalt  }
0x75: {  	_ =	shalt  }
0x76: {  	_ =	shalt  }
0x77: {  	_ =	shalt  }
0x78: {  	_ =	shalt  }
0x79: {  	_ =	shalt  }
0x7a: {  	_ =	shalt  }
0x7b: {  	_ =	shalt  }
0x7c: {  	_ =	shalt  }
0x7d: {  	_ =	shalt  }
0x7e: {  	_ =	shalt  }
0x7f: {  	_ =	shalt  }
0x80: {  	_ =	shalt  }
0x81: {  	_ =	shalt  }
0x82: {  	_ =	shalt  }
0x83: {  	_ =	shalt  }
0x84: {  	_ =	shalt  }
0x85: {  	_ =	shalt  }
0x86: {  	_ =	shalt  }
0x87: {  	_ =	shalt  }
.Lfunc_end0:
.L_simem_size_0:
called_computation.2_lowered:
.L_overlay_start_0:
0x88: {  	s2 =	sld [smem:$0x3FD9]  }
0x89: {  	s3 =	sld [smem:$0x3FFE];
	_ =	sdelay $0x1  }
0x8a: {  	s1 =	srdreg.scid  }
0x8b: {  	s0 =	sand.u32 $0x1, s1  }
0x8c: {  	s14 =	sshll.u32 s0, $0xA;
	s2 =	sadd.s32 s3, s2  }
0x8d: {  	s2 =	sadd.s32 s2, s14  }
0x8e: {  	[smem:$0x3FB7] =	sst s2  }
0x8f: {  	_ = 	snop  }
0x90: {  	s2 =	sld [smem:$0x3FD0];
	_ =	sdelay $0x2  }
0x91: {  	s15 =	simm.s32 $0xA;
	s4 =	simm.s32 $0x10  }
0x92: {  	[smem:s4], [sflag:s15] =	dma.local [hbm:s2], $0x1  }
0x93: {  	_ =	swait.eq [sflag:s15], $0x1  }
0x94: {  	[sflag:s15] =	ssyncset.done $0x0  }
0x95: {  	[sflag:s15] =	ssyncadd.s32 $0xFFFFFFFF  }
0x96: {  	s16 =	sld [smem:$0x10];
	(tm) =	ssettm $0x1  }
0x97: {  	s17 =	sld [smem:$0x3FFB];
	_ =	sdelay $0x3  }
0x98: {  	_ =	strace s17  }
0x99: {  	s3 =	sld [smem:$0x3FFC];
	_ =	sdelay $0x3  }
0x9a: {  	_ =	strace s3  }
0x9b: {  	s3 =	sld [smem:$0x3FFD];
	_ =	sdelay $0x3  }
0x9c: {  	_ =	strace s3  }
0x9d: {  	_ =	strace $0x8FFFFFFF  }
0x9e: {  	s18 =	sld [smem:$0x3FDB];
	_ =	sdelay $0x1  }
0x9f: {  	s19 =	simm.s32 $_scs_section_size  }
0xa0: {  	s5 =	simm.s32 $_size__tile_overlayer_lowered;
	s6 =	simm.s32 $_tile_overlayer_lowered  }
0xa1: {  	s22 =	simm.s32 $0x1BFF;
	s21 =	sshll.u32 s6, $0x1;
	s3 =	sadd.s32 s19, s18  }
0xa2: {  	s7 =	simm.s32 $0x0;
	s20 =	sshll.u32 s5, $0x1;
	s5 =	sadd.s32 s21, s3  }
0xa3: {  	[timem:s7], [sflag:s22] =	dma.local [hbm:s5], s20  }
0xa4: {  	_ =	swait.ge [sflag:s22], s20  }
0xa5: {  	s4 =	ssub.s32 $0x0, s20;
	[sflag:s22] =	ssyncset.done $0x0  }
0xa6: {  	[sflag:s22] =	ssyncadd.s32 s4;
	_ =	sdelay $0x1  }
0xa7: {  	s23 =	simm.s32 $0x1B8B  }
0xa8: {  	_ =	swait.ge [sflag:s23], $0x1  }
0xa9: {  	[sflag:s23] =	ssyncset.done $0x0  }
0xaa: {  	s25 =	simm.s32 $0x1B8E;
	s24 =	sld [smem:$0x3FFE];
	[sflag:s23] =	ssyncadd.s32 $0xFFFFFFFF  }
0xab: {  	s26 =	simm.s32 $execute0_lowered;
	[smem:$0x3FD2] =	sst s25  }
0xac: {  	s5 =	sshll.u32 s26, $0x1;
	_ =	strace $0x8000004C;
	[dreg:$0x1] =	wrdreg $0xFFFFFFFF  }
0xad: {  	s28 =	simm.s32 $_size_execute0_lowered;
	s3 =	sadd.s32 s3, s5;
	[dreg:$0x0] =	wrdreg $0x0  }
0xae: {  	s5 =	sshll.u32 s28, $0x1;
	[dreg:$0x2] =	wrdreg s3  }
0xaf: {  	[dreg:$0x3] =	wrdreg s5  }
0xb0: {  	[dreg:$0x4] =	wrdreg $0xC0  }
0xb1: {  	_ =	task [dreg:s7], $0x5FFFF  }
0xb2: {  	[dreg:$0x1] =	wrdreg $0xFFFFFFFF  }
0xb3: {  	[dreg:$0x0] =	wrdreg $0x60  }
0xb4: {  	[dreg:$0x2] =	wrdreg s24  }
0xb5: {  	[dreg:$0x3] =	wrdreg s16  }
0xb6: {  	[dreg:$0x4] =	wrdreg $0xA8000  }
0xb7: {  	[dreg:$0x5] =	wrdreg $0x9  }
0xb8: {  	_ =	task.clear_ibuf [dreg:s7], $0x6FFFF;
	_ =	strace $0x9000004C  }
0xb9: {  	s29 =	simm.s32 $0x9;
	_ =	strace $0x8000004E  }
0xba: {  	_ =	swait.ge [sflag:s29], $0x1  }
0xbb: {  	[sflag:s29] =	ssyncadd.s32 $0xFFFFFFFF  }
0xbc: {  	_ =	strace $0x9000004E  }
0xbd: {  	_ =	sfence  }
0xbe: {  	s30 =	sld [smem:$0x0];
	_ =	sdelay $0x2  }
0xbf: {  	s31 =	sshll.u32 s1, $0xD;
	s1 =	sshrl.u32 s1, $0x2  }
0xc0: {  	s3 =	sand.u32 $0x4000, s31;
	s1 =	sadd.s32 s1, s30  }
0xc1: {  	s0 =	sor.u32 s3, s0;
	s1 =	sshll.u32 s1, $0x11  }
0xc2: {  	s0 =	sor.u32 s1, s0  }
0xc3: {  	s0 =	sadd.s32 $0x8F2B, s0  }
0xc4: {  	[sflag:s0] =	ssyncadd.remote.s32 $0x1  }
0xc5: {  	_ =	sfence.sel $0xFFFF  }
0xc6: {  	[dreg:$0x0] =	wrdreg $0xFFFFFFFF;
	(pc) =	sbr.abs _section_cstart, $3  }
0xc7: {  	[dreg:$0x1] =	wrdreg $0xFFFFFFFF  }
0xc8: {  	_ =	task.clear_ibuf [dreg:s7], $0x2FFFF;
	_ =	strace $0x9FFFFFFF  }
0xc9: {  	(tm) =	ssettm $0x7FFFFFFF  }
tec
execute0_lowered:
.L_overlay_start_1:
0x0: {  	(tag) =	ssettag $0x1  }
0x1: {  	s6 =	rddreg [dreg:$0x0]  }
0x2: {  	s13 =	rddreg [dreg:$0x1]  }
0x3: {  	s2 =	rddreg [dreg:$0x2]  }
0x4: {  	s0 =	rddreg [dreg:$0x3];
	s4 =	srdreg.scid  }
0x5: {  	s1 =	stileid.u32;
	s3 =	simm.s32 $0x0;
	s20 =	simm.s32 $0x80  }
0x6: {  	s21 =	simm.s32 $0x2800;
	s22 =	simm.s32 $0x1;
	s5 =	smul.u32 $0x2800, s1  }
0x7: {  	s23 =	simm.s32 $0x6800;
	s24 =	simm.s32 $0x2;
	s8 =	smul.u32 $0x50000, s1  }
0x8: {  	s28 =	simm.s32 $0x2780;
	s17 =	sand.u32 $0x1, s4;
	s9 =	smul.u32 $0x3C00, s1  }
0x9: {  	[smem:$0x7FF] =	sst s3;
	s4 =	sadd.s32 $0x60000, s6;
	s29 =	smul.u32 $0x780, s1  }
0xa: {  	s14 =	sadd.s32 $0x6000, s6;
	s30 =	sshll.u32 s1, $0x6;
	s10 =	smul.u32 $0x1400, s1  }
0xb: {  	s7 =	smul.u32 $0x28000, s17;
	_ =	strace $0x8000004D;
	s25 =	ssub.s32 $0x2, s17  }
0xc: {  	p0 =	seq.s32 s17, $0x0;
	s26 =	sshrl.u32 s25, $0x1;
	s8 =	sshrl.u32 s8, $0x2  }
0xd: {  	s11 =	sshrl.u32 s9, $0x3;
	s19 =	sshrl.u32 s10, $0x3;
	s7 =	sadd.s32 s5, s7  }
0xe: {  	s5 =	sadd.s32 $0x88000, s6;
	s16 =	ssub.s32 s25, s26;
	s18 =	sadd.s32 s8, s2  }
0xf: {  	s12 =	sadd.s32 $0x280, s11;
	s8 =	sadd.s32 s14, s29;
	s31 =	sadd.s32 $0x500, s11  }
0x10: {  	s19 =	sadd.s32 $0x7800, s19;
	s25 =	simm.s32 $0x1380;
	s26 =	simm.s32 $0x2700  }
.Ltmp0:
0x11: {  	s15 =	sadd.s32 s7, s6;
	s6 =	sor.u32 $0x1C03, s30;
	(pc) =	sbr.rel .LBB2_1-.Ltmp0, $4  }
0x12: {  	s7 =	sadd.s32 s13, s29;
	s9 =	sadd.s32 s13, s12;
	s10 =	sadd.s32 s14, s12  }
0x13: {  	s11 =	sadd.s32 s13, s31;
	s12 =	sadd.s32 s14, s31;
	s13 =	sadd.s32 s13, s19  }
0x14: {  	s14 =	sadd.s32 s14, s19;
	s16 =	smax.u32 s16, $0x1;
	s17 =	sshrl.u32 s18, $0x3  }
0x15: {  	s18 =	simm.s32 $0x3;
	s19 =	simm.s32 $0x1400;
	s15 =	sadd.s32 $0x8A800, s15  }
.LBB2_11:
0x16: {  	[sflag:s18] =	ssyncadd.s32 $0xFFFFC000  }
.LBB2_12:
0x17: {  	_ =	swait.ge [sflag:s22], $0x4000  }
0x18: {  	[sflag:s22] =	ssyncset.done $0x0  }
0x19: {  	[sflag:s22] =	ssyncadd.s32 $0xFFFFC000  }
0x1a: {  	[tilespmem:s23], [sflag:$0x2] =	stream.indirect.gather [hbm4b:s4+s20], $0x80, s25, s20, $0xb8;
	[tilespmem:$0x1E800] =	vst v63  }
0x1b: {  	_ = 	snop  }
0x1c: {  	[spmem:s2] =	stream.indirect.scatter.add.f32 [tilespmem:s21], [sflag:$0x3], $0x80, s26, s20, $0xb8;
	[tilespmem:$0x1E800] =	vst v63  }
0x1d: {  	_ =	swait.ge [sflag:s18], $0x4000  }
0x1e: {  	[sflag:s18] =	ssyncset.done $0x0  }
0x1f: {  	[sflag:s18] =	ssyncadd.s32 $0xFFFFC000  }
0x20: {  	_ =	swait.ge [sflag:s24], $0x4000  }
0x21: {  	[sflag:s24] =	ssyncset.done $0x0  }
0x22: {  	[sflag:s24] =	ssyncadd.s32 $0xFFFFC000  }
0x23: {  	[spmem:s2] =	stream.indirect.scatter.add.f32 [tilespmem:s23], [sflag:$0x3], $0x80, s28, s20, $0xb8;
	[tilespmem:$0x1E800] =	vst v63  }
0x24: {  	_ =	swait.ge [sflag:s18], $0x4000  }
0x25: {  	s3 =	sadd.s32 $0x1, s3;
	[sflag:s18] =	ssyncset.done $0x0  }
0x26: {  	p1 =	sne.s32 s3, s16;
	[sflag:s18] =	ssyncadd.s32 $0xFFFFC000  }
.Ltmp1:
0x27: {  	[bflag:$0x0] =	sbarrier.arrive $0xFFFF;
	(pc) =	sbr.rel @!p1 .LBB2_13-.Ltmp1, $4  }
0x28: {  	[hbm:s15], [sflag:s6] =	dma.local [spmem:s17], $0x2800  }
0x29: {  	_ =	swait.ge [sflag:s18], $0x2800  }
0x2a: {  	[sflag:s18] =	ssyncset.done $0x0  }
0x2b: {  	[sflag:s18] =	ssyncadd.s32 $0xFFFFD800  }
.LBB2_1:
0x2c: {  	[spmem:s17], [sflag:s6] =	dma.local [hbm:s5], $0x2800  }
.Ltmp2:
0x2d: {  	_ =	swait.ge [sflag:s18], $0x2800;
	(pc) =	sbr.rel @!p0 .LBB2_2-.Ltmp2, $4  }
0x2e: {  	[sflag:s18] =	ssyncset.done $0x0  }
0x2f: {  	[sflag:s18] =	ssyncadd.s32 $0xFFFFD800  }
0x30: {  	[bflag:$0x0] =	sbarrier.arrive $0xFFFF  }
0x31: {  	s29 =	simm.s32 $0x0  }
0x32: {  	[tilespmem:s29], [sflag:$0x3] =	stream.linear.gather [hbm4b:s13+s29], $0x1400, $0x38;
	[tilespmem:$0x1E800] =	vst v63  }
0x33: {  	_ =	swait.ge [sflag:s18], $0x1400  }
0x34: {  	[sflag:s18] =	ssyncset.done $0x0  }
0x35: {  	[sflag:s18] =	ssyncadd.s32 $0xFFFFEC00  }
0x36: {  	[tilespmem:s19], [sflag:$0x3] =	stream.linear.gather [hbm4b:s14+s29], $0x1400, $0x38;
	[tilespmem:$0x1E800] =	vst v63  }
0x37: {  	_ =	swait.ge [sflag:s18], $0x1400  }
0x38: {  	[sflag:s18] =	ssyncset.done $0x0  }
0x39: {  	[sflag:s18] =	ssyncadd.s32 $0xFFFFEC00  }
0x3a: {  	[tilespmem:s21], [sflag:$0x1] =	stream.indirect.gather [hbm4b:s4+s20], $0x80, s29, s20, $0xb8;
	[tilespmem:$0x1E800] =	vst v63  }
0x3b: {  	_ =	swait.ge [sflag:s22], $0x4000  }
0x3c: {  	[sflag:s22] =	ssyncset.done $0x0  }
0x3d: {  	s29 =	simm.s32 $0x80;
	[sflag:s22] =	ssyncadd.s32 $0xFFFFC000  }
0x3e: {  	[tilespmem:s23], [sflag:$0x2] =	stream.indirect.gather [hbm4b:s4+s20], $0x80, s29, s20, $0xb8;
	[tilespmem:$0x1E800] =	vst v63  }
0x3f: {  	s29 =	simm.s32 $0x1400  }
0x40: {  	[spmem:s2] =	stream.indirect.scatter.add.f32 [tilespmem:s21], [sflag:$0x3], $0x80, s29, s20, $0xb8;
	[tilespmem:$0x1E800] =	vst v63  }
0x41: {  	_ =	swait.ge [sflag:s18], $0x4000  }
0x42: {  	[sflag:s18] =	ssyncset.done $0x0  }
0x43: {  	[sflag:s18] =	ssyncadd.s32 $0xFFFFC000  }
0x44: {  	_ =	swait.ge [sflag:s24], $0x4000  }
0x45: {  	[sflag:s24] =	ssyncset.done $0x0  }
0x46: {  	s29 =	simm.s32 $0x100;
	[sflag:s24] =	ssyncadd.s32 $0xFFFFC000  }
0x47: {  	[tilespmem:s21], [sflag:$0x1] =	stream.indirect.gather [hbm4b:s4+s20], $0x80, s29, s20, $0xb8;
	[tilespmem:$0x1E800] =	vst v63  }
0x48: {  	s29 =	simm.s32 $0x1480  }
0x49: {  	[spmem:s2] =	stream.indirect.scatter.add.f32 [tilespmem:s23], [sflag:$0x3], $0x80, s29, s20, $0xb8;
	[tilespmem:$0x1E800] =	vst v63  }
0x4a: {  	_ =	swait.ge [sflag:s18], $0x4000  }
0x4b: {  	s29 =	simm.s32 $0x400;
	[sflag:s18] =	ssyncset.done $0x0  }
.LBB2_10:
0x4c: {  	p1 =	sne.s32 s29, $0x4800  }
0x4d: {  	[sflag:s18] =	ssyncadd.s32 $0xFFFFC000;
	s30 =	smov.u32 s29;
	s29 =	sadd.s32 $0x400, s29  }
0x4e: {  	_ = 	snop  }
0x4f: {  	_ =	swait.ge [sflag:s22], $0x4000  }
0x50: {  	s30 =	sshra.s32 s30, $0x2;
	[sflag:s22] =	ssyncset.done $0x0  }
0x51: {  	s31 =	sadd.s32 $0x80, s30;
	[sflag:s22] =	ssyncadd.s32 $0xFFFFC000  }
0x52: {  	[tilespmem:s23], [sflag:$0x2] =	stream.indirect.gather [hbm4b:s4+s20], $0x80, s31, s20, $0xb8;
	[tilespmem:$0x1E800] =	vst v63  }
0x53: {  	s31 =	sadd.s32 $0x1400, s30  }
0x54: {  	[spmem:s2] =	stream.indirect.scatter.add.f32 [tilespmem:s21], [sflag:$0x3], $0x80, s31, s20, $0xb8;
	[tilespmem:$0x1E800] =	vst v63  }
0x55: {  	_ =	swait.ge [sflag:s18], $0x4000  }
0x56: {  	[sflag:s18] =	ssyncset.done $0x0  }
0x57: {  	[sflag:s18] =	ssyncadd.s32 $0xFFFFC000  }
0x58: {  	_ =	swait.ge [sflag:s24], $0x4000  }
0x59: {  	[sflag:s24] =	ssyncset.done $0x0  }
0x5a: {  	s31 =	sadd.s32 $0x100, s30;
	[sflag:s24] =	ssyncadd.s32 $0xFFFFC000  }
0x5b: {  	[tilespmem:s21], [sflag:$0x1] =	stream.indirect.gather [hbm4b:s4+s20], $0x80, s31, s20, $0xb8;
	[tilespmem:$0x1E800] =	vst v63  }
.Ltmp3:
0x5c: {  	_ = 	snop;
	(pc) =	sbr.rel @p1 .LBB2_10-.Ltmp3, $4  }
0x5d: {  	s30 =	sadd.s32 $0x1480, s30  }
0x5e: {  	[spmem:s2] =	stream.indirect.scatter.add.f32 [tilespmem:s23], [sflag:$0x3], $0x80, s30, s20, $0xb8;
	[tilespmem:$0x1E800] =	vst v63  }
0x5f: {  	_ =	swait.ge [sflag:s18], $0x4000  }
0x60: {  	[sflag:s18] =	ssyncset.done $0x0  }
.Ltmp4:
0x61: {  	_ = 	snop;
	(pc) =	sbr.rel .LBB2_11-.Ltmp4, $1  }
0x62: {  	_ =	sdelay $0x3  }
.LBB2_2:
0x63: {  	[tilespmem:s29], [sflag:$0x3] =	stream.linear.gather [hbm4b:s7+s29], $0x1400, $0x38;
	[tilespmem:$0x1E800] =	vst v63  }
0x64: {  	_ =	swait.ge [sflag:s18], $0x1400  }
0x65: {  	[sflag:s18] =	ssyncset.done $0x0  }
0x66: {  	[sflag:s18] =	ssyncadd.s32 $0xFFFFEC00  }
0x67: {  	[tilespmem:s19], [sflag:$0x3] =	stream.linear.gather [hbm4b:s8+s29], $0x1400, $0x38;
	[tilespmem:$0x1E800] =	vst v63  }
0x68: {  	_ =	swait.ge [sflag:s18], $0x1400  }
0x69: {  	[sflag:s18] =	ssyncset.done $0x0  }
0x6a: {  	[sflag:s18] =	ssyncadd.s32 $0xFFFFEC00  }
0x6b: {  	[tilespmem:s21], [sflag:$0x1] =	stream.indirect.gather [hbm4b:s4+s20], $0x80, s29, s20, $0xb8;
	[tilespmem:$0x1E800] =	vst v63  }
0x6c: {  	_ =	swait.ge [sflag:s22], $0x4000  }
0x6d: {  	[sflag:s22] =	ssyncset.done $0x0  }
0x6e: {  	s29 =	simm.s32 $0x80;
	[sflag:s22] =	ssyncadd.s32 $0xFFFFC000  }
0x6f: {  	[tilespmem:s23], [sflag:$0x2] =	stream.indirect.gather [hbm4b:s4+s20], $0x80, s29, s20, $0xb8;
	[tilespmem:$0x1E800] =	vst v63  }
0x70: {  	s29 =	simm.s32 $0x1400  }
0x71: {  	[spmem:s2] =	stream.indirect.scatter.add.f32 [tilespmem:s21], [sflag:$0x3], $0x80, s29, s20, $0xb8;
	[tilespmem:$0x1E800] =	vst v63  }
0x72: {  	_ =	swait.ge [sflag:s18], $0x4000  }
0x73: {  	[sflag:s18] =	ssyncset.done $0x0  }
0x74: {  	[sflag:s18] =	ssyncadd.s32 $0xFFFFC000  }
0x75: {  	_ =	swait.ge [sflag:s24], $0x4000  }
0x76: {  	[sflag:s24] =	ssyncset.done $0x0  }
0x77: {  	s29 =	simm.s32 $0x100;
	[sflag:s24] =	ssyncadd.s32 $0xFFFFC000  }
0x78: {  	[tilespmem:s21], [sflag:$0x1] =	stream.indirect.gather [hbm4b:s4+s20], $0x80, s29, s20, $0xb8;
	[tilespmem:$0x1E800] =	vst v63  }
0x79: {  	s29 =	simm.s32 $0x1480  }
0x7a: {  	[spmem:s2] =	stream.indirect.scatter.add.f32 [tilespmem:s23], [sflag:$0x3], $0x80, s29, s20, $0xb8;
	[tilespmem:$0x1E800] =	vst v63  }
0x7b: {  	_ =	swait.ge [sflag:s18], $0x4000  }
0x7c: {  	s29 =	simm.s32 $0x400;
	[sflag:s18] =	ssyncset.done $0x0  }
.LBB2_3:
0x7d: {  	p1 =	sne.s32 s29, $0x4800  }
0x7e: {  	[sflag:s18] =	ssyncadd.s32 $0xFFFFC000;
	s30 =	smov.u32 s29;
	s29 =	sadd.s32 $0x400, s29  }
0x7f: {  	_ = 	snop  }
0x80: {  	_ =	swait.ge [sflag:s22], $0x4000  }
0x81: {  	s30 =	sshra.s32 s30, $0x2;
	[sflag:s22] =	ssyncset.done $0x0  }
0x82: {  	s31 =	sadd.s32 $0x80, s30;
	[sflag:s22] =	ssyncadd.s32 $0xFFFFC000  }
0x83: {  	[tilespmem:s23], [sflag:$0x2] =	stream.indirect.gather [hbm4b:s4+s20], $0x80, s31, s20, $0xb8;
	[tilespmem:$0x1E800] =	vst v63  }
0x84: {  	s31 =	sadd.s32 $0x1400, s30  }
0x85: {  	[spmem:s2] =	stream.indirect.scatter.add.f32 [tilespmem:s21], [sflag:$0x3], $0x80, s31, s20, $0xb8;
	[tilespmem:$0x1E800] =	vst v63  }
0x86: {  	_ =	swait.ge [sflag:s18], $0x4000  }
0x87: {  	[sflag:s18] =	ssyncset.done $0x0  }
0x88: {  	[sflag:s18] =	ssyncadd.s32 $0xFFFFC000  }
0x89: {  	_ =	swait.ge [sflag:s24], $0x4000  }
0x8a: {  	[sflag:s24] =	ssyncset.done $0x0  }
0x8b: {  	s31 =	sadd.s32 $0x100, s30;
	[sflag:s24] =	ssyncadd.s32 $0xFFFFC000  }
0x8c: {  	[tilespmem:s21], [sflag:$0x1] =	stream.indirect.gather [hbm4b:s4+s20], $0x80, s31, s20, $0xb8;
	[tilespmem:$0x1E800] =	vst v63  }
.Ltmp5:
0x8d: {  	_ = 	snop;
	(pc) =	sbr.rel @p1 .LBB2_3-.Ltmp5, $4  }
0x8e: {  	s30 =	sadd.s32 $0x1480, s30  }
0x8f: {  	[spmem:s2] =	stream.indirect.scatter.add.f32 [tilespmem:s23], [sflag:$0x3], $0x80, s30, s20, $0xb8;
	[tilespmem:$0x1E800] =	vst v63  }
0x90: {  	_ =	swait.ge [sflag:s18], $0x4000  }
0x91: {  	[sflag:s18] =	ssyncset.done $0x0  }
0x92: {  	[sflag:s18] =	ssyncadd.s32 $0xFFFFC000  }
0x93: {  	_ =	swait.ge [sflag:s22], $0x4000  }
0x94: {  	[sflag:s22] =	ssyncset.done $0x0  }
0x95: {  	[sflag:s22] =	ssyncadd.s32 $0xFFFFC000  }
0x96: {  	[tilespmem:s23], [sflag:$0x2] =	stream.indirect.gather [hbm4b:s4+s20], $0x80, s25, s20, $0xb8;
	[tilespmem:$0x1E800] =	vst v63  }
0x97: {  	_ = 	snop  }
0x98: {  	[spmem:s2] =	stream.indirect.scatter.add.f32 [tilespmem:s21], [sflag:$0x3], $0x80, s26, s20, $0xb8;
	[tilespmem:$0x1E800] =	vst v63  }
0x99: {  	_ =	swait.ge [sflag:s18], $0x4000  }
0x9a: {  	[sflag:s18] =	ssyncset.done $0x0  }
0x9b: {  	[sflag:s18] =	ssyncadd.s32 $0xFFFFC000  }
0x9c: {  	_ =	swait.ge [sflag:s24], $0x4000  }
0x9d: {  	[sflag:s24] =	ssyncset.done $0x0  }
0x9e: {  	[sflag:s24] =	ssyncadd.s32 $0xFFFFC000  }
0x9f: {  	[spmem:s2] =	stream.indirect.scatter.add.f32 [tilespmem:s23], [sflag:$0x3], $0x80, s28, s20, $0xb8;
	[tilespmem:$0x1E800] =	vst v63  }
0xa0: {  	_ =	swait.ge [sflag:s18], $0x4000  }
0xa1: {  	[sflag:s18] =	ssyncset.done $0x0  }
0xa2: {  	s29 =	simm.s32 $0x0;
	[sflag:s18] =	ssyncadd.s32 $0xFFFFC000  }
0xa3: {  	[tilespmem:s29], [sflag:$0x3] =	stream.linear.gather [hbm4b:s9+s29], $0x1400, $0x38;
	[tilespmem:$0x1E800] =	vst v63  }
0xa4: {  	_ =	swait.ge [sflag:s18], $0x1400  }
0xa5: {  	[sflag:s18] =	ssyncset.done $0x0  }
0xa6: {  	[sflag:s18] =	ssyncadd.s32 $0xFFFFEC00  }
0xa7: {  	[tilespmem:s19], [sflag:$0x3] =	stream.linear.gather [hbm4b:s10+s29], $0x1400, $0x38;
	[tilespmem:$0x1E800] =	vst v63  }
0xa8: {  	_ =	swait.ge [sflag:s18], $0x1400  }
0xa9: {  	[sflag:s18] =	ssyncset.done $0x0  }
0xaa: {  	[sflag:s18] =	ssyncadd.s32 $0xFFFFEC00  }
0xab: {  	[tilespmem:s21], [sflag:$0x1] =	stream.indirect.gather [hbm4b:s4+s20], $0x80, s29, s20, $0xb8;
	[tilespmem:$0x1E800] =	vst v63  }
0xac: {  	_ =	swait.ge [sflag:s22], $0x4000  }
0xad: {  	[sflag:s22] =	ssyncset.done $0x0  }
0xae: {  	s29 =	simm.s32 $0x80;
	[sflag:s22] =	ssyncadd.s32 $0xFFFFC000  }
0xaf: {  	[tilespmem:s23], [sflag:$0x2] =	stream.indirect.gather [hbm4b:s4+s20], $0x80, s29, s20, $0xb8;
	[tilespmem:$0x1E800] =	vst v63  }
0xb0: {  	s29 =	simm.s32 $0x1400  }
0xb1: {  	[spmem:s2] =	stream.indirect.scatter.add.f32 [tilespmem:s21], [sflag:$0x3], $0x80, s29, s20, $0xb8;
	[tilespmem:$0x1E800] =	vst v63  }
0xb2: {  	_ =	swait.ge [sflag:s18], $0x4000  }
0xb3: {  	[sflag:s18] =	ssyncset.done $0x0  }
0xb4: {  	[sflag:s18] =	ssyncadd.s32 $0xFFFFC000  }
0xb5: {  	_ =	swait.ge [sflag:s24], $0x4000  }
0xb6: {  	[sflag:s24] =	ssyncset.done $0x0  }
0xb7: {  	s29 =	simm.s32 $0x100;
	[sflag:s24] =	ssyncadd.s32 $0xFFFFC000  }
0xb8: {  	[tilespmem:s21], [sflag:$0x1] =	stream.indirect.gather [hbm4b:s4+s20], $0x80, s29, s20, $0xb8;
	[tilespmem:$0x1E800] =	vst v63  }
0xb9: {  	s29 =	simm.s32 $0x1480  }
0xba: {  	[spmem:s2] =	stream.indirect.scatter.add.f32 [tilespmem:s23], [sflag:$0x3], $0x80, s29, s20, $0xb8;
	[tilespmem:$0x1E800] =	vst v63  }
0xbb: {  	_ =	swait.ge [sflag:s18], $0x4000  }
0xbc: {  	s29 =	simm.s32 $0x400;
	[sflag:s18] =	ssyncset.done $0x0  }
.LBB2_5:
0xbd: {  	p1 =	sne.s32 s29, $0x4800  }
0xbe: {  	[sflag:s18] =	ssyncadd.s32 $0xFFFFC000;
	s30 =	smov.u32 s29;
	s29 =	sadd.s32 $0x400, s29  }
0xbf: {  	_ = 	snop  }
0xc0: {  	_ =	swait.ge [sflag:s22], $0x4000  }
0xc1: {  	s30 =	sshra.s32 s30, $0x2;
	[sflag:s22] =	ssyncset.done $0x0  }
0xc2: {  	s31 =	sadd.s32 $0x80, s30;
	[sflag:s22] =	ssyncadd.s32 $0xFFFFC000  }
0xc3: {  	[tilespmem:s23], [sflag:$0x2] =	stream.indirect.gather [hbm4b:s4+s20], $0x80, s31, s20, $0xb8;
	[tilespmem:$0x1E800] =	vst v63  }
0xc4: {  	s31 =	sadd.s32 $0x1400, s30  }
0xc5: {  	[spmem:s2] =	stream.indirect.scatter.add.f32 [tilespmem:s21], [sflag:$0x3], $0x80, s31, s20, $0xb8;
	[tilespmem:$0x1E800] =	vst v63  }
0xc6: {  	_ =	swait.ge [sflag:s18], $0x4000  }
0xc7: {  	[sflag:s18] =	ssyncset.done $0x0  }
0xc8: {  	[sflag:s18] =	ssyncadd.s32 $0xFFFFC000  }
0xc9: {  	_ =	swait.ge [sflag:s24], $0x4000  }
0xca: {  	[sflag:s24] =	ssyncset.done $0x0  }
0xcb: {  	s31 =	sadd.s32 $0x100, s30;
	[sflag:s24] =	ssyncadd.s32 $0xFFFFC000  }
0xcc: {  	[tilespmem:s21], [sflag:$0x1] =	stream.indirect.gather [hbm4b:s4+s20], $0x80, s31, s20, $0xb8;
	[tilespmem:$0x1E800] =	vst v63  }
.Ltmp6:
0xcd: {  	_ = 	snop;
	(pc) =	sbr.rel @p1 .LBB2_5-.Ltmp6, $4  }
0xce: {  	s30 =	sadd.s32 $0x1480, s30  }
0xcf: {  	[spmem:s2] =	stream.indirect.scatter.add.f32 [tilespmem:s23], [sflag:$0x3], $0x80, s30, s20, $0xb8;
	[tilespmem:$0x1E800] =	vst v63  }
0xd0: {  	_ =	swait.ge [sflag:s18], $0x4000  }
0xd1: {  	[sflag:s18] =	ssyncset.done $0x0  }
0xd2: {  	[sflag:s18] =	ssyncadd.s32 $0xFFFFC000  }
0xd3: {  	_ =	swait.ge [sflag:s22], $0x4000  }
0xd4: {  	[sflag:s22] =	ssyncset.done $0x0  }
0xd5: {  	[sflag:s22] =	ssyncadd.s32 $0xFFFFC000  }
0xd6: {  	[tilespmem:s23], [sflag:$0x2] =	stream.indirect.gather [hbm4b:s4+s20], $0x80, s25, s20, $0xb8;
	[tilespmem:$0x1E800] =	vst v63  }
0xd7: {  	_ = 	snop  }
0xd8: {  	[spmem:s2] =	stream.indirect.scatter.add.f32 [tilespmem:s21], [sflag:$0x3], $0x80, s26, s20, $0xb8;
	[tilespmem:$0x1E800] =	vst v63  }
0xd9: {  	_ =	swait.ge [sflag:s18], $0x4000  }
0xda: {  	[sflag:s18] =	ssyncset.done $0x0  }
0xdb: {  	[sflag:s18] =	ssyncadd.s32 $0xFFFFC000  }
0xdc: {  	_ =	swait.ge [sflag:s24], $0x4000  }
0xdd: {  	[sflag:s24] =	ssyncset.done $0x0  }
0xde: {  	[sflag:s24] =	ssyncadd.s32 $0xFFFFC000  }
0xdf: {  	[spmem:s2] =	stream.indirect.scatter.add.f32 [tilespmem:s23], [sflag:$0x3], $0x80, s28, s20, $0xb8;
	[tilespmem:$0x1E800] =	vst v63  }
0xe0: {  	_ =	swait.ge [sflag:s18], $0x4000  }
0xe1: {  	[sflag:s18] =	ssyncset.done $0x0  }
0xe2: {  	s29 =	simm.s32 $0x0;
	[sflag:s18] =	ssyncadd.s32 $0xFFFFC000  }
0xe3: {  	[tilespmem:s29], [sflag:$0x3] =	stream.linear.gather [hbm4b:s11+s29], $0x1400, $0x38;
	[tilespmem:$0x1E800] =	vst v63  }
0xe4: {  	_ =	swait.ge [sflag:s18], $0x1400  }
0xe5: {  	[sflag:s18] =	ssyncset.done $0x0  }
0xe6: {  	[sflag:s18] =	ssyncadd.s32 $0xFFFFEC00  }
0xe7: {  	[tilespmem:s19], [sflag:$0x3] =	stream.linear.gather [hbm4b:s12+s29], $0x1400, $0x38;
	[tilespmem:$0x1E800] =	vst v63  }
0xe8: {  	_ =	swait.ge [sflag:s18], $0x1400  }
0xe9: {  	[sflag:s18] =	ssyncset.done $0x0  }
0xea: {  	[sflag:s18] =	ssyncadd.s32 $0xFFFFEC00  }
0xeb: {  	[tilespmem:s21], [sflag:$0x1] =	stream.indirect.gather [hbm4b:s4+s20], $0x80, s29, s20, $0xb8;
	[tilespmem:$0x1E800] =	vst v63  }
0xec: {  	_ =	swait.ge [sflag:s22], $0x4000  }
0xed: {  	[sflag:s22] =	ssyncset.done $0x0  }
0xee: {  	s29 =	simm.s32 $0x80;
	[sflag:s22] =	ssyncadd.s32 $0xFFFFC000  }
0xef: {  	[tilespmem:s23], [sflag:$0x2] =	stream.indirect.gather [hbm4b:s4+s20], $0x80, s29, s20, $0xb8;
	[tilespmem:$0x1E800] =	vst v63  }
0xf0: {  	s29 =	simm.s32 $0x1400  }
0xf1: {  	[spmem:s2] =	stream.indirect.scatter.add.f32 [tilespmem:s21], [sflag:$0x3], $0x80, s29, s20, $0xb8;
	[tilespmem:$0x1E800] =	vst v63  }
0xf2: {  	_ =	swait.ge [sflag:s18], $0x4000  }
0xf3: {  	[sflag:s18] =	ssyncset.done $0x0  }
0xf4: {  	[sflag:s18] =	ssyncadd.s32 $0xFFFFC000  }
0xf5: {  	_ =	swait.ge [sflag:s24], $0x4000  }
0xf6: {  	[sflag:s24] =	ssyncset.done $0x0  }
0xf7: {  	s29 =	simm.s32 $0x100;
	[sflag:s24] =	ssyncadd.s32 $0xFFFFC000  }
0xf8: {  	[tilespmem:s21], [sflag:$0x1] =	stream.indirect.gather [hbm4b:s4+s20], $0x80, s29, s20, $0xb8;
	[tilespmem:$0x1E800] =	vst v63  }
0xf9: {  	s29 =	simm.s32 $0x1480  }
0xfa: {  	[spmem:s2] =	stream.indirect.scatter.add.f32 [tilespmem:s23], [sflag:$0x3], $0x80, s29, s20, $0xb8;
	[tilespmem:$0x1E800] =	vst v63  }
0xfb: {  	_ =	swait.ge [sflag:s18], $0x4000  }
0xfc: {  	s29 =	simm.s32 $0x400;
	[sflag:s18] =	ssyncset.done $0x0  }
.LBB2_7:
0xfd: {  	p1 =	seq.s32 s29, $0x4800  }
0xfe: {  	[sflag:s18] =	ssyncadd.s32 $0xFFFFC000;
	s30 =	smov.u32 s29;
	s29 =	sadd.s32 $0x400, s29  }
0xff: {  	_ = 	snop  }
0x100: {  	_ =	swait.ge [sflag:s22], $0x4000  }
0x101: {  	s30 =	sshra.s32 s30, $0x2;
	[sflag:s22] =	ssyncset.done $0x0  }
0x102: {  	s31 =	sadd.s32 $0x80, s30;
	[sflag:s22] =	ssyncadd.s32 $0xFFFFC000  }
0x103: {  	[tilespmem:s23], [sflag:$0x2] =	stream.indirect.gather [hbm4b:s4+s20], $0x80, s31, s20, $0xb8;
	[tilespmem:$0x1E800] =	vst v63  }
0x104: {  	s31 =	sadd.s32 $0x1400, s30  }
0x105: {  	[spmem:s2] =	stream.indirect.scatter.add.f32 [tilespmem:s21], [sflag:$0x3], $0x80, s31, s20, $0xb8;
	[tilespmem:$0x1E800] =	vst v63  }
0x106: {  	_ =	swait.ge [sflag:s18], $0x4000  }
0x107: {  	[sflag:s18] =	ssyncset.done $0x0  }
0x108: {  	[sflag:s18] =	ssyncadd.s32 $0xFFFFC000  }
0x109: {  	_ =	swait.ge [sflag:s24], $0x4000  }
0x10a: {  	[sflag:s24] =	ssyncset.done $0x0  }
0x10b: {  	s31 =	sadd.s32 $0x100, s30;
	[sflag:s24] =	ssyncadd.s32 $0xFFFFC000  }
0x10c: {  	[tilespmem:s21], [sflag:$0x1] =	stream.indirect.gather [hbm4b:s4+s20], $0x80, s31, s20, $0xb8;
	[tilespmem:$0x1E800] =	vst v63  }
.Ltmp7:
0x10d: {  	_ = 	snop;
	(pc) =	sbr.rel @!p1 .LBB2_7-.Ltmp7, $4  }
0x10e: {  	s30 =	sadd.s32 $0x1480, s30  }
0x10f: {  	[spmem:s2] =	stream.indirect.scatter.add.f32 [tilespmem:s23], [sflag:$0x3], $0x80, s30, s20, $0xb8;
	[tilespmem:$0x1E800] =	vst v63  }
0x110: {  	_ =	swait.ge [sflag:s18], $0x4000  }
0x111: {  	[sflag:s18] =	ssyncset.done $0x0  }
.Ltmp8:
0x112: {  	(pc) =	sbr.rel .LBB2_12-.Ltmp8, $2  }
0x113: {  	_ =	sdelay $0x2  }
0x114: {  	[sflag:s18] =	ssyncadd.s32 $0xFFFFC000  }
.LBB2_13:
0x115: {  	_ =	sfence.sel $0x180000  }
0x116: {  	[bflag:$0x0] =	sbarrier.arrive $0xFFFF  }
0x117: {  	p0 =	sne.s32 s1, $0x0;
	_ =	strace $0x9000004D  }
0x118: {  	s0 =	sadd.s32 @!p0 $0x100000, s0;
	[bflag:$0x2] =	sbarrier.arrive $0xFFFF  }
0x119: {  	[sflag:s0] =	ssyncadd.tile.s32 @!p0 $0x1;
	_ =	shalt  }
.Lfunc_end2:
_tile_overlayer_lowered:
.L_overlay_start_2:
0x11a: {  	(tag) =	ssettag $0x2  }
0x11b: {  	s0 =	rddreg [dreg:$0x0];
	s2 =	stileid.u32  }
0x11c: {  	s1 =	rddreg [dreg:$0x1];
	p0 =	sne.s32 s2, $0x0  }
0x11d: {  	s3 =	rddreg [dreg:$0x2];
	[bflag:$0x3] =	sbarrier.arrive $0xFFFF;
	s2 =	simm.s32 @!p0 $0x1C03  }
0x11e: {  	[timem:s3], [sflag:s2] =	dma.local @!p0 [hbm:s0], s1  }
0x11f: {  	s0 =	simm.s32 @!p0 $0x3  }
0x120: {  	_ =	swait.ge @!p0 [sflag:s0], s1  }
0x121: {  	s1 =	ssub.s32 @!p0 $0x0, s1;
	[sflag:s0] =	ssyncset.done @!p0 $0x0  }
0x122: {  	[sflag:s0] =	ssyncadd.s32 @!p0 s1  }
0x123: {  	[bflag:$0x3] =	sbarrier.arrive $0xFFFF  }
0x124: {  	_ =	shalt  }

// kernel: kernel.19.cloned.1.call-start
scs
__scs_entry_jumppad:
0x0: {  	(pc) =	sbr.rel $0x88, $3  }
0x1: {  	(tag) =	ssettag $0x0;
	lr =	simm.s32 $0x1  }
0x2: {  	[smem:$0x3F90] =	sst lr;
	_ =	strace $0xD0000000  }
0x3: {  	_ = 	snop  }
0x4: {  	_ = 	snop  }
0x5: {  	_ = 	snop  }
0x6: {  	_ = 	snop  }
0x7: {  	_ = 	snop  }
__scs_overlays_trampoline_lowered:
0x8: {  	[smem:$0x3F9F] =	sst s0  }
0x9: {  	[smem:$0x3FA0] =	sst s1  }
0xa: {  	[smem:$0x3FA1] =	sst s2  }
0xb: {  	[smem:$0x3FA2] =	sst s3  }
0xc: {  	[smem:$0x3FA3] =	sst s4  }
0xd: {  	[smem:$0x3FA4] =	sst s5  }
0xe: {  	[smem:$0x3FA5] =	sst s6  }
0xf: {  	[smem:$0x3FA6] =	sst s7  }
0x10: {  	[smem:$0x3FA7] =	sst s8  }
0x11: {  	[smem:$0x3FA8] =	sst s9;
	s0 =	simm.s32 @!p0 $0x0  }
0x12: {  	s1 =	sld [smem:$0x3F8E];
	s0 =	simm.s32 @p0 $0x1  }
0x13: {  	[smem:$0x3FA9] =	sst s0;
	s0 =	simm.s32 @!p1 $0x0  }
0x14: {  	s2 =	sld [smem:$0x3F8D];
	s0 =	simm.s32 @p1 $0x1  }
0x15: {  	[smem:$0x3FAA] =	sst s0;
	s0 =	simm.s32 @!p2 $0x0  }
0x16: {  	s3 =	sld [smem:$0x3FDB];
	s0 =	simm.s32 @p2 $0x1  }
0x17: {  	s4 =	simm.s32 $0x1BF5;
	[smem:$0x3FAC] =	sst s0  }
0x18: {  	s0 =	sld [smem:$0x3F8F];
	_ =	swait.ge [sflag:s4], $0x0  }
0x19: {  	s7 =	sld [smem:$0x3F90]  }
0x1a: {  	s8 =	sadd.s32 $0xFFFFE003, lr  }
0x1b: {  	s9 =	sadd.s32 $0xFFFFFEF7, lr;
	s5 =	simm.s32 $0xFFFFFFFF;
	p2 =	slt.u32 s8, $0xFFFFF086  }
0x1c: {  	p1 =	slt.u32 s9, $0xF7A;
	s5 =	simm.s32 @!p2 $0x0  }
0x1d: {  	s5 =	simm.s32 @p1 $0x1;
	p0 =	seq.s32 s7, s2  }
0x1e: {  	s7 =	smul.u32 @!p0 $0xF7A, s2;
	p2 =	seq.s32 @!p0 s5, $0x0  }
0x1f: {  	s9 =	smul.u32 $0xF7A, s1;
	s8 =	simm.s32 @!p0 $0x1BF5;
	p2 =	por !p2, p0  }
0x20: {  	[sflag:s8] =	ssyncset.s32 @!p0 $0xFFFFF086;
	s6 =	sadd.s32 @!p0 s3, s7;
	s7 =	simm.s32 @!p0 $0x108  }
0x21: {  	s3 =	sadd.s32 s3, s9;
	s6 =	sadd.s32 @!p0 $0x88, s6;
	s7 =	simm.s32 @p2 $0x1082  }
0x22: {  	[simem:s7], [sflag:s8] =	dma.local @!p0 [hbm:s6], $0xF7A  }
0x23: {  	s9 =	sor.u32 $0xD0000000, s2;
	s6 =	simm.s32 $0x108;
	_ =	swait.ge @!p0 [sflag:s8], $0x0  }
0x24: {  	s3 =	sadd.s32 $0x88, s3;
	s6 =	simm.s32 @!p1 $0x1082;
	[sflag:s4] =	ssyncset.s32 $0xFFFFF086  }
0x25: {  	[simem:s6], [sflag:s4] =	dma.local [hbm:s3], $0xF7A  }
0x26: {  	[smem:$0x3F90] =	sst s1;
	(tag) =	ssettag s2;
	_ =	strace s9  }
0x27: {  	s1 =	sld [smem:$0x3FA0]  }
0x28: {  	s2 =	sld [smem:$0x3FA1]  }
0x29: {  	s4 =	sld [smem:$0x3FA3]  }
0x2a: {  	p0 =	seq.s32 s5, $0x0;
	s5 =	sld [smem:$0x3FA4]  }
0x2b: {  	s6 =	sld [smem:$0x3FA5]  }
0x2c: {  	s7 =	sld [smem:$0x3FA6]  }
0x2d: {  	s3 =	simm.s32 $0x108;
	s8 =	sld [smem:$0x3FA7]  }
0x2e: {  	s3 =	simm.s32 @!p0 $0x1082;
	s9 =	sld [smem:$0x3FA8]  }
0x2f: {  	lr =	sadd.s32 s0, s3;
	s0 =	sld [smem:$0x3F9F]  }
0x30: {  	s3 =	sld [smem:$0x3FA2]  }
0x31: {  	[smem:$0x3FAB] =	sst s10  }
0x32: {  	s10 =	sld [smem:$0x3FA9];
	_ =	sdelay $0x3  }
0x33: {  	p0 =	seq.s32 s10, $0x1;
	s10 =	sld [smem:$0x3FAB];
	_ =	sdelay $0x3  }
0x34: {  	[smem:$0x3FAB] =	sst s10  }
0x35: {  	s10 =	sld [smem:$0x3FAA];
	_ =	sdelay $0x3  }
0x36: {  	p1 =	seq.s32 s10, $0x1;
	s10 =	sld [smem:$0x3FAB];
	_ =	sdelay $0x3  }
0x37: {  	[smem:$0x3FAB] =	sst s10  }
0x38: {  	s10 =	sld [smem:$0x3FAC]  }
0x39: {  	_ = 	snop;
	(pc) =	sbr.ind lr, $3  }
0x3a: {  	_ = 	snop  }
0x3b: {  	_ = 	snop  }
0x3c: {  	p2 =	seq.s32 s10, $0x1;
	s10 =	sld [smem:$0x3FAB]  }
0x3d: {  	_ =	shalt  }
0x3e: {  	_ =	shalt  }
0x3f: {  	_ =	shalt  }
0x40: {  	_ =	shalt  }
0x41: {  	_ =	shalt  }
0x42: {  	_ =	shalt  }
0x43: {  	_ =	shalt  }
0x44: {  	_ =	shalt  }
0x45: {  	_ =	shalt  }
0x46: {  	_ =	shalt  }
0x47: {  	_ =	shalt  }
0x48: {  	_ =	shalt  }
0x49: {  	_ =	shalt  }
0x4a: {  	_ =	shalt  }
0x4b: {  	_ =	shalt  }
0x4c: {  	_ =	shalt  }
0x4d: {  	_ =	shalt  }
0x4e: {  	_ =	shalt  }
0x4f: {  	_ =	shalt  }
0x50: {  	_ =	shalt  }
0x51: {  	_ =	shalt  }
0x52: {  	_ =	shalt  }
0x53: {  	_ =	shalt  }
0x54: {  	_ =	shalt  }
0x55: {  	_ =	shalt  }
0x56: {  	_ =	shalt  }
0x57: {  	_ =	shalt  }
0x58: {  	_ =	shalt  }
0x59: {  	_ =	shalt  }
0x5a: {  	_ =	shalt  }
0x5b: {  	_ =	shalt  }
0x5c: {  	_ =	shalt  }
0x5d: {  	_ =	shalt  }
0x5e: {  	_ =	shalt  }
0x5f: {  	_ =	shalt  }
0x60: {  	_ =	shalt  }
0x61: {  	_ =	shalt  }
0x62: {  	_ =	shalt  }
0x63: {  	_ =	shalt  }
0x64: {  	_ =	shalt  }
0x65: {  	_ =	shalt  }
0x66: {  	_ =	shalt  }
0x67: {  	_ =	shalt  }
0x68: {  	_ =	shalt  }
0x69: {  	_ =	shalt  }
0x6a: {  	_ =	shalt  }
0x6b: {  	_ =	shalt  }
0x6c: {  	_ =	shalt  }
0x6d: {  	_ =	shalt  }
0x6e: {  	_ =	shalt  }
0x6f: {  	_ =	shalt  }
0x70: {  	_ =	shalt  }
0x71: {  	_ =	shalt  }
0x72: {  	_ =	shalt  }
0x73: {  	_ =	shalt  }
0x74: {  	_ =	shalt  }
0x75: {  	_ =	shalt  }
0x76: {  	_ =	shalt  }
0x77: {  	_ =	shalt  }
0x78: {  	_ =	shalt  }
0x79: {  	_ =	shalt  }
0x7a: {  	_ =	shalt  }
0x7b: {  	_ =	shalt  }
0x7c: {  	_ =	shalt  }
0x7d: {  	_ =	shalt  }
0x7e: {  	_ =	shalt  }
0x7f: {  	_ =	shalt  }
0x80: {  	_ =	shalt  }
0x81: {  	_ =	shalt  }
0x82: {  	_ =	shalt  }
0x83: {  	_ =	shalt  }
0x84: {  	_ =	shalt  }
0x85: {  	_ =	shalt  }
0x86: {  	_ =	shalt  }
0x87: {  	_ =	shalt  }
.Lfunc_end0:
.L_simem_size_0:
called_computation.3_lowered:
.L_overlay_start_0:
0x88: {  	s2 =	sld [smem:$0x3FD9]  }
0x89: {  	s3 =	sld [smem:$0x3FFE];
	_ =	sdelay $0x1  }
0x8a: {  	s1 =	srdreg.scid  }
0x8b: {  	s0 =	sand.u32 $0x1, s1  }
0x8c: {  	s14 =	sshll.u32 s0, $0xA;
	s2 =	sadd.s32 s3, s2  }
0x8d: {  	s2 =	sadd.s32 s2, s14  }
0x8e: {  	[smem:$0x3FB7] =	sst s2  }
0x8f: {  	_ = 	snop  }
0x90: {  	s2 =	sld [smem:$0x3FD0];
	_ =	sdelay $0x2  }
0x91: {  	s15 =	simm.s32 $0xA;
	s4 =	simm.s32 $0x10  }
0x92: {  	[smem:s4], [sflag:s15] =	dma.local [hbm:s2], $0x1  }
0x93: {  	_ =	swait.eq [sflag:s15], $0x1  }
0x94: {  	[sflag:s15] =	ssyncset.done $0x0  }
0x95: {  	[sflag:s15] =	ssyncadd.s32 $0xFFFFFFFF  }
0x96: {  	s16 =	sld [smem:$0x10];
	(tm) =	ssettm $0x1  }
0x97: {  	s17 =	sld [smem:$0x3FFB];
	_ =	sdelay $0x3  }
0x98: {  	_ =	strace s17  }
0x99: {  	s3 =	sld [smem:$0x3FFC];
	_ =	sdelay $0x3  }
0x9a: {  	_ =	strace s3  }
0x9b: {  	s3 =	sld [smem:$0x3FFD];
	_ =	sdelay $0x3  }
0x9c: {  	_ =	strace s3  }
0x9d: {  	_ =	strace $0x8FFFFFFF  }
0x9e: {  	s18 =	sld [smem:$0x3FDB];
	_ =	sdelay $0x1  }
0x9f: {  	s19 =	simm.s32 $_scs_section_size  }
0xa0: {  	s5 =	simm.s32 $_size__tile_overlayer_lowered;
	s6 =	simm.s32 $_tile_overlayer_lowered  }
0xa1: {  	s22 =	simm.s32 $0x1BFF;
	s21 =	sshll.u32 s6, $0x1;
	s3 =	sadd.s32 s19, s18  }
0xa2: {  	s7 =	simm.s32 $0x0;
	s20 =	sshll.u32 s5, $0x1;
	s5 =	sadd.s32 s21, s3  }
0xa3: {  	[timem:s7], [sflag:s22] =	dma.local [hbm:s5], s20  }
0xa4: {  	_ =	swait.ge [sflag:s22], s20  }
0xa5: {  	s4 =	ssub.s32 $0x0, s20;
	[sflag:s22] =	ssyncset.done $0x0  }
0xa6: {  	[sflag:s22] =	ssyncadd.s32 s4;
	_ =	sdelay $0x1  }
0xa7: {  	s23 =	simm.s32 $0x1B8B  }
0xa8: {  	_ =	swait.ge [sflag:s23], $0x1  }
0xa9: {  	[sflag:s23] =	ssyncset.done $0x0  }
0xaa: {  	s25 =	simm.s32 $0x1B8E;
	s24 =	sld [smem:$0x3FFE];
	[sflag:s23] =	ssyncadd.s32 $0xFFFFFFFF  }
0xab: {  	s26 =	simm.s32 $execute0_lowered;
	[smem:$0x3FD2] =	sst s25  }
0xac: {  	s5 =	sshll.u32 s26, $0x1;
	_ =	strace $0x8000004F;
	[dreg:$0x1] =	wrdreg $0xFFFFFFFF  }
0xad: {  	s28 =	simm.s32 $_size_execute0_lowered;
	s3 =	sadd.s32 s3, s5;
	[dreg:$0x0] =	wrdreg $0x0  }
0xae: {  	s5 =	sshll.u32 s28, $0x1;
	[dreg:$0x2] =	wrdreg s3  }
0xaf: {  	[dreg:$0x3] =	wrdreg s5  }
0xb0: {  	[dreg:$0x4] =	wrdreg $0xC0  }
0xb1: {  	_ =	task [dreg:s7], $0x5FFFF  }
0xb2: {  	[dreg:$0x1] =	wrdreg $0xFFFFFFFF  }
0xb3: {  	[dreg:$0x0] =	wrdreg $0x60  }
0xb4: {  	[dreg:$0x2] =	wrdreg s24  }
0xb5: {  	[dreg:$0x3] =	wrdreg s16  }
0xb6: {  	[dreg:$0x4] =	wrdreg $0x9  }
0xb7: {  	_ =	task.clear_ibuf [dreg:s7], $0x5FFFF;
	_ =	strace $0x9000004F  }
0xb8: {  	s29 =	simm.s32 $0x9;
	_ =	strace $0x80000051  }
0xb9: {  	_ =	swait.ge [sflag:s29], $0x1  }
0xba: {  	[sflag:s29] =	ssyncadd.s32 $0xFFFFFFFF  }
0xbb: {  	_ =	strace $0x90000051  }
0xbc: {  	_ =	sfence  }
0xbd: {  	s30 =	sld [smem:$0x0];
	_ =	sdelay $0x2  }
0xbe: {  	s31 =	sshll.u32 s1, $0xD;
	s1 =	sshrl.u32 s1, $0x2  }
0xbf: {  	s3 =	sand.u32 $0x4000, s31;
	s1 =	sadd.s32 s1, s30  }
0xc0: {  	s0 =	sor.u32 s3, s0;
	s1 =	sshll.u32 s1, $0x11  }
0xc1: {  	s0 =	sor.u32 s1, s0  }
0xc2: {  	s0 =	sadd.s32 $0x8F2B, s0  }
0xc3: {  	[sflag:s0] =	ssyncadd.remote.s32 $0x1  }
0xc4: {  	_ =	sfence.sel $0xFFFF  }
0xc5: {  	[dreg:$0x0] =	wrdreg $0xFFFFFFFF;
	(pc) =	sbr.abs _section_cstart, $3  }
0xc6: {  	[dreg:$0x1] =	wrdreg $0xFFFFFFFF  }
0xc7: {  	_ =	task.clear_ibuf [dreg:s7], $0x2FFFF;
	_ =	strace $0x9FFFFFFF  }
0xc8: {  	(tm) =	ssettm $0x7FFFFFFF  }
0xc9: {  	_ =	shalt  }
tec
execute0_lowered:
.L_overlay_start_1:
0x0: {  	(tag) =	ssettag $0x1  }
0x1: {  	s5 =	rddreg [dreg:$0x0]  }
0x2: {  	s9 =	rddreg [dreg:$0x1]  }
0x3: {  	s0 =	rddreg [dreg:$0x2]  }
0x4: {  	s3 =	srdreg.scid;
	s1 =	stileid.u32;
	s2 =	simm.s32 $0x0  }
0x5: {  	s14 =	simm.s32 $0x4E00;
	s4 =	sand.u32 $0x1, s3;
	s31 =	sshll.u32 s1, $0x1  }
0x6: {  	s15 =	simm.s32 $0x0;
	[smem:$0x7FF] =	sst s2;
	s3 =	sor.u32 s4, s31  }
0x7: {  	s8 =	sadd.s32 $0x6000, s5;
	_ =	strace $0x80000050;
	s6 =	smul.u32 $0x4E0, s3  }
0x8: {  	s11 =	ssub.s32 $0x2, s4;
	s7 =	smul.u32 $0xA00, s3;
	s10 =	sshllo.u32 s3, $0x1  }
0x9: {  	s4 =	sadd.s32 $0x10200, s5;
	s3 =	sadd.s32 $0xFC00, s5;
	s12 =	smul.u32 $0x270, s10  }
0xa: {  	s13 =	sshrl.u32 s11, $0x1;
	s5 =	sadd.s32 $0x10800, s5;
	s10 =	smul.u32 $0x500, s10  }
0xb: {  	s11 =	ssub.s32 s11, s13;
	s13 =	simm.s32 $0x6180;
	s6 =	sadd.s32 s8, s6  }
0xc: {  	s7 =	sadd.s32 s9, s7;
	s8 =	sadd.s32 s8, s12;
	s9 =	sadd.s32 s9, s10  }
0xd: {  	s10 =	smax.u32 s11, $0x1;
	s11 =	simm.s32 $0x1;
	s12 =	simm.s32 $0x2700  }
.LBB2_1:
0xe: {  	[tilespmem:s2], [sflag:$0x1] =	stream.linear.gather [hbm4b:s3+s2], $0x2700, $0x38;
	[tilespmem:$0x8980] =	vst v63  }
0xf: {  	_ =	swait.ge [sflag:s11], $0x2700  }
0x10: {  	[sflag:s11] =	ssyncset.done $0x0  }
0x11: {  	[sflag:s11] =	ssyncadd.s32 $0xFFFFD900  }
0x12: {  	[tilespmem:s12], [sflag:$0x1] =	stream.linear.gather [hbm4b:s4+s2], $0x2700, $0x38;
	[tilespmem:$0x8980] =	vst v63  }
0x13: {  	_ =	swait.ge [sflag:s11], $0x2700  }
0x14: {  	[sflag:s11] =	ssyncset.done $0x0  }
0x15: {  	[sflag:s11] =	ssyncadd.s32 $0xFFFFD900  }
0x16: {  	[tilespmem:s13], [sflag:$0x1] =	stream.linear.gather [hbm4b:s5+s2], $0x2800, $0x38;
	[tilespmem:$0x8980] =	vst v63  }
0x17: {  	_ =	swait.ge [sflag:s11], $0x2800  }
0x18: {  	[sflag:s11] =	ssyncset.done $0x0  }
0x19: {  	[sflag:s11] =	ssyncadd.s32 $0xFFFFD800  }
0x1a: {  	[tilespmem:s14], [sflag:$0x1] =	stream.linear.gather [hbm4b:s6+s2], $0x1380, $0x38;
	[tilespmem:$0x8980] =	vst v63  }
0x1b: {  	_ =	swait.ge [sflag:s11], $0x1380  }
0x1c: {  	[sflag:s11] =	ssyncset.done $0x0  }
0x1d: {  	s17 =	simm.s32 $0x0;
	s16 =	simm.s32 $0x40;
	[sflag:s11] =	ssyncadd.s32 $0xFFFFEC80  }
.LBB2_2:
0x1e: {  	p0 =	sne.s32 s16, $0x9A80;
	v0 =	vld [tilespmem:s17+$0x2700];
	_ =	sdelay $0x5  }
0x1f: {  	v1 =	vld [tilespmem:s17+$0x0];
	_ =	sdelay $0x1  }
0x20: {  	v0 =	vld.idx.msk [tilespmem:v0+s14+$0x0], $0xffff;
	_ =	sdelay $0x1  }
.Ltmp0:
0x21: {  	(pc) =	sbr.rel @p0 .LBB2_2-.Ltmp0, $2  }
0x22: {  	_ =	sdelay $0x2  }
0x23: {  	s17 =	sshra.s32 s16, $0x2;
	s16 =	sadd.s32 $0x40, s16;
	[tilespmem:v1+s13+$0x0] =	vst.idx.msk $0xffff, v0  }
0x24: {  	v0 =	vld [tilespmem:s17+$0x2700];
	_ =	sdelay $0x4  }
0x25: {  	v1 =	vld [tilespmem:s17+$0x0];
	_ =	sdelay $0x2  }
0x26: {  	v0 =	vld.idx.msk [tilespmem:v0+s14+$0x0], $0xffff;
	_ =	sdelay $0x4  }
0x27: {  	s16 =	simm.s32 $0x0;
	[tilespmem:v1+s13+$0x0] =	vst.idx.msk $0xffff, v0  }
0x28: {  	[hbm4b:s7+s16] =	stream.linear.scatter [tilespmem:s13], [sflag:$0x1], $0x2800, $0x38;
	[tilespmem:$0x8980] =	vst v63  }
0x29: {  	_ =	swait.ge [sflag:s11], $0x2800  }
0x2a: {  	[sflag:s11] =	ssyncset.done $0x0  }
0x2b: {  	[sflag:s11] =	ssyncadd.s32 $0xFFFFD800  }
0x2c: {  	[tilespmem:s13], [sflag:$0x1] =	stream.linear.gather [hbm4b:s5+s16], $0x2800, $0x38;
	[tilespmem:$0x8980] =	vst v63  }
0x2d: {  	_ =	swait.ge [sflag:s11], $0x2800  }
0x2e: {  	[sflag:s11] =	ssyncset.done $0x0  }
0x2f: {  	[sflag:s11] =	ssyncadd.s32 $0xFFFFD800  }
0x30: {  	[tilespmem:s14], [sflag:$0x1] =	stream.linear.gather [hbm4b:s8+s16], $0x1380, $0x38;
	[tilespmem:$0x8980] =	vst v63  }
0x31: {  	_ =	swait.ge [sflag:s11], $0x1380  }
0x32: {  	[sflag:s11] =	ssyncset.done $0x0  }
0x33: {  	s17 =	simm.s32 $0x0;
	s16 =	simm.s32 $0x40;
	[sflag:s11] =	ssyncadd.s32 $0xFFFFEC80  }
.LBB2_4:
0x34: {  	p0 =	sne.s32 s16, $0x9A80;
	v0 =	vld [tilespmem:s17+$0x2700];
	_ =	sdelay $0x5  }
0x35: {  	v1 =	vld [tilespmem:s17+$0x0];
	_ =	sdelay $0x1  }
0x36: {  	v0 =	vld.idx.msk [tilespmem:v0+s14+$0x0], $0xffff;
	_ =	sdelay $0x1  }
.Ltmp1:
0x37: {  	(pc) =	sbr.rel @p0 .LBB2_4-.Ltmp1, $2  }
0x38: {  	_ =	sdelay $0x2  }
0x39: {  	s17 =	sshra.s32 s16, $0x2;
	s16 =	sadd.s32 $0x40, s16;
	[tilespmem:v1+s13+$0x0] =	vst.idx.msk $0xffff, v0  }
0x3a: {  	v0 =	vld [tilespmem:s17+$0x2700];
	_ =	sdelay $0x4  }
0x3b: {  	v1 =	vld [tilespmem:s17+$0x0];
	_ =	sdelay $0x2  }
0x3c: {  	v0 =	vld.idx.msk [tilespmem:v0+s14+$0x0], $0xffff;
	_ =	sdelay $0x2  }
0x3d: {  	s15 =	sadd.s32 $0x1, s15  }
0x3e: {  	p0 =	sne.s32 s15, s10  }
.Ltmp2:
0x3f: {  	[tilespmem:v1+s13+$0x0] =	vst.idx.msk $0xffff, v0;
	(pc) =	sbr.rel @p0 .LBB2_1-.Ltmp2, $4  }
0x40: {  	[hbm4b:s9+s2] =	stream.linear.scatter [tilespmem:s13], [sflag:$0x1], $0x2800, $0x38;
	[tilespmem:$0x8980] =	vst v63  }
0x41: {  	_ =	swait.ge [sflag:s11], $0x2800  }
0x42: {  	[sflag:s11] =	ssyncset.done $0x0  }
0x43: {  	[sflag:s11] =	ssyncadd.s32 $0xFFFFD800  }
0x44: {  	_ =	sfence.sel $0x180000  }
0x45: {  	[bflag:$0x0] =	sbarrier.arrive $0xFFFF  }
0x46: {  	p0 =	sne.s32 s1, $0x0;
	_ =	strace $0x90000050  }
0x47: {  	s0 =	sadd.s32 @!p0 $0x100000, s0;
	[bflag:$0x2] =	sbarrier.arrive $0xFFFF  }
0x48: {  	[sflag:s0] =	ssyncadd.tile.s32 @!p0 $0x1;
	_ =	shalt  }
.Lfunc_end2:
_tile_overlayer_lowered:
.L_overlay_start_2:
0x49: {  	(tag) =	ssettag $0x2  }
0x4a: {  	s0 =	rddreg [dreg:$0x0];
	s2 =	stileid.u32  }
0x4b: {  	s1 =	rddreg [dreg:$0x1];
	p0 =	sne.s32 s2, $0x0  }
0x4c: {  	s3 =	rddreg [dreg:$0x2];
	[bflag:$0x3] =	sbarrier.arrive $0xFFFF;
	s2 =	simm.s32 @!p0 $0x1C01  }
0x4d: {  	[timem:s3], [sflag:s2] =	dma.local @!p0 [hbm:s0], s1  }
0x4e: {  	s0 =	simm.s32 @!p0 $0x1  }
0x4f: {  	_ =	swait.ge @!p0 [sflag:s0], s1  }
0x50: {  	s1 =	ssub.s32 @!p0 $0x0, s1;
	[sflag:s0] =	ssyncset.done @!p0 $0x0  }
0x51: {  	[sflag:s0] =	ssyncadd.s32 @!p0 s1  }
0x52: {  	[bflag:$0x3] =	sbarrier.arrive $0xFFFF  }
0x53: {  	_ =	shalt  }

</sc_bundles>
